<compile_context>
chip_gen: v7x
topology: tpu7x:2x2x1
jax: 0.10.2.dev20260603
libtpu: 0.0.44.dev20260713+nightly
codegen_flags: <defaults>
</compile_context>

<pallas_src>
import functools

import jax
import jax.numpy as jnp
from jax import lax
from jax.experimental import pallas as pl
from jax.experimental.pallas import tpu as pltpu
from jax.experimental.pallas import tpu_sc as plsc

DIM = 16
L = 16
NC, NS = 2, 16
NW = NC * NS
GRP = 16


def _sc_scores(u, i, j, W, H):
    B = u.shape[0]
    bpw = B // NW

    u2 = u.reshape(NW, bpw)
    i2 = i.reshape(NW, bpw)
    j2 = j.reshape(NW, bpw)
    WT = jnp.transpose(W)
    HT = jnp.transpose(H)

    mesh = plsc.VectorSubcoreMesh(
        core_axis_name="c", subcore_axis_name="s",
        num_cores=NC, num_subcores=NS)

    @functools.partial(
        pl.kernel,
        out_type=jax.ShapeDtypeStruct((NW, bpw), jnp.float32),
        mesh=mesh,
        scratch_types=[
            pltpu.VMEM((bpw,), jnp.int32),
            pltpu.VMEM((bpw,), jnp.int32),
            pltpu.VMEM((bpw,), jnp.int32),
            pltpu.VMEM((GRP * DIM, 128), jnp.float32),
            pltpu.VMEM((GRP * DIM, 128), jnp.float32),
            pltpu.VMEM((GRP * DIM, 128), jnp.float32),
            pltpu.VMEM((bpw,), jnp.float32),
            pltpu.SemaphoreType.DMA,
        ],
        compiler_params=pltpu.CompilerParams(
            use_tc_tiling_on_sc=True, needs_layout_passes=False),
    )
    def sc(u_hbm, i_hbm, j_hbm, wt_hbm, ht_hbm, out_hbm,
           u_v, i_v, j_v, ws_v, his_v, hjs_v, x_v, sem):
        wid = lax.axis_index("s") * NC + lax.axis_index("c")
        pltpu.sync_copy(u_hbm.at[wid], u_v)
        pltpu.sync_copy(i_hbm.at[wid], i_v)
        pltpu.sync_copy(j_hbm.at[wid], j_v)

        lane = lax.iota(jnp.int32, L)

        def fetch(g, carry):
            sl = pl.ds(g * GRP, GRP)
            uvec = u_v[sl]
            ivec = i_v[sl]
            jvec = j_v[sl]
            ub = (uvec >> 7) * 128
            ib = (ivec >> 7) * 128
            jb = (jvec >> 7) * 128
            copies = []
            for t in range(GRP):
                dst = pl.ds(t * DIM, DIM)
                ru = pl.multiple_of(ub[t], 128)
                ri = pl.multiple_of(ib[t], 128)
                rj = pl.multiple_of(jb[t], 128)
                copies.append(pltpu.async_copy(
                    wt_hbm.at[:, pl.ds(ru, 128)], ws_v.at[dst], sem))
                copies.append(pltpu.async_copy(
                    ht_hbm.at[:, pl.ds(ri, 128)], his_v.at[dst], sem))
                copies.append(pltpu.async_copy(
                    ht_hbm.at[:, pl.ds(rj, 128)], hjs_v.at[dst], sem))
            for cp in copies:
                cp.wait()

            cu = uvec & 127
            ci = ivec & 127
            cj = jvec & 127
            rowbase = lane * DIM
            acc = jnp.zeros((L,), jnp.float32)
            for d in range(DIM):
                rf = rowbase + d
                wu = plsc.load_gather(ws_v, [rf, cu])
                hi = plsc.load_gather(his_v, [rf, ci])
                hj = plsc.load_gather(hjs_v, [rf, cj])
                acc = acc + wu * (hi - hj)
            x_v[sl] = acc
            return carry

        lax.fori_loop(0, bpw // GRP, fetch, 0)
        pltpu.sync_copy(x_v, out_hbm.at[wid])

    return sc(u2, i2, j2, WT, HT).reshape(B)


def _tc_loss(x):
    B = x.shape[0]
    xm = x.reshape(B // 128, 128)

    def body(x_ref, o_ref):
        t = -x_ref[...]
        sp = jnp.maximum(t, 0.0) + jnp.log1p(jnp.exp(-jnp.abs(t)))
        o_ref[0, 0] = jnp.sum(sp) * (1.0 / B)

    out = pl.pallas_call(
        body,
        out_shape=jax.ShapeDtypeStruct((1, 1), jnp.float32),
        out_specs=pl.BlockSpec(memory_space=pltpu.SMEM),
    )(xm)
    return out[0, 0]


def kernel(u, i, j, W, H):
    x = _sc_scores(u, i, j, W, H)
    return _tc_loss(x)

# --- scband reference (transcript-rebuilt; emitter-appended) ---
"""Pipeline reference for scband-bpr-12704513261744 (READ-ONLY COPY).

The authoritative reference and input builder live on the scoring server;
editing this copy changes nothing except your own understanding.
"""

import jax, jax.numpy as jnp
import numpy as np

USER_SIZE = 1000000
ITEM_SIZE = 1000000
DIM = 16
BATCH = 16384

def setup_inputs(seed: int = 0) -> dict:
    key = jax.random.key(seed)
    k1, k2, k3, k4, k5 = jax.random.split(key, 5)
    u = jax.random.randint(k1, (BATCH,), 0, USER_SIZE, dtype=jnp.int64 if jax.config.jax_enable_x64 else jnp.int32).astype(jnp.int32)
    i = jax.random.randint(k2, (BATCH,), 0, ITEM_SIZE).astype(jnp.int32)
    j = jax.random.randint(k3, (BATCH,), 0, ITEM_SIZE).astype(jnp.int32)
    # torch.rand -> uniform [0, 1)
    W = jax.random.uniform(k4, (USER_SIZE, DIM), dtype=jnp.float32)
    H = jax.random.uniform(k5, (ITEM_SIZE, DIM), dtype=jnp.float32)
    return {"u": u, "i": i, "j": j, "W": W, "H": H}

def reference(u, i, j, W, H):
    Wu = jnp.take(W, u, axis=0)          # [B, dim] gather
    Hi = jnp.take(H, i, axis=0)          # [B, dim] gather
    Hj = jnp.take(H, j, axis=0)          # [B, dim] gather
    x_ui = jnp.sum(Wu * Hi, axis=1)      # [B]
    x_uj = jnp.sum(Wu * Hj, axis=1)      # [B]
    x_uij = x_ui - x_uj
    log_prob = jnp.mean(jnp.log(jax.nn.sigmoid(x_uij)))
    return -log_prob

if __name__ == "__main__":
    import jax
    _d = setup_inputs()
    print(jax.jit(kernel)(*tuple(_d.values())))

</pallas_src>

<mosaic_0001>
#map = affine_map<(d0, d1) -> (0, 0)>
module attributes {stable_mosaic.version = 14 : i64} {
  func.func @sc(%arg0: i32, %arg1: i32, %arg2: memref<32x512xi32, #tpu.memory_space<hbm>>, %arg3: memref<32x512xi32, #tpu.memory_space<hbm>>, %arg4: memref<32x512xi32, #tpu.memory_space<hbm>>, %arg5: memref<16x1000000xf32, #tpu.memory_space<hbm>>, %arg6: memref<16x1000000xf32, #tpu.memory_space<hbm>>, %arg7: memref<32x512xf32, #tpu.memory_space<hbm>>, %arg8: memref<512xi32, #tpu.memory_space<vmem>>, %arg9: memref<512xi32, #tpu.memory_space<vmem>>, %arg10: memref<512xi32, #tpu.memory_space<vmem>>, %arg11: memref<256x128xf32, #tpu.memory_space<vmem>>, %arg12: memref<256x128xf32, #tpu.memory_space<vmem>>, %arg13: memref<256x128xf32, #tpu.memory_space<vmem>>, %arg14: memref<512xf32, #tpu.memory_space<vmem>>, %arg15: memref<!tpu.dma_semaphore, #tpu.memory_space<semaphore_mem>>) attributes {dimension_semantics = [#tpu.dimension_semantics<core_parallel>, #tpu.dimension_semantics<subcore_parallel>], iteration_bounds = array<i64: 2, 16>, scalar_prefetch = 0 : i64, scratch_operands = 8 : i64, tpu.core_type = #tpu.core_type<sc_vector_subcore>, window_params = [{transform_indices = #map}, {transform_indices = #map}, {transform_indices = #map}, {transform_indices = #map}, {transform_indices = #map}, {transform_indices = #map}]} {
    %mul3A = arith.constant 2 : i32
    %mul3A_0 = arith.muli %arg1, %mul3A : i32
    %add3A = arith.addi %mul3A_0, %arg0 : i32
    "tpu.region"() ({
      %run_scoped3A = tpu.sem_alloc : memref<!tpu.dma_semaphore, #tpu.memory_space<semaphore_mem>>
      %dma_start3A = arith.constant 0 : i32
      %dma_start3A_6 = tpu.memref_slice %arg2[%add3A, %dma_start3A] : memref<32x512xi32, #tpu.memory_space<hbm>> -> memref<1x512xi32, #tpu.memory_space<hbm>>
      %dma_start3A_7 = tpu.memref_squeeze %dma_start3A_6 : memref<1x512xi32, #tpu.memory_space<hbm>> -> memref<512xi32, #tpu.memory_space<hbm>>
      %dma_start3A_8 = arith.constant 0 : i32
      %dma_start3A_9 = tpu.memref_slice %arg2[%add3A, %dma_start3A_8] : memref<32x512xi32, #tpu.memory_space<hbm>> -> memref<1x512xi32, #tpu.memory_space<hbm>>
      %dma_start3A_10 = tpu.memref_squeeze %dma_start3A_9 : memref<1x512xi32, #tpu.memory_space<hbm>> -> memref<512xi32, #tpu.memory_space<hbm>>
      tpu.enqueue_dma source(%dma_start3A_10 : memref<512xi32, #tpu.memory_space<hbm>>) target(%arg8 : memref<512xi32, #tpu.memory_space<vmem>>) target_semaphore(%run_scoped3A : memref<!tpu.dma_semaphore, #tpu.memory_space<semaphore_mem>>)
      %dma_wait3A = arith.constant 0 : i32
      %dma_wait3A_11 = tpu.memref_slice %arg2[%add3A, %dma_wait3A] : memref<32x512xi32, #tpu.memory_space<hbm>> -> memref<1x512xi32, #tpu.memory_space<hbm>>
      %dma_wait3A_12 = tpu.memref_squeeze %dma_wait3A_11 : memref<1x512xi32, #tpu.memory_space<hbm>> -> memref<512xi32, #tpu.memory_space<hbm>>
      %dma_wait3A_13 = arith.constant 0 : i32
      %dma_wait3A_14 = tpu.memref_slice %arg2[%add3A, %dma_wait3A_13] : memref<32x512xi32, #tpu.memory_space<hbm>> -> memref<1x512xi32, #tpu.memory_space<hbm>>
      %dma_wait3A_15 = tpu.memref_squeeze %dma_wait3A_14 : memref<1x512xi32, #tpu.memory_space<hbm>> -> memref<512xi32, #tpu.memory_space<hbm>>
      tpu.wait_dma2 semaphore(%run_scoped3A : memref<!tpu.dma_semaphore, #tpu.memory_space<semaphore_mem>>) src(%dma_wait3A_15 : memref<512xi32, #tpu.memory_space<hbm>>) dst(%arg8 : memref<512xi32, #tpu.memory_space<vmem>>)
      tpu.yield
    }) : () -> ()
    "tpu.region"() ({
      %run_scoped3A = tpu.sem_alloc : memref<!tpu.dma_semaphore, #tpu.memory_space<semaphore_mem>>
      %dma_start3A = arith.constant 0 : i32
      %dma_start3A_6 = tpu.memref_slice %arg3[%add3A, %dma_start3A] : memref<32x512xi32, #tpu.memory_space<hbm>> -> memref<1x512xi32, #tpu.memory_space<hbm>>
      %dma_start3A_7 = tpu.memref_squeeze %dma_start3A_6 : memref<1x512xi32, #tpu.memory_space<hbm>> -> memref<512xi32, #tpu.memory_space<hbm>>
      %dma_start3A_8 = arith.constant 0 : i32
      %dma_start3A_9 = tpu.memref_slice %arg3[%add3A, %dma_start3A_8] : memref<32x512xi32, #tpu.memory_space<hbm>> -> memref<1x512xi32, #tpu.memory_space<hbm>>
      %dma_start3A_10 = tpu.memref_squeeze %dma_start3A_9 : memref<1x512xi32, #tpu.memory_space<hbm>> -> memref<512xi32, #tpu.memory_space<hbm>>
      tpu.enqueue_dma source(%dma_start3A_10 : memref<512xi32, #tpu.memory_space<hbm>>) target(%arg9 : memref<512xi32, #tpu.memory_space<vmem>>) target_semaphore(%run_scoped3A : memref<!tpu.dma_semaphore, #tpu.memory_space<semaphore_mem>>)
      %dma_wait3A = arith.constant 0 : i32
      %dma_wait3A_11 = tpu.memref_slice %arg3[%add3A, %dma_wait3A] : memref<32x512xi32, #tpu.memory_space<hbm>> -> memref<1x512xi32, #tpu.memory_space<hbm>>
      %dma_wait3A_12 = tpu.memref_squeeze %dma_wait3A_11 : memref<1x512xi32, #tpu.memory_space<hbm>> -> memref<512xi32, #tpu.memory_space<hbm>>
      %dma_wait3A_13 = arith.constant 0 : i32
      %dma_wait3A_14 = tpu.memref_slice %arg3[%add3A, %dma_wait3A_13] : memref<32x512xi32, #tpu.memory_space<hbm>> -> memref<1x512xi32, #tpu.memory_space<hbm>>
      %dma_wait3A_15 = tpu.memref_squeeze %dma_wait3A_14 : memref<1x512xi32, #tpu.memory_space<hbm>> -> memref<512xi32, #tpu.memory_space<hbm>>
      tpu.wait_dma2 semaphore(%run_scoped3A : memref<!tpu.dma_semaphore, #tpu.memory_space<semaphore_mem>>) src(%dma_wait3A_15 : memref<512xi32, #tpu.memory_space<hbm>>) dst(%arg9 : memref<512xi32, #tpu.memory_space<vmem>>)
      tpu.yield
    }) : () -> ()
    "tpu.region"() ({
      %run_scoped3A = tpu.sem_alloc : memref<!tpu.dma_semaphore, #tpu.memory_space<semaphore_mem>>
      %dma_start3A = arith.constant 0 : i32
      %dma_start3A_6 = tpu.memref_slice %arg4[%add3A, %dma_start3A] : memref<32x512xi32, #tpu.memory_space<hbm>> -> memref<1x512xi32, #tpu.memory_space<hbm>>
      %dma_start3A_7 = tpu.memref_squeeze %dma_start3A_6 : memref<1x512xi32, #tpu.memory_space<hbm>> -> memref<512xi32, #tpu.memory_space<hbm>>
      %dma_start3A_8 = arith.constant 0 : i32
      %dma_start3A_9 = tpu.memref_slice %arg4[%add3A, %dma_start3A_8] : memref<32x512xi32, #tpu.memory_space<hbm>> -> memref<1x512xi32, #tpu.memory_space<hbm>>
      %dma_start3A_10 = tpu.memref_squeeze %dma_start3A_9 : memref<1x512xi32, #tpu.memory_space<hbm>> -> memref<512xi32, #tpu.memory_space<hbm>>
      tpu.enqueue_dma source(%dma_start3A_10 : memref<512xi32, #tpu.memory_space<hbm>>) target(%arg10 : memref<512xi32, #tpu.memory_space<vmem>>) target_semaphore(%run_scoped3A : memref<!tpu.dma_semaphore, #tpu.memory_space<semaphore_mem>>)
      %dma_wait3A = arith.constant 0 : i32
      %dma_wait3A_11 = tpu.memref_slice %arg4[%add3A, %dma_wait3A] : memref<32x512xi32, #tpu.memory_space<hbm>> -> memref<1x512xi32, #tpu.memory_space<hbm>>
      %dma_wait3A_12 = tpu.memref_squeeze %dma_wait3A_11 : memref<1x512xi32, #tpu.memory_space<hbm>> -> memref<512xi32, #tpu.memory_space<hbm>>
      %dma_wait3A_13 = arith.constant 0 : i32
      %dma_wait3A_14 = tpu.memref_slice %arg4[%add3A, %dma_wait3A_13] : memref<32x512xi32, #tpu.memory_space<hbm>> -> memref<1x512xi32, #tpu.memory_space<hbm>>
      %dma_wait3A_15 = tpu.memref_squeeze %dma_wait3A_14 : memref<1x512xi32, #tpu.memory_space<hbm>> -> memref<512xi32, #tpu.memory_space<hbm>>
      tpu.wait_dma2 semaphore(%run_scoped3A : memref<!tpu.dma_semaphore, #tpu.memory_space<semaphore_mem>>) src(%dma_wait3A_15 : memref<512xi32, #tpu.memory_space<hbm>>) dst(%arg10 : memref<512xi32, #tpu.memory_space<vmem>>)
      tpu.yield
    }) : () -> ()
    %iota3A = tpu.iota {dimensions = array<i32: 0>} : vector<16xi32>
    %scan3A = arith.constant 0 : i32
    %scan3A_1 = arith.constant 0 : i32
    %scan3A_2 = arith.constant 32 : i32
    %scan3A_3 = arith.addi %scan3A_1, %scan3A_2 : i32
    %scan3A_4 = arith.constant 1 : i32
    scf.for %scan3A_6 = %scan3A_1 to %scan3A_3 step %scan3A_4  : i32 {
      %mul3A_7 = arith.constant 16 : i32
      %mul3A_8 = arith.muli %scan3A_6, %mul3A_7 : i32
      %get3A = arith.index_cast %mul3A_8 : i32 to index
      %get3A_9 = tpu.vector_load %arg8[%get3A] {strides = array<i32>} : memref<512xi32, #tpu.memory_space<vmem>>, vector<16xi32>,
      %get3A_10 = arith.index_cast %mul3A_8 : i32 to index
      %get3A_11 = tpu.vector_load %arg9[%get3A_10] {strides = array<i32>} : memref<512xi32, #tpu.memory_space<vmem>>, vector<16xi32>,
      %get3A_12 = arith.index_cast %mul3A_8 : i32 to index
      %get3A_13 = tpu.vector_load %arg10[%get3A_12] {strides = array<i32>} : memref<512xi32, #tpu.memory_space<vmem>>, vector<16xi32>,
      %shift_right_arithmetic3A = arith.constant 7 : i32
      %shift_right_arithmetic3A_14 = vector.broadcast %shift_right_arithmetic3A : i32 to vector<16xi32>
      %shift_right_arithmetic3A_15 = arith.shrsi %get3A_9, %shift_right_arithmetic3A_14 : vector<16xi32>
      %mul3A_16 = arith.constant 128 : i32
      %mul3A_17 = vector.broadcast %mul3A_16 : i32 to vector<16xi32>
      %mul3A_18 = arith.muli %shift_right_arithmetic3A_15, %mul3A_17 : vector<16xi32>
      %shift_right_arithmetic3A_19 = arith.constant 7 : i32
      %shift_right_arithmetic3A_20 = vector.broadcast %shift_right_arithmetic3A_19 : i32 to vector<16xi32>
      %shift_right_arithmetic3A_21 = arith.shrsi %get3A_11, %shift_right_arithmetic3A_20 : vector<16xi32>
      %mul3A_22 = arith.constant 128 : i32
      %mul3A_23 = vector.broadcast %mul3A_22 : i32 to vector<16xi32>
      %mul3A_24 = arith.muli %shift_right_arithmetic3A_21, %mul3A_23 : vector<16xi32>
      %shift_right_arithmetic3A_25 = arith.constant 7 : i32
      %shift_right_arithmetic3A_26 = vector.broadcast %shift_right_arithmetic3A_25 : i32 to vector<16xi32>
      %shift_right_arithmetic3A_27 = arith.shrsi %get3A_13, %shift_right_arithmetic3A_26 : vector<16xi32>
      %mul3A_28 = arith.constant 128 : i32
      %mul3A_29 = vector.broadcast %mul3A_28 : i32 to vector<16xi32>
      %mul3A_30 = arith.muli %shift_right_arithmetic3A_27, %mul3A_29 : vector<16xi32>
      %slice3A = vector.extract_strided_slice %mul3A_18 {offsets = [0], sizes = [1], strides = [1]} : vector<16xi32> to vector<1xi32>
      %squeeze3A = vector.extract %slice3A[0] : i32 from vector<1xi32>
      %multiple_of3A = tpu.assume_multiple %squeeze3A, 128 : i32
      %slice3A_31 = vector.extract_strided_slice %mul3A_24 {offsets = [0], sizes = [1], strides = [1]} : vector<16xi32> to vector<1xi32>
      %squeeze3A_32 = vector.extract %slice3A_31[0] : i32 from vector<1xi32>
      %multiple_of3A_33 = tpu.assume_multiple %squeeze3A_32, 128 : i32
      %slice3A_34 = vector.extract_strided_slice %mul3A_30 {offsets = [0], sizes = [1], strides = [1]} : vector<16xi32> to vector<1xi32>
      %squeeze3A_35 = vector.extract %slice3A_34[0] : i32 from vector<1xi32>
      %multiple_of3A_36 = tpu.assume_multiple %squeeze3A_35, 128 : i32
      %dma_start3A = arith.constant 0 : i32
      %dma_start3A_37 = arith.constant 0 : i32
      %dma_start3A_38 = tpu.memref_slice %arg11[%dma_start3A, %dma_start3A_37] : memref<256x128xf32, #tpu.memory_space<vmem>> -> memref<16x128xf32, #tpu.memory_space<vmem>>
      %dma_start3A_39 = arith.constant 0 : i32
      %dma_start3A_40 = tpu.memref_slice %arg5[%dma_start3A_39, %multiple_of3A] : memref<16x1000000xf32, #tpu.memory_space<hbm>> -> memref<16x128xf32, #tpu.memory_space<hbm>>
      %dma_start3A_41 = arith.constant 0 : i32
      %dma_start3A_42 = arith.constant 0 : i32
      %dma_start3A_43 = tpu.memref_slice %arg11[%dma_start3A_41, %dma_start3A_42] : memref<256x128xf32, #tpu.memory_space<vmem>> -> memref<16x128xf32, #tpu.memory_space<vmem>>
      %dma_start3A_44 = arith.constant 0 : i32
      %dma_start3A_45 = tpu.memref_slice %arg5[%dma_start3A_44, %multiple_of3A] : memref<16x1000000xf32, #tpu.memory_space<hbm>> -> memref<16x128xf32, #tpu.memory_space<hbm>>
      tpu.enqueue_dma source(%dma_start3A_45 : memref<16x128xf32, #tpu.memory_space<hbm>>) target(%dma_start3A_43 : memref<16x128xf32, #tpu.memory_space<vmem>>) target_semaphore(%arg15 : memref<!tpu.dma_semaphore, #tpu.memory_space<semaphore_mem>>)
      %dma_start3A_46 = arith.constant 0 : i32
      %dma_start3A_47 = arith.constant 0 : i32
      %dma_start3A_48 = tpu.memref_slice %arg12[%dma_start3A_46, %dma_start3A_47] : memref<256x128xf32, #tpu.memory_space<vmem>> -> memref<16x128xf32, #tpu.memory_space<vmem>>
      %dma_start3A_49 = arith.constant 0 : i32
      %dma_start3A_50 = tpu.memref_slice %arg6[%dma_start3A_49, %multiple_of3A_33] : memref<16x1000000xf32, #tpu.memory_space<hbm>> -> memref<16x128xf32, #tpu.memory_space<hbm>>
      %dma_start3A_51 = arith.constant 0 : i32
      %dma_start3A_52 = arith.constant 0 : i32
      %dma_start3A_53 = tpu.memref_slice %arg12[%dma_start3A_51, %dma_start3A_52] : memref<256x128xf32, #tpu.memory_space<vmem>> -> memref<16x128xf32, #tpu.memory_space<vmem>>
      %dma_start3A_54 = arith.constant 0 : i32
      %dma_start3A_55 = tpu.memref_slice %arg6[%dma_start3A_54, %multiple_of3A_33] : memref<16x1000000xf32, #tpu.memory_space<hbm>> -> memref<16x128xf32, #tpu.memory_space<hbm>>
      tpu.enqueue_dma source(%dma_start3A_55 : memref<16x128xf32, #tpu.memory_space<hbm>>) target(%dma_start3A_53 : memref<16x128xf32, #tpu.memory_space<vmem>>) target_semaphore(%arg15 : memref<!tpu.dma_semaphore, #tpu.memory_space<semaphore_mem>>)
      %dma_start3A_56 = arith.constant 0 : i32
      %dma_start3A_57 = arith.constant 0 : i32
      %dma_start3A_58 = tpu.memref_slice %arg13[%dma_start3A_56, %dma_start3A_57] : memref<256x128xf32, #tpu.memory_space<vmem>> -> memref<16x128xf32, #tpu.memory_space<vmem>>
      %dma_start3A_59 = arith.constant 0 : i32
      %dma_start3A_60 = tpu.memref_slice %arg6[%dma_start3A_59, %multiple_of3A_36] : memref<16x1000000xf32, #tpu.memory_space<hbm>> -> memref<16x128xf32, #tpu.memory_space<hbm>>
      %dma_start3A_61 = arith.constant 0 : i32
      %dma_start3A_62 = arith.constant 0 : i32
      %dma_start3A_63 = tpu.memref_slice %arg13[%dma_start3A_61, %dma_start3A_62] : memref<256x128xf32, #tpu.memory_space<vmem>> -> memref<16x128xf32, #tpu.memory_space<vmem>>
      %dma_start3A_64 = arith.constant 0 : i32
      %dma_start3A_65 = tpu.memref_slice %arg6[%dma_start3A_64, %multiple_of3A_36] : memref<16x1000000xf32, #tpu.memory_space<hbm>> -> memref<16x128xf32, #tpu.memory_space<hbm>>
      tpu.enqueue_dma source(%dma_start3A_65 : memref<16x128xf32, #tpu.memory_space<hbm>>) target(%dma_start3A_63 : memref<16x128xf32, #tpu.memory_space<vmem>>) target_semaphore(%arg15 : memref<!tpu.dma_semaphore, #tpu.memory_space<semaphore_mem>>)
      %slice3A_66 = vector.extract_strided_slice %mul3A_18 {offsets = [1], sizes = [1], strides = [1]} : vector<16xi32> to vector<1xi32>
      %squeeze3A_67 = vector.extract %slice3A_66[0] : i32 from vector<1xi32>
      %multiple_of3A_68 = tpu.assume_multiple %squeeze3A_67, 128 : i32
      %slice3A_69 = vector.extract_strided_slice %mul3A_24 {offsets = [1], sizes = [1], strides = [1]} : vector<16xi32> to vector<1xi32>
      %squeeze3A_70 = vector.extract %slice3A_69[0] : i32 from vector<1xi32>
      %multiple_of3A_71 = tpu.assume_multiple %squeeze3A_70, 128 : i32
      %slice3A_72 = vector.extract_strided_slice %mul3A_30 {offsets = [1], sizes = [1], strides = [1]} : vector<16xi32> to vector<1xi32>
      %squeeze3A_73 = vector.extract %slice3A_72[0] : i32 from vector<1xi32>
      %multiple_of3A_74 = tpu.assume_multiple %squeeze3A_73, 128 : i32
      %dma_start3A_75 = arith.constant 16 : i32
      %dma_start3A_76 = arith.constant 0 : i32
      %dma_start3A_77 = tpu.memref_slice %arg11[%dma_start3A_75, %dma_start3A_76] : memref<256x128xf32, #tpu.memory_space<vmem>> -> memref<16x128xf32, #tpu.memory_space<vmem>>
      %dma_start3A_78 = arith.constant 0 : i32
      %dma_start3A_79 = tpu.memref_slice %arg5[%dma_start3A_78, %multiple_of3A_68] : memref<16x1000000xf32, #tpu.memory_space<hbm>> -> memref<16x128xf32, #tpu.memory_space<hbm>>
      %dma_start3A_80 = arith.constant 16 : i32
      %dma_start3A_81 = arith.constant 0 : i32
      %dma_start3A_82 = tpu.memref_slice %arg11[%dma_start3A_80, %dma_start3A_81] : memref<256x128xf32, #tpu.memory_space<vmem>> -> memref<16x128xf32, #tpu.memory_space<vmem>>
      %dma_start3A_83 = arith.constant 0 : i32
      %dma_start3A_84 = tpu.memref_slice %arg5[%dma_start3A_83, %multiple_of3A_68] : memref<16x1000000xf32, #tpu.memory_space<hbm>> -> memref<16x128xf32, #tpu.memory_space<hbm>>
      tpu.enqueue_dma source(%dma_start3A_84 : memref<16x128xf32, #tpu.memory_space<hbm>>) target(%dma_start3A_82 : memref<16x128xf32, #tpu.memory_space<vmem>>) target_semaphore(%arg15 : memref<!tpu.dma_semaphore, #tpu.memory_space<semaphore_mem>>)
      %dma_start3A_85 = arith.constant 16 : i32
      %dma_start3A_86 = arith.constant 0 : i32
      %dma_start3A_87 = tpu.memref_slice %arg12[%dma_start3A_85, %dma_start3A_86] : memref<256x128xf32, #tpu.memory_space<vmem>> -> memref<16x128xf32, #tpu.memory_space<vmem>>
      %dma_start3A_88 = arith.constant 0 : i32
      %dma_start3A_89 = tpu.memref_slice %arg6[%dma_start3A_88, %multiple_of3A_71] : memref<16x1000000xf32, #tpu.memory_space<hbm>> -> memref<16x128xf32, #tpu.memory_space<hbm>>
      %dma_start3A_90 = arith.constant 16 : i32
      %dma_start3A_91 = arith.constant 0 : i32
      %dma_start3A_92 = tpu.memref_slice %arg12[%dma_start3A_90, %dma_start3A_91] : memref<256x128xf32, #tpu.memory_space<vmem>> -> memref<16x128xf32, #tpu.memory_space<vmem>>
      %dma_start3A_93 = arith.constant 0 : i32
      %dma_start3A_94 = tpu.memref_slice %arg6[%dma_start3A_93, %multiple_of3A_71] : memref<16x1000000xf32, #tpu.memory_space<hbm>> -> memref<16x128xf32, #tpu.memory_space<hbm>>
      tpu.enqueue_dma source(%dma_start3A_94 : memref<16x128xf32, #tpu.memory_space<hbm>>) target(%dma_start3A_92 : memref<16x128xf32, #tpu.memory_space<vmem>>) target_semaphore(%arg15 : memref<!tpu.dma_semaphore, #tpu.memory_space<semaphore_mem>>)
      %dma_start3A_95 = arith.constant 16 : i32
      %dma_start3A_96 = arith.constant 0 : i32
      %dma_start3A_97 = tpu.memref_slice %arg13[%dma_start3A_95, %dma_start3A_96] : memref<256x128xf32, #tpu.memory_space<vmem>> -> memref<16x128xf32, #tpu.memory_space<vmem>>
      %dma_start3A_98 = arith.constant 0 : i32
      %dma_start3A_99 = tpu.memref_slice %arg6[%dma_start3A_98, %multiple_of3A_74] : memref<16x1000000xf32, #tpu.memory_space<hbm>> -> memref<16x128xf32, #tpu.memory_space<hbm>>
      %dma_start3A_100 = arith.constant 16 : i32
      %dma_start3A_101 = arith.constant 0 : i32
      %dma_start3A_102 = tpu.memref_slice %arg13[%dma_start3A_100, %dma_start3A_101] : memref<256x128xf32, #tpu.memory_space<vmem>> -> memref<16x128xf32, #tpu.memory_space<vmem>>
      %dma_start3A_103 = arith.constant 0 : i32
      %dma_start3A_104 = tpu.memref_slice %arg6[%dma_start3A_103, %multiple_of3A_74] : memref<16x1000000xf32, #tpu.memory_space<hbm>> -> memref<16x128xf32, #tpu.memory_space<hbm>>
      tpu.enqueue_dma source(%dma_start3A_104 : memref<16x128xf32, #tpu.memory_space<hbm>>) target(%dma_start3A_102 : memref<16x128xf32, #tpu.memory_space<vmem>>) target_semaphore(%arg15 : memref<!tpu.dma_semaphore, #tpu.memory_space<semaphore_mem>>)
      %slice3A_105 = vector.extract_strided_slice %mul3A_18 {offsets = [2], sizes = [1], strides = [1]} : vector<16xi32> to vector<1xi32>
      %squeeze3A_106 = vector.extract %slice3A_105[0] : i32 from vector<1xi32>
      %multiple_of3A_107 = tpu.assume_multiple %squeeze3A_106, 128 : i32
      %slice3A_108 = vector.extract_strided_slice %mul3A_24 {offsets = [2], sizes = [1], strides = [1]} : vector<16xi32> to vector<1xi32>
      %squeeze3A_109 = vector.extract %slice3A_108[0] : i32 from vector<1xi32>
      %multiple_of3A_110 = tpu.assume_multiple %squeeze3A_109, 128 : i32
      %slice3A_111 = vector.extract_strided_slice %mul3A_30 {offsets = [2], sizes = [1], strides = [1]} : vector<16xi32> to vector<1xi32>
      %squeeze3A_112 = vector.extract %slice3A_111[0] : i32 from vector<1xi32>
      %multiple_of3A_113 = tpu.assume_multiple %squeeze3A_112, 128 : i32
      %dma_start3A_114 = arith.constant 32 : i32
      %dma_start3A_115 = arith.constant 0 : i32
      %dma_start3A_116 = tpu.memref_slice %arg11[%dma_start3A_114, %dma_start3A_115] : memref<256x128xf32, #tpu.memory_space<vmem>> -> memref<16x128xf32, #tpu.memory_space<vmem>>
      %dma_start3A_117 = arith.constant 0 : i32
      %dma_start3A_118 = tpu.memref_slice %arg5[%dma_start3A_117, %multiple_of3A_107] : memref<16x1000000xf32, #tpu.memory_space<hbm>> -> memref<16x128xf32, #tpu.memory_space<hbm>>
      %dma_start3A_119 = arith.constant 32 : i32
      %dma_start3A_120 = arith.constant 0 : i32
      %dma_start3A_121 = tpu.memref_slice %arg11[%dma_start3A_119, %dma_start3A_120] : memref<256x128xf32, #tpu.memory_space<vmem>> -> memref<16x128xf32, #tpu.memory_space<vmem>>
      %dma_start3A_122 = arith.constant 0 : i32
      %dma_start3A_123 = tpu.memref_slice %arg5[%dma_start3A_122, %multiple_of3A_107] : memref<16x1000000xf32, #tpu.memory_space<hbm>> -> memref<16x128xf32, #tpu.memory_space<hbm>>
      tpu.enqueue_dma source(%dma_start3A_123 : memref<16x128xf32, #tpu.memory_space<hbm>>) target(%dma_start3A_121 : memref<16x128xf32, #tpu.memory_space<vmem>>) target_semaphore(%arg15 : memref<!tpu.dma_semaphore, #tpu.memory_space<semaphore_mem>>)
      %dma_start3A_124 = arith.constant 32 : i32
      %dma_start3A_125 = arith.constant 0 : i32
      %dma_start3A_126 = tpu.memref_slice %arg12[%dma_start3A_124, %dma_start3A_125] : memref<256x128xf32, #tpu.memory_space<vmem>> -> memref<16x128xf32, #tpu.memory_space<vmem>>
      %dma_start3A_127 = arith.constant 0 : i32
      %dma_start3A_128 = tpu.memref_slice %arg6[%dma_start3A_127, %multiple_of3A_110] : memref<16x1000000xf32, #tpu.memory_space<hbm>> -> memref<16x128xf32, #tpu.memory_space<hbm>>
      %dma_start3A_129 = arith.constant 32 : i32
      %dma_start3A_130 = arith.constant 0 : i32
      %dma_start3A_131 = tpu.memref_slice %arg12[%dma_start3A_129, %dma_start3A_130] : memref<256x128xf32, #tpu.memory_space<vmem>> -> memref<16x128xf32, #tpu.memory_space<vmem>>
      %dma_start3A_132 = arith.constant 0 : i32
      %dma_start3A_133 = tpu.memref_slice %arg6[%dma_start3A_132, %multiple_of3A_110] : memref<16x1000000xf32, #tpu.memory_space<hbm>> -> memref<16x128xf32, #tpu.memory_space<hbm>>
      tpu.enqueue_dma source(%dma_start3A_133 : memref<16x128xf32, #tpu.memory_space<hbm>>) target(%dma_start3A_131 : memref<16x128xf32, #tpu.memory_space<vmem>>) target_semaphore(%arg15 : memref<!tpu.dma_semaphore, #tpu.memory_space<semaphore_mem>>)
      %dma_start3A_134 = arith.constant 32 : i32
      %dma_start3A_135 = arith.constant 0 : i32
      %dma_start3A_136 = tpu.memref_slice %arg13[%dma_start3A_134, %dma_start3A_135] : memref<256x128xf32, #tpu.memory_space<vmem>> -> memref<16x128xf32, #tpu.memory_space<vmem>>
      %dma_start3A_137 = arith.constant 0 : i32
      %dma_start3A_138 = tpu.memref_slice %arg6[%dma_start3A_137, %multiple_of3A_113] : memref<16x1000000xf32, #tpu.memory_space<hbm>> -> memref<16x128xf32, #tpu.memory_space<hbm>>
      %dma_start3A_139 = arith.constant 32 : i32
      %dma_start3A_140 = arith.constant 0 : i32
      %dma_start3A_141 = tpu.memref_slice %arg13[%dma_start3A_139, %dma_start3A_140] : memref<256x128xf32, #tpu.memory_space<vmem>> -> memref<16x128xf32, #tpu.memory_space<vmem>>
      %dma_start3A_142 = arith.constant 0 : i32
      %dma_start3A_143 = tpu.memref_slice %arg6[%dma_start3A_142, %multiple_of3A_113] : memref<16x1000000xf32, #tpu.memory_space<hbm>> -> memref<16x128xf32, #tpu.memory_space<hbm>>
      tpu.enqueue_dma source(%dma_start3A_143 : memref<16x128xf32, #tpu.memory_space<hbm>>) target(%dma_start3A_141 : memref<16x128xf32, #tpu.memory_space<vmem>>) target_semaphore(%arg15 : memref<!tpu.dma_semaphore, #tpu.memory_space<semaphore_mem>>)
      %slice3A_144 = vector.extract_strided_slice %mul3A_18 {offsets = [3], sizes = [1], strides = [1]} : vector<16xi32> to vector<1xi32>
      %squeeze3A_145 = vector.extract %slice3A_144[0] : i32 from vector<1xi32>
      %multiple_of3A_146 = tpu.assume_multiple %squeeze3A_145, 128 : i32
      %slice3A_147 = vector.extract_strided_slice %mul3A_24 {offsets = [3], sizes = [1], strides = [1]} : vector<16xi32> to vector<1xi32>
      %squeeze3A_148 = vector.extract %slice3A_147[0] : i32 from vector<1xi32>
      %multiple_of3A_149 = tpu.assume_multiple %squeeze3A_148, 128 : i32
      %slice3A_150 = vector.extract_strided_slice %mul3A_30 {offsets = [3], sizes = [1], strides = [1]} : vector<16xi32> to vector<1xi32>
      %squeeze3A_151 = vector.extract %slice3A_150[0] : i32 from vector<1xi32>
      %multiple_of3A_152 = tpu.assume_multiple %squeeze3A_151, 128 : i32
      %dma_start3A_153 = arith.constant 48 : i32
      %dma_start3A_154 = arith.constant 0 : i32
      %dma_start3A_155 = tpu.memref_slice %arg11[%dma_start3A_153, %dma_start3A_154] : memref<256x128xf32, #tpu.memory_space<vmem>> -> memref<16x128xf32, #tpu.memory_space<vmem>>
      %dma_start3A_156 = arith.constant 0 : i32
      %dma_start3A_157 = tpu.memref_slice %arg5[%dma_start3A_156, %multiple_of3A_146] : memref<16x1000000xf32, #tpu.memory_space<hbm>> -> memref<16x128xf32, #tpu.memory_space<hbm>>
      %dma_start3A_158 = arith.constant 48 : i32
      %dma_start3A_159 = arith.constant 0 : i32
      %dma_start3A_160 = tpu.memref_slice %arg11[%dma_start3A_158, %dma_start3A_159] : memref<256x128xf32, #tpu.memory_space<vmem>> -> memref<16x128xf32, #tpu.memory_space<vmem>>
      %dma_start3A_161 = arith.constant 0 : i32
      %dma_start3A_162 = tpu.memref_slice %arg5[%dma_start3A_161, %multiple_of3A_146] : memref<16x1000000xf32, #tpu.memory_space<hbm>> -> memref<16x128xf32, #tpu.memory_space<hbm>>
      tpu.enqueue_dma source(%dma_start3A_162 : memref<16x128xf32, #tpu.memory_space<hbm>>) target(%dma_start3A_160 : memref<16x128xf32, #tpu.memory_space<vmem>>) target_semaphore(%arg15 : memref<!tpu.dma_semaphore, #tpu.memory_space<semaphore_mem>>)
      %dma_start3A_163 = arith.constant 48 : i32
      %dma_start3A_164 = arith.constant 0 : i32
      %dma_start3A_165 = tpu.memref_slice %arg12[%dma_start3A_163, %dma_start3A_164] : memref<256x128xf32, #tpu.memory_space<vmem>> -> memref<16x128xf32, #tpu.memory_space<vmem>>
      %dma_start3A_166 = arith.constant 0 : i32
      %dma_start3A_167 = tpu.memref_slice %arg6[%dma_start3A_166, %multiple_of3A_149] : memref<16x1000000xf32, #tpu.memory_space<hbm>> -> memref<16x128xf32, #tpu.memory_space<hbm>>
      %dma_start3A_168 = arith.constant 48 : i32
      %dma_start3A_169 = arith.constant 0 : i32
      %dma_start3A_170 = tpu.memref_slice %arg12[%dma_start3A_168, %dma_start3A_169] : memref<256x128xf32, #tpu.memory_space<vmem>> -> memref<16x128xf32, #tpu.memory_space<vmem>>
      %dma_start3A_171 = arith.constant 0 : i32
      %dma_start3A_172 = tpu.memref_slice %arg6[%dma_start3A_171, %multiple_of3A_149] : memref<16x1000000xf32, #tpu.memory_space<hbm>> -> memref<16x128xf32, #tpu.memory_space<hbm>>
      tpu.enqueue_dma source(%dma_start3A_172 : memref<16x128xf32, #tpu.memory_space<hbm>>) target(%dma_start3A_170 : memref<16x128xf32, #tpu.memory_space<vmem>>) target_semaphore(%arg15 : memref<!tpu.dma_semaphore, #tpu.memory_space<semaphore_mem>>)
      %dma_start3A_173 = arith.constant 48 : i32
      %dma_start3A_174 = arith.constant 0 : i32
      %dma_start3A_175 = tpu.memref_slice %arg13[%dma_start3A_173, %dma_start3A_174] : memref<256x128xf32, #tpu.memory_space<vmem>> -> memref<16x128xf32, #tpu.memory_space<vmem>>
      %dma_start3A_176 = arith.constant 0 : i32
      %dma_start3A_177 = tpu.memref_slice %arg6[%dma_start3A_176, %multiple_of3A_152] : memref<16x1000000xf32, #tpu.memory_space<hbm>> -> memref<16x128xf32, #tpu.memory_space<hbm>>
      %dma_start3A_178 = arith.constant 48 : i32
      %dma_start3A_179 = arith.constant 0 : i32
      %dma_start3A_180 = tpu.memref_slice %arg13[%dma_start3A_178, %dma_start3A_179] : memref<256x128xf32, #tpu.memory_space<vmem>> -> memref<16x128xf32, #tpu.memory_space<vmem>>
      %dma_start3A_181 = arith.constant 0 : i32
      %dma_start3A_182 = tpu.memref_slice %arg6[%dma_start3A_181, %multiple_of3A_152] : memref<16x1000000xf32, #tpu.memory_space<hbm>> -> memref<16x128xf32, #tpu.memory_space<hbm>>
      tpu.enqueue_dma source(%dma_start3A_182 : memref<16x128xf32, #tpu.memory_space<hbm>>) target(%dma_start3A_180 : memref<16x128xf32, #tpu.memory_space<vmem>>) target_semaphore(%arg15 : memref<!tpu.dma_semaphore, #tpu.memory_space<semaphore_mem>>)
      %slice3A_183 = vector.extract_strided_slice %mul3A_18 {offsets = [4], sizes = [1], strides = [1]} : vector<16xi32> to vector<1xi32>
      %squeeze3A_184 = vector.extract %slice3A_183[0] : i32 from vector<1xi32>
      %multiple_of3A_185 = tpu.assume_multiple %squeeze3A_184, 128 : i32
      %slice3A_186 = vector.extract_strided_slice %mul3A_24 {offsets = [4], sizes = [1], strides = [1]} : vector<16xi32> to vector<1xi32>
      %squeeze3A_187 = vector.extract %slice3A_186[0] : i32 from vector<1xi32>
      %multiple_of3A_188 = tpu.assume_multiple %squeeze3A_187, 128 : i32
      %slice3A_189 = vector.extract_strided_slice %mul3A_30 {offsets = [4], sizes = [1], strides = [1]} : vector<16xi32> to vector<1xi32>
      %squeeze3A_190 = vector.extract %slice3A_189[0] : i32 from vector<1xi32>
      %multiple_of3A_191 = tpu.assume_multiple %squeeze3A_190, 128 : i32
      %dma_start3A_192 = arith.constant 64 : i32
      %dma_start3A_193 = arith.constant 0 : i32
      %dma_start3A_194 = tpu.memref_slice %arg11[%dma_start3A_192, %dma_start3A_193] : memref<256x128xf32, #tpu.memory_space<vmem>> -> memref<16x128xf32, #tpu.memory_space<vmem>>
      %dma_start3A_195 = arith.constant 0 : i32
      %dma_start3A_196 = tpu.memref_slice %arg5[%dma_start3A_195, %multiple_of3A_185] : memref<16x1000000xf32, #tpu.memory_space<hbm>> -> memref<16x128xf32, #tpu.memory_space<hbm>>
      %dma_start3A_197 = arith.constant 64 : i32
      %dma_start3A_198 = arith.constant 0 : i32
      %dma_start3A_199 = tpu.memref_slice %arg11[%dma_start3A_197, %dma_start3A_198] : memref<256x128xf32, #tpu.memory_space<vmem>> -> memref<16x128xf32, #tpu.memory_space<vmem>>
      %dma_start3A_200 = arith.constant 0 : i32
      %dma_start3A_201 = tpu.memref_slice %arg5[%dma_start3A_200, %multiple_of3A_185] : memref<16x1000000xf32, #tpu.memory_space<hbm>> -> memref<16x128xf32, #tpu.memory_space<hbm>>
      tpu.enqueue_dma source(%dma_start3A_201 : memref<16x128xf32, #tpu.memory_space<hbm>>) target(%dma_start3A_199 : memref<16x128xf32, #tpu.memory_space<vmem>>) target_semaphore(%arg15 : memref<!tpu.dma_semaphore, #tpu.memory_space<semaphore_mem>>)
      %dma_start3A_202 = arith.constant 64 : i32
      %dma_start3A_203 = arith.constant 0 : i32
      %dma_start3A_204 = tpu.memref_slice %arg12[%dma_start3A_202, %dma_start3A_203] : memref<256x128xf32, #tpu.memory_space<vmem>> -> memref<16x128xf32, #tpu.memory_space<vmem>>
      %dma_start3A_205 = arith.constant 0 : i32
      %dma_start3A_206 = tpu.memref_slice %arg6[%dma_start3A_205, %multiple_of3A_188] : memref<16x1000000xf32, #tpu.memory_space<hbm>> -> memref<16x128xf32, #tpu.memory_space<hbm>>
      %dma_start3A_207 = arith.constant 64 : i32
      %dma_start3A_208 = arith.constant 0 : i32
      %dma_start3A_209 = tpu.memref_slice %arg12[%dma_start3A_207, %dma_start3A_208] : memref<256x128xf32, #tpu.memory_space<vmem>> -> memref<16x128xf32, #tpu.memory_space<vmem>>
      %dma_start3A_210 = arith.constant 0 : i32
      %dma_start3A_211 = tpu.memref_slice %arg6[%dma_start3A_210, %multiple_of3A_188] : memref<16x1000000xf32, #tpu.memory_space<hbm>> -> memref<16x128xf32, #tpu.memory_space<hbm>>
      tpu.enqueue_dma source(%dma_start3A_211 : memref<16x128xf32, #tpu.memory_space<hbm>>) target(%dma_start3A_209 : memref<16x128xf32, #tpu.memory_space<vmem>>) target_semaphore(%arg15 : memref<!tpu.dma_semaphore, #tpu.memory_space<semaphore_mem>>)
      %dma_start3A_212 = arith.constant 64 : i32
      %dma_start3A_213 = arith.constant 0 : i32
      %dma_start3A_214 = tpu.memref_slice %arg13[%dma_start3A_212, %dma_start3A_213] : memref<256x128xf32, #tpu.memory_space<vmem>> -> memref<16x128xf32, #tpu.memory_space<vmem>>
      %dma_start3A_215 = arith.constant 0 : i32
      %dma_start3A_216 = tpu.memref_slice %arg6[%dma_start3A_215, %multiple_of3A_191] : memref<16x1000000xf32, #tpu.memory_space<hbm>> -> memref<16x128xf32, #tpu.memory_space<hbm>>
      %dma_start3A_217 = arith.constant 64 : i32
      %dma_start3A_218 = arith.constant 0 : i32
      %dma_start3A_219 = tpu.memref_slice %arg13[%dma_start3A_217, %dma_start3A_218] : memref<256x128xf32, #tpu.memory_space<vmem>> -> memref<16x128xf32, #tpu.memory_space<vmem>>
      %dma_start3A_220 = arith.constant 0 : i32
      %dma_start3A_221 = tpu.memref_slice %arg6[%dma_start3A_220, %multiple_of3A_191] : memref<16x1000000xf32, #tpu.memory_space<hbm>> -> memref<16x128xf32, #tpu.memory_space<hbm>>
      tpu.enqueue_dma source(%dma_start3A_221 : memref<16x128xf32, #tpu.memory_space<hbm>>) target(%dma_start3A_219 : memref<16x128xf32, #tpu.memory_space<vmem>>) target_semaphore(%arg15 : memref<!tpu.dma_semaphore, #tpu.memory_space<semaphore_mem>>)
      %slice3A_222 = vector.extract_strided_slice %mul3A_18 {offsets = [5], sizes = [1], strides = [1]} : vector<16xi32> to vector<1xi32>
      %squeeze3A_223 = vector.extract %slice3A_222[0] : i32 from vector<1xi32>
      %multiple_of3A_224 = tpu.assume_multiple %squeeze3A_223, 128 : i32
      %slice3A_225 = vector.extract_strided_slice %mul3A_24 {offsets = [5], sizes = [1], strides = [1]} : vector<16xi32> to vector<1xi32>
      %squeeze3A_226 = vector.extract %slice3A_225[0] : i32 from vector<1xi32>
      %multiple_of3A_227 = tpu.assume_multiple %squeeze3A_226, 128 : i32
      %slice3A_228 = vector.extract_strided_slice %mul3A_30 {offsets = [5], sizes = [1], strides = [1]} : vector<16xi32> to vector<1xi32>
      %squeeze3A_229 = vector.extract %slice3A_228[0] : i32 from vector<1xi32>
      %multiple_of3A_230 = tpu.assume_multiple %squeeze3A_229, 128 : i32
      %dma_start3A_231 = arith.constant 80 : i32
      %dma_start3A_232 = arith.constant 0 : i32
      %dma_start3A_233 = tpu.memref_slice %arg11[%dma_start3A_231, %dma_start3A_232] : memref<256x128xf32, #tpu.memory_space<vmem>> -> memref<16x128xf32, #tpu.memory_space<vmem>>
      %dma_start3A_234 = arith.constant 0 : i32
      %dma_start3A_235 = tpu.memref_slice %arg5[%dma_start3A_234, %multiple_of3A_224] : memref<16x1000000xf32, #tpu.memory_space<hbm>> -> memref<16x128xf32, #tpu.memory_space<hbm>>
      %dma_start3A_236 = arith.constant 80 : i32
      %dma_start3A_237 = arith.constant 0 : i32
      %dma_start3A_238 = tpu.memref_slice %arg11[%dma_start3A_236, %dma_start3A_237] : memref<256x128xf32, #tpu.memory_space<vmem>> -> memref<16x128xf32, #tpu.memory_space<vmem>>
      %dma_start3A_239 = arith.constant 0 : i32
      %dma_start3A_240 = tpu.memref_slice %arg5[%dma_start3A_239, %multiple_of3A_224] : memref<16x1000000xf32, #tpu.memory_space<hbm>> -> memref<16x128xf32, #tpu.memory_space<hbm>>
      tpu.enqueue_dma source(%dma_start3A_240 : memref<16x128xf32, #tpu.memory_space<hbm>>) target(%dma_start3A_238 : memref<16x128xf32, #tpu.memory_space<vmem>>) target_semaphore(%arg15 : memref<!tpu.dma_semaphore, #tpu.memory_space<semaphore_mem>>)
      %dma_start3A_241 = arith.constant 80 : i32
      %dma_start3A_242 = arith.constant 0 : i32
      %dma_start3A_243 = tpu.memref_slice %arg12[%dma_start3A_241, %dma_start3A_242] : memref<256x128xf32, #tpu.memory_space<vmem>> -> memref<16x128xf32, #tpu.memory_space<vmem>>
      %dma_start3A_244 = arith.constant 0 : i32
      %dma_start3A_245 = tpu.memref_slice %arg6[%dma_start3A_244, %multiple_of3A_227] : memref<16x1000000xf32, #tpu.memory_space<hbm>> -> memref<16x128xf32, #tpu.memory_space<hbm>>
      %dma_start3A_246 = arith.constant 80 : i32
      %dma_start3A_247 = arith.constant 0 : i32
      %dma_start3A_248 = tpu.memref_slice %arg12[%dma_start3A_246, %dma_start3A_247] : memref<256x128xf32, #tpu.memory_space<vmem>> -> memref<16x128xf32, #tpu.memory_space<vmem>>
      %dma_start3A_249 = arith.constant 0 : i32
      %dma_start3A_250 = tpu.memref_slice %arg6[%dma_start3A_249, %multiple_of3A_227] : memref<16x1000000xf32, #tpu.memory_space<hbm>> -> memref<16x128xf32, #tpu.memory_space<hbm>>
      tpu.enqueue_dma source(%dma_start3A_250 : memref<16x128xf32, #tpu.memory_space<hbm>>) target(%dma_start3A_248 : memref<16x128xf32, #tpu.memory_space<vmem>>) target_semaphore(%arg15 : memref<!tpu.dma_semaphore, #tpu.memory_space<semaphore_mem>>)
      %dma_start3A_251 = arith.constant 80 : i32
      %dma_start3A_252 = arith.constant 0 : i32
      %dma_start3A_253 = tpu.memref_slice %arg13[%dma_start3A_251, %dma_start3A_252] : memref<256x128xf32, #tpu.memory_space<vmem>> -> memref<16x128xf32, #tpu.memory_space<vmem>>
      %dma_start3A_254 = arith.constant 0 : i32
      %dma_start3A_255 = tpu.memref_slice %arg6[%dma_start3A_254, %multiple_of3A_230] : memref<16x1000000xf32, #tpu.memory_space<hbm>> -> memref<16x128xf32, #tpu.memory_space<hbm>>
      %dma_start3A_256 = arith.constant 80 : i32
      %dma_start3A_257 = arith.constant 0 : i32
      %dma_start3A_258 = tpu.memref_slice %arg13[%dma_start3A_256, %dma_start3A_257] : memref<256x128xf32, #tpu.memory_space<vmem>> -> memref<16x128xf32, #tpu.memory_space<vmem>>
      %dma_start3A_259 = arith.constant 0 : i32
      %dma_start3A_260 = tpu.memref_slice %arg6[%dma_start3A_259, %multiple_of3A_230] : memref<16x1000000xf32, #tpu.memory_space<hbm>> -> memref<16x128xf32, #tpu.memory_space<hbm>>
      tpu.enqueue_dma source(%dma_start3A_260 : memref<16x128xf32, #tpu.memory_space<hbm>>) target(%dma_start3A_258 : memref<16x128xf32, #tpu.memory_space<vmem>>) target_semaphore(%arg15 : memref<!tpu.dma_semaphore, #tpu.memory_space<semaphore_mem>>)
      %slice3A_261 = vector.extract_strided_slice %mul3A_18 {offsets = [6], sizes = [1], strides = [1]} : vector<16xi32> to vector<1xi32>
      %squeeze3A_262 = vector.extract %slice3A_261[0] : i32 from vector<1xi32>
      %multiple_of3A_263 = tpu.assume_multiple %squeeze3A_262, 128 : i32
      %slice3A_264 = vector.extract_strided_slice %mul3A_24 {offsets = [6], sizes = [1], strides = [1]} : vector<16xi32> to vector<1xi32>
      %squeeze3A_265 = vector.extract %slice3A_264[0] : i32 from vector<1xi32>
      %multiple_of3A_266 = tpu.assume_multiple %squeeze3A_265, 128 : i32
      %slice3A_267 = vector.extract_strided_slice %mul3A_30 {offsets = [6], sizes = [1], strides = [1]} : vector<16xi32> to vector<1xi32>
      %squeeze3A_268 = vector.extract %slice3A_267[0] : i32 from vector<1xi32>
      %multiple_of3A_269 = tpu.assume_multiple %squeeze3A_268, 128 : i32
      %dma_start3A_270 = arith.constant 96 : i32
      %dma_start3A_271 = arith.constant 0 : i32
      %dma_start3A_272 = tpu.memref_slice %arg11[%dma_start3A_270, %dma_start3A_271] : memref<256x128xf32, #tpu.memory_space<vmem>> -> memref<16x128xf32, #tpu.memory_space<vmem>>
      %dma_start3A_273 = arith.constant 0 : i32
      %dma_start3A_274 = tpu.memref_slice %arg5[%dma_start3A_273, %multiple_of3A_263] : memref<16x1000000xf32, #tpu.memory_space<hbm>> -> memref<16x128xf32, #tpu.memory_space<hbm>>
      %dma_start3A_275 = arith.constant 96 : i32
      %dma_start3A_276 = arith.constant 0 : i32
      %dma_start3A_277 = tpu.memref_slice %arg11[%dma_start3A_275, %dma_start3A_276] : memref<256x128xf32, #tpu.memory_space<vmem>> -> memref<16x128xf32, #tpu.memory_space<vmem>>
      %dma_start3A_278 = arith.constant 0 : i32
      %dma_start3A_279 = tpu.memref_slice %arg5[%dma_start3A_278, %multiple_of3A_263] : memref<16x1000000xf32, #tpu.memory_space<hbm>> -> memref<16x128xf32, #tpu.memory_space<hbm>>
      tpu.enqueue_dma source(%dma_start3A_279 : memref<16x128xf32, #tpu.memory_space<hbm>>) target(%dma_start3A_277 : memref<16x128xf32, #tpu.memory_space<vmem>>) target_semaphore(%arg15 : memref<!tpu.dma_semaphore, #tpu.memory_space<semaphore_mem>>)
      %dma_start3A_280 = arith.constant 96 : i32
      %dma_start3A_281 = arith.constant 0 : i32
      %dma_start3A_282 = tpu.memref_slice %arg12[%dma_start3A_280, %dma_start3A_281] : memref<256x128xf32, #tpu.memory_space<vmem>> -> memref<16x128xf32, #tpu.memory_space<vmem>>
      %dma_start3A_283 = arith.constant 0 : i32
      %dma_start3A_284 = tpu.memref_slice %arg6[%dma_start3A_283, %multiple_of3A_266] : memref<16x1000000xf32, #tpu.memory_space<hbm>> -> memref<16x128xf32, #tpu.memory_space<hbm>>
      %dma_start3A_285 = arith.constant 96 : i32
      %dma_start3A_286 = arith.constant 0 : i32
      %dma_start3A_287 = tpu.memref_slice %arg12[%dma_start3A_285, %dma_start3A_286] : memref<256x128xf32, #tpu.memory_space<vmem>> -> memref<16x128xf32, #tpu.memory_space<vmem>>
      %dma_start3A_288 = arith.constant 0 : i32
      %dma_start3A_289 = tpu.memref_slice %arg6[%dma_start3A_288, %multiple_of3A_266] : memref<16x1000000xf32, #tpu.memory_space<hbm>> -> memref<16x128xf32, #tpu.memory_space<hbm>>
      tpu.enqueue_dma source(%dma_start3A_289 : memref<16x128xf32, #tpu.memory_space<hbm>>) target(%dma_start3A_287 : memref<16x128xf32, #tpu.memory_space<vmem>>) target_semaphore(%arg15 : memref<!tpu.dma_semaphore, #tpu.memory_space<semaphore_mem>>)
      %dma_start3A_290 = arith.constant 96 : i32
      %dma_start3A_291 = arith.constant 0 : i32
      %dma_start3A_292 = tpu.memref_slice %arg13[%dma_start3A_290, %dma_start3A_291] : memref<256x128xf32, #tpu.memory_space<vmem>> -> memref<16x128xf32, #tpu.memory_space<vmem>>
      %dma_start3A_293 = arith.constant 0 : i32
      %dma_start3A_294 = tpu.memref_slice %arg6[%dma_start3A_293, %multiple_of3A_269] : memref<16x1000000xf32, #tpu.memory_space<hbm>> -> memref<16x128xf32, #tpu.memory_space<hbm>>
      %dma_start3A_295 = arith.constant 96 : i32
      %dma_start3A_296 = arith.constant 0 : i32
      %dma_start3A_297 = tpu.memref_slice %arg13[%dma_start3A_295, %dma_start3A_296] : memref<256x128xf32, #tpu.memory_space<vmem>> -> memref<16x128xf32, #tpu.memory_space<vmem>>
      %dma_start3A_298 = arith.constant 0 : i32
      %dma_start3A_299 = tpu.memref_slice %arg6[%dma_start3A_298, %multiple_of3A_269] : memref<16x1000000xf32, #tpu.memory_space<hbm>> -> memref<16x128xf32, #tpu.memory_space<hbm>>
      tpu.enqueue_dma source(%dma_start3A_299 : memref<16x128xf32, #tpu.memory_space<hbm>>) target(%dma_start3A_297 : memref<16x128xf32, #tpu.memory_space<vmem>>) target_semaphore(%arg15 : memref<!tpu.dma_semaphore, #tpu.memory_space<semaphore_mem>>)
      %slice3A_300 = vector.extract_strided_slice %mul3A_18 {offsets = [7], sizes = [1], strides = [1]} : vector<16xi32> to vector<1xi32>
      %squeeze3A_301 = vector.extract %slice3A_300[0] : i32 from vector<1xi32>
      %multiple_of3A_302 = tpu.assume_multiple %squeeze3A_301, 128 : i32
      %slice3A_303 = vector.extract_strided_slice %mul3A_24 {offsets = [7], sizes = [1], strides = [1]} : vector<16xi32> to vector<1xi32>
      %squeeze3A_304 = vector.extract %slice3A_303[0] : i32 from vector<1xi32>
      %multiple_of3A_305 = tpu.assume_multiple %squeeze3A_304, 128 : i32
      %slice3A_306 = vector.extract_strided_slice %mul3A_30 {offsets = [7], sizes = [1], strides = [1]} : vector<16xi32> to vector<1xi32>
      %squeeze3A_307 = vector.extract %slice3A_306[0] : i32 from vector<1xi32>
      %multiple_of3A_308 = tpu.assume_multiple %squeeze3A_307, 128 : i32
      %dma_start3A_309 = arith.constant 112 : i32
      %dma_start3A_310 = arith.constant 0 : i32
      %dma_start3A_311 = tpu.memref_slice %arg11[%dma_start3A_309, %dma_start3A_310] : memref<256x128xf32, #tpu.memory_space<vmem>> -> memref<16x128xf32, #tpu.memory_space<vmem>>
      %dma_start3A_312 = arith.constant 0 : i32
      %dma_start3A_313 = tpu.memref_slice %arg5[%dma_start3A_312, %multiple_of3A_302] : memref<16x1000000xf32, #tpu.memory_space<hbm>> -> memref<16x128xf32, #tpu.memory_space<hbm>>
      %dma_start3A_314 = arith.constant 112 : i32
      %dma_start3A_315 = arith.constant 0 : i32
      %dma_start3A_316 = tpu.memref_slice %arg11[%dma_start3A_314, %dma_start3A_315] : memref<256x128xf32, #tpu.memory_space<vmem>> -> memref<16x128xf32, #tpu.memory_space<vmem>>
      %dma_start3A_317 = arith.constant 0 : i32
      %dma_start3A_318 = tpu.memref_slice %arg5[%dma_start3A_317, %multiple_of3A_302] : memref<16x1000000xf32, #tpu.memory_space<hbm>> -> memref<16x128xf32, #tpu.memory_space<hbm>>
      tpu.enqueue_dma source(%dma_start3A_318 : memref<16x128xf32, #tpu.memory_space<hbm>>) target(%dma_start3A_316 : memref<16x128xf32, #tpu.memory_space<vmem>>) target_semaphore(%arg15 : memref<!tpu.dma_semaphore, #tpu.memory_space<semaphore_mem>>)
      %dma_start3A_319 = arith.constant 112 : i32
      %dma_start3A_320 = arith.constant 0 : i32
      %dma_start3A_321 = tpu.memref_slice %arg12[%dma_start3A_319, %dma_start3A_320] : memref<256x128xf32, #tpu.memory_space<vmem>> -> memref<16x128xf32, #tpu.memory_space<vmem>>
      %dma_start3A_322 = arith.constant 0 : i32
      %dma_start3A_323 = tpu.memref_slice %arg6[%dma_start3A_322, %multiple_of3A_305] : memref<16x1000000xf32, #tpu.memory_space<hbm>> -> memref<16x128xf32, #tpu.memory_space<hbm>>
      %dma_start3A_324 = arith.constant 112 : i32
      %dma_start3A_325 = arith.constant 0 : i32
      %dma_start3A_326 = tpu.memref_slice %arg12[%dma_start3A_324, %dma_start3A_325] : memref<256x128xf32, #tpu.memory_space<vmem>> -> memref<16x128xf32, #tpu.memory_space<vmem>>
      %dma_start3A_327 = arith.constant 0 : i32
      %dma_start3A_328 = tpu.memref_slice %arg6[%dma_start3A_327, %multiple_of3A_305] : memref<16x1000000xf32, #tpu.memory_space<hbm>> -> memref<16x128xf32, #tpu.memory_space<hbm>>
      tpu.enqueue_dma source(%dma_start3A_328 : memref<16x128xf32, #tpu.memory_space<hbm>>) target(%dma_start3A_326 : memref<16x128xf32, #tpu.memory_space<vmem>>) target_semaphore(%arg15 : memref<!tpu.dma_semaphore, #tpu.memory_space<semaphore_mem>>)
      %dma_start3A_329 = arith.constant 112 : i32
      %dma_start3A_330 = arith.constant 0 : i32
      %dma_start3A_331 = tpu.memref_slice %arg13[%dma_start3A_329, %dma_start3A_330] : memref<256x128xf32, #tpu.memory_space<vmem>> -> memref<16x128xf32, #tpu.memory_space<vmem>>
      %dma_start3A_332 = arith.constant 0 : i32
      %dma_start3A_333 = tpu.memref_slice %arg6[%dma_start3A_332, %multiple_of3A_308] : memref<16x1000000xf32, #tpu.memory_space<hbm>> -> memref<16x128xf32, #tpu.memory_space<hbm>>
      %dma_start3A_334 = arith.constant 112 : i32
      %dma_start3A_335 = arith.constant 0 : i32
      %dma_start3A_336 = tpu.memref_slice %arg13[%dma_start3A_334, %dma_start3A_335] : memref<256x128xf32, #tpu.memory_space<vmem>> -> memref<16x128xf32, #tpu.memory_space<vmem>>
      %dma_start3A_337 = arith.constant 0 : i32
      %dma_start3A_338 = tpu.memref_slice %arg6[%dma_start3A_337, %multiple_of3A_308] : memref<16x1000000xf32, #tpu.memory_space<hbm>> -> memref<16x128xf32, #tpu.memory_space<hbm>>
      tpu.enqueue_dma source(%dma_start3A_338 : memref<16x128xf32, #tpu.memory_space<hbm>>) target(%dma_start3A_336 : memref<16x128xf32, #tpu.memory_space<vmem>>) target_semaphore(%arg15 : memref<!tpu.dma_semaphore, #tpu.memory_space<semaphore_mem>>)
      %slice3A_339 = vector.extract_strided_slice %mul3A_18 {offsets = [8], sizes = [1], strides = [1]} : vector<16xi32> to vector<1xi32>
      %squeeze3A_340 = vector.extract %slice3A_339[0] : i32 from vector<1xi32>
      %multiple_of3A_341 = tpu.assume_multiple %squeeze3A_340, 128 : i32
      %slice3A_342 = vector.extract_strided_slice %mul3A_24 {offsets = [8], sizes = [1], strides = [1]} : vector<16xi32> to vector<1xi32>
      %squeeze3A_343 = vector.extract %slice3A_342[0] : i32 from vector<1xi32>
      %multiple_of3A_344 = tpu.assume_multiple %squeeze3A_343, 128 : i32
      %slice3A_345 = vector.extract_strided_slice %mul3A_30 {offsets = [8], sizes = [1], strides = [1]} : vector<16xi32> to vector<1xi32>
      %squeeze3A_346 = vector.extract %slice3A_345[0] : i32 from vector<1xi32>
      %multiple_of3A_347 = tpu.assume_multiple %squeeze3A_346, 128 : i32
      %dma_start3A_348 = arith.constant 128 : i32
      %dma_start3A_349 = arith.constant 0 : i32
      %dma_start3A_350 = tpu.memref_slice %arg11[%dma_start3A_348, %dma_start3A_349] : memref<256x128xf32, #tpu.memory_space<vmem>> -> memref<16x128xf32, #tpu.memory_space<vmem>>
      %dma_start3A_351 = arith.constant 0 : i32
      %dma_start3A_352 = tpu.memref_slice %arg5[%dma_start3A_351, %multiple_of3A_341] : memref<16x1000000xf32, #tpu.memory_space<hbm>> -> memref<16x128xf32, #tpu.memory_space<hbm>>
      %dma_start3A_353 = arith.constant 128 : i32
      %dma_start3A_354 = arith.constant 0 : i32
      %dma_start3A_355 = tpu.memref_slice %arg11[%dma_start3A_353, %dma_start3A_354] : memref<256x128xf32, #tpu.memory_space<vmem>> -> memref<16x128xf32, #tpu.memory_space<vmem>>
      %dma_start3A_356 = arith.constant 0 : i32
      %dma_start3A_357 = tpu.memref_slice %arg5[%dma_start3A_356, %multiple_of3A_341] : memref<16x1000000xf32, #tpu.memory_space<hbm>> -> memref<16x128xf32, #tpu.memory_space<hbm>>
      tpu.enqueue_dma source(%dma_start3A_357 : memref<16x128xf32, #tpu.memory_space<hbm>>) target(%dma_start3A_355 : memref<16x128xf32, #tpu.memory_space<vmem>>) target_semaphore(%arg15 : memref<!tpu.dma_semaphore, #tpu.memory_space<semaphore_mem>>)
      %dma_start3A_358 = arith.constant 128 : i32
      %dma_start3A_359 = arith.constant 0 : i32
      %dma_start3A_360 = tpu.memref_slice %arg12[%dma_start3A_358, %dma_start3A_359] : memref<256x128xf32, #tpu.memory_space<vmem>> -> memref<16x128xf32, #tpu.memory_space<vmem>>
      %dma_start3A_361 = arith.constant 0 : i32
      %dma_start3A_362 = tpu.memref_slice %arg6[%dma_start3A_361, %multiple_of3A_344] : memref<16x1000000xf32, #tpu.memory_space<hbm>> -> memref<16x128xf32, #tpu.memory_space<hbm>>
      %dma_start3A_363 = arith.constant 128 : i32
      %dma_start3A_364 = arith.constant 0 : i32
      %dma_start3A_365 = tpu.memref_slice %arg12[%dma_start3A_363, %dma_start3A_364] : memref<256x128xf32, #tpu.memory_space<vmem>> -> memref<16x128xf32, #tpu.memory_space<vmem>>
      %dma_start3A_366 = arith.constant 0 : i32
      %dma_start3A_367 = tpu.memref_slice %arg6[%dma_start3A_366, %multiple_of3A_344] : memref<16x1000000xf32, #tpu.memory_space<hbm>> -> memref<16x128xf32, #tpu.memory_space<hbm>>
      tpu.enqueue_dma source(%dma_start3A_367 : memref<16x128xf32, #tpu.memory_space<hbm>>) target(%dma_start3A_365 : memref<16x128xf32, #tpu.memory_space<vmem>>) target_semaphore(%arg15 : memref<!tpu.dma_semaphore, #tpu.memory_space<semaphore_mem>>)
      %dma_start3A_368 = arith.constant 128 : i32
      %dma_start3A_369 = arith.constant 0 : i32
      %dma_start3A_370 = tpu.memref_slice %arg13[%dma_start3A_368, %dma_start3A_369] : memref<256x128xf32, #tpu.memory_space<vmem>> -> memref<16x128xf32, #tpu.memory_space<vmem>>
      %dma_start3A_371 = arith.constant 0 : i32
      %dma_start3A_372 = tpu.memref_slice %arg6[%dma_start3A_371, %multiple_of3A_347] : memref<16x1000000xf32, #tpu.memory_space<hbm>> -> memref<16x128xf32, #tpu.memory_space<hbm>>
      %dma_start3A_373 = arith.constant 128 : i32
      %dma_start3A_374 = arith.constant 0 : i32
      %dma_start3A_375 = tpu.memref_slice %arg13[%dma_start3A_373, %dma_start3A_374] : memref<256x128xf32, #tpu.memory_space<vmem>> -> memref<16x128xf32, #tpu.memory_space<vmem>>
      %dma_start3A_376 = arith.constant 0 : i32
      %dma_start3A_377 = tpu.memref_slice %arg6[%dma_start3A_376, %multiple_of3A_347] : memref<16x1000000xf32, #tpu.memory_space<hbm>> -> memref<16x128xf32, #tpu.memory_space<hbm>>
      tpu.enqueue_dma source(%dma_start3A_377 : memref<16x128xf32, #tpu.memory_space<hbm>>) target(%dma_start3A_375 : memref<16x128xf32, #tpu.memory_space<vmem>>) target_semaphore(%arg15 : memref<!tpu.dma_semaphore, #tpu.memory_space<semaphore_mem>>)
      %slice3A_378 = vector.extract_strided_slice %mul3A_18 {offsets = [9], sizes = [1], strides = [1]} : vector<16xi32> to vector<1xi32>
      %squeeze3A_379 = vector.extract %slice3A_378[0] : i32 from vector<1xi32>
      %multiple_of3A_380 = tpu.assume_multiple %squeeze3A_379, 128 : i32
      %slice3A_381 = vector.extract_strided_slice %mul3A_24 {offsets = [9], sizes = [1], strides = [1]} : vector<16xi32> to vector<1xi32>
      %squeeze3A_382 = vector.extract %slice3A_381[0] : i32 from vector<1xi32>
      %multiple_of3A_383 = tpu.assume_multiple %squeeze3A_382, 128 : i32
      %slice3A_384 = vector.extract_strided_slice %mul3A_30 {offsets = [9], sizes = [1], strides = [1]} : vector<16xi32> to vector<1xi32>
      %squeeze3A_385 = vector.extract %slice3A_384[0] : i32 from vector<1xi32>
      %multiple_of3A_386 = tpu.assume_multiple %squeeze3A_385, 128 : i32
      %dma_start3A_387 = arith.constant 144 : i32
      %dma_start3A_388 = arith.constant 0 : i32
      %dma_start3A_389 = tpu.memref_slice %arg11[%dma_start3A_387, %dma_start3A_388] : memref<256x128xf32, #tpu.memory_space<vmem>> -> memref<16x128xf32, #tpu.memory_space<vmem>>
      %dma_start3A_390 = arith.constant 0 : i32
      %dma_start3A_391 = tpu.memref_slice %arg5[%dma_start3A_390, %multiple_of3A_380] : memref<16x1000000xf32, #tpu.memory_space<hbm>> -> memref<16x128xf32, #tpu.memory_space<hbm>>
      %dma_start3A_392 = arith.constant 144 : i32
      %dma_start3A_393 = arith.constant 0 : i32
      %dma_start3A_394 = tpu.memref_slice %arg11[%dma_start3A_392, %dma_start3A_393] : memref<256x128xf32, #tpu.memory_space<vmem>> -> memref<16x128xf32, #tpu.memory_space<vmem>>
      %dma_start3A_395 = arith.constant 0 : i32
      %dma_start3A_396 = tpu.memref_slice %arg5[%dma_start3A_395, %multiple_of3A_380] : memref<16x1000000xf32, #tpu.memory_space<hbm>> -> memref<16x128xf32, #tpu.memory_space<hbm>>
      tpu.enqueue_dma source(%dma_start3A_396 : memref<16x128xf32, #tpu.memory_space<hbm>>) target(%dma_start3A_394 : memref<16x128xf32, #tpu.memory_space<vmem>>) target_semaphore(%arg15 : memref<!tpu.dma_semaphore, #tpu.memory_space<semaphore_mem>>)
      %dma_start3A_397 = arith.constant 144 : i32
      %dma_start3A_398 = arith.constant 0 : i32
      %dma_start3A_399 = tpu.memref_slice %arg12[%dma_start3A_397, %dma_start3A_398] : memref<256x128xf32, #tpu.memory_space<vmem>> -> memref<16x128xf32, #tpu.memory_space<vmem>>
      %dma_start3A_400 = arith.constant 0 : i32
      %dma_start3A_401 = tpu.memref_slice %arg6[%dma_start3A_400, %multiple_of3A_383] : memref<16x1000000xf32, #tpu.memory_space<hbm>> -> memref<16x128xf32, #tpu.memory_space<hbm>>
      %dma_start3A_402 = arith.constant 144 : i32
      %dma_start3A_403 = arith.constant 0 : i32
      %dma_start3A_404 = tpu.memref_slice %arg12[%dma_start3A_402, %dma_start3A_403] : memref<256x128xf32, #tpu.memory_space<vmem>> -> memref<16x128xf32, #tpu.memory_space<vmem>>
      %dma_start3A_405 = arith.constant 0 : i32
      %dma_start3A_406 = tpu.memref_slice %arg6[%dma_start3A_405, %multiple_of3A_383] : memref<16x1000000xf32, #tpu.memory_space<hbm>> -> memref<16x128xf32, #tpu.memory_space<hbm>>
      tpu.enqueue_dma source(%dma_start3A_406 : memref<16x128xf32, #tpu.memory_space<hbm>>) target(%dma_start3A_404 : memref<16x128xf32, #tpu.memory_space<vmem>>) target_semaphore(%arg15 : memref<!tpu.dma_semaphore, #tpu.memory_space<semaphore_mem>>)
      %dma_start3A_407 = arith.constant 144 : i32
      %dma_start3A_408 = arith.constant 0 : i32
      %dma_start3A_409 = tpu.memref_slice %arg13[%dma_start3A_407, %dma_start3A_408] : memref<256x128xf32, #tpu.memory_space<vmem>> -> memref<16x128xf32, #tpu.memory_space<vmem>>
      %dma_start3A_410 = arith.constant 0 : i32
      %dma_start3A_411 = tpu.memref_slice %arg6[%dma_start3A_410, %multiple_of3A_386] : memref<16x1000000xf32, #tpu.memory_space<hbm>> -> memref<16x128xf32, #tpu.memory_space<hbm>>
      %dma_start3A_412 = arith.constant 144 : i32
      %dma_start3A_413 = arith.constant 0 : i32
      %dma_start3A_414 = tpu.memref_slice %arg13[%dma_start3A_412, %dma_start3A_413] : memref<256x128xf32, #tpu.memory_space<vmem>> -> memref<16x128xf32, #tpu.memory_space<vmem>>
      %dma_start3A_415 = arith.constant 0 : i32
      %dma_start3A_416 = tpu.memref_slice %arg6[%dma_start3A_415, %multiple_of3A_386] : memref<16x1000000xf32, #tpu.memory_space<hbm>> -> memref<16x128xf32, #tpu.memory_space<hbm>>
      tpu.enqueue_dma source(%dma_start3A_416 : memref<16x128xf32, #tpu.memory_space<hbm>>) target(%dma_start3A_414 : memref<16x128xf32, #tpu.memory_space<vmem>>) target_semaphore(%arg15 : memref<!tpu.dma_semaphore, #tpu.memory_space<semaphore_mem>>)
      %slice3A_417 = vector.extract_strided_slice %mul3A_18 {offsets = [10], sizes = [1], strides = [1]} : vector<16xi32> to vector<1xi32>
      %squeeze3A_418 = vector.extract %slice3A_417[0] : i32 from vector<1xi32>
      %multiple_of3A_419 = tpu.assume_multiple %squeeze3A_418, 128 : i32
      %slice3A_420 = vector.extract_strided_slice %mul3A_24 {offsets = [10], sizes = [1], strides = [1]} : vector<16xi32> to vector<1xi32>
      %squeeze3A_421 = vector.extract %slice3A_420[0] : i32 from vector<1xi32>
      %multiple_of3A_422 = tpu.assume_multiple %squeeze3A_421, 128 : i32
      %slice3A_423 = vector.extract_strided_slice %mul3A_30 {offsets = [10], sizes = [1], strides = [1]} : vector<16xi32> to vector<1xi32>
      %squeeze3A_424 = vector.extract %slice3A_423[0] : i32 from vector<1xi32>
      %multiple_of3A_425 = tpu.assume_multiple %squeeze3A_424, 128 : i32
      %dma_start3A_426 = arith.constant 160 : i32
      %dma_start3A_427 = arith.constant 0 : i32
      %dma_start3A_428 = tpu.memref_slice %arg11[%dma_start3A_426, %dma_start3A_427] : memref<256x128xf32, #tpu.memory_space<vmem>> -> memref<16x128xf32, #tpu.memory_space<vmem>>
      %dma_start3A_429 = arith.constant 0 : i32
      %dma_start3A_430 = tpu.memref_slice %arg5[%dma_start3A_429, %multiple_of3A_419] : memref<16x1000000xf32, #tpu.memory_space<hbm>> -> memref<16x128xf32, #tpu.memory_space<hbm>>
      %dma_start3A_431 = arith.constant 160 : i32
      %dma_start3A_432 = arith.constant 0 : i32
      %dma_start3A_433 = tpu.memref_slice %arg11[%dma_start3A_431, %dma_start3A_432] : memref<256x128xf32, #tpu.memory_space<vmem>> -> memref<16x128xf32, #tpu.memory_space<vmem>>
      %dma_start3A_434 = arith.constant 0 : i32
      %dma_start3A_435 = tpu.memref_slice %arg5[%dma_start3A_434, %multiple_of3A_419] : memref<16x1000000xf32, #tpu.memory_space<hbm>> -> memref<16x128xf32, #tpu.memory_space<hbm>>
      tpu.enqueue_dma source(%dma_start3A_435 : memref<16x128xf32, #tpu.memory_space<hbm>>) target(%dma_start3A_433 : memref<16x128xf32, #tpu.memory_space<vmem>>) target_semaphore(%arg15 : memref<!tpu.dma_semaphore, #tpu.memory_space<semaphore_mem>>)
      %dma_start3A_436 = arith.constant 160 : i32
      %dma_start3A_437 = arith.constant 0 : i32
      %dma_start3A_438 = tpu.memref_slice %arg12[%dma_start3A_436, %dma_start3A_437] : memref<256x128xf32, #tpu.memory_space<vmem>> -> memref<16x128xf32, #tpu.memory_space<vmem>>
      %dma_start3A_439 = arith.constant 0 : i32
      %dma_start3A_440 = tpu.memref_slice %arg6[%dma_start3A_439, %multiple_of3A_422] : memref<16x1000000xf32, #tpu.memory_space<hbm>> -> memref<16x128xf32, #tpu.memory_space<hbm>>
      %dma_start3A_441 = arith.constant 160 : i32
      %dma_start3A_442 = arith.constant 0 : i32
      %dma_start3A_443 = tpu.memref_slice %arg12[%dma_start3A_441, %dma_start3A_442] : memref<256x128xf32, #tpu.memory_space<vmem>> -> memref<16x128xf32, #tpu.memory_space<vmem>>
      %dma_start3A_444 = arith.constant 0 : i32
      %dma_start3A_445 = tpu.memref_slice %arg6[%dma_start3A_444, %multiple_of3A_422] : memref<16x1000000xf32, #tpu.memory_space<hbm>> -> memref<16x128xf32, #tpu.memory_space<hbm>>
      tpu.enqueue_dma source(%dma_start3A_445 : memref<16x128xf32, #tpu.memory_space<hbm>>) target(%dma_start3A_443 : memref<16x128xf32, #tpu.memory_space<vmem>>) target_semaphore(%arg15 : memref<!tpu.dma_semaphore, #tpu.memory_space<semaphore_mem>>)
      %dma_start3A_446 = arith.constant 160 : i32
      %dma_start3A_447 = arith.constant 0 : i32
      %dma_start3A_448 = tpu.memref_slice %arg13[%dma_start3A_446, %dma_start3A_447] : memref<256x128xf32, #tpu.memory_space<vmem>> -> memref<16x128xf32, #tpu.memory_space<vmem>>
      %dma_start3A_449 = arith.constant 0 : i32
      %dma_start3A_450 = tpu.memref_slice %arg6[%dma_start3A_449, %multiple_of3A_425] : memref<16x1000000xf32, #tpu.memory_space<hbm>> -> memref<16x128xf32, #tpu.memory_space<hbm>>
      %dma_start3A_451 = arith.constant 160 : i32
      %dma_start3A_452 = arith.constant 0 : i32
      %dma_start3A_453 = tpu.memref_slice %arg13[%dma_start3A_451, %dma_start3A_452] : memref<256x128xf32, #tpu.memory_space<vmem>> -> memref<16x128xf32, #tpu.memory_space<vmem>>
      %dma_start3A_454 = arith.constant 0 : i32
      %dma_start3A_455 = tpu.memref_slice %arg6[%dma_start3A_454, %multiple_of3A_425] : memref<16x1000000xf32, #tpu.memory_space<hbm>> -> memref<16x128xf32, #tpu.memory_space<hbm>>
      tpu.enqueue_dma source(%dma_start3A_455 : memref<16x128xf32, #tpu.memory_space<hbm>>) target(%dma_start3A_453 : memref<16x128xf32, #tpu.memory_space<vmem>>) target_semaphore(%arg15 : memref<!tpu.dma_semaphore, #tpu.memory_space<semaphore_mem>>)
      %slice3A_456 = vector.extract_strided_slice %mul3A_18 {offsets = [11], sizes = [1], strides = [1]} : vector<16xi32> to vector<1xi32>
      %squeeze3A_457 = vector.extract %slice3A_456[0] : i32 from vector<1xi32>
      %multiple_of3A_458 = tpu.assume_multiple %squeeze3A_457, 128 : i32
      %slice3A_459 = vector.extract_strided_slice %mul3A_24 {offsets = [11], sizes = [1], strides = [1]} : vector<16xi32> to vector<1xi32>
      %squeeze3A_460 = vector.extract %slice3A_459[0] : i32 from vector<1xi32>
      %multiple_of3A_461 = tpu.assume_multiple %squeeze3A_460, 128 : i32
      %slice3A_462 = vector.extract_strided_slice %mul3A_30 {offsets = [11], sizes = [1], strides = [1]} : vector<16xi32> to vector<1xi32>
      %squeeze3A_463 = vector.extract %slice3A_462[0] : i32 from vector<1xi32>
      %multiple_of3A_464 = tpu.assume_multiple %squeeze3A_463, 128 : i32
      %dma_start3A_465 = arith.constant 176 : i32
      %dma_start3A_466 = arith.constant 0 : i32
      %dma_start3A_467 = tpu.memref_slice %arg11[%dma_start3A_465, %dma_start3A_466] : memref<256x128xf32, #tpu.memory_space<vmem>> -> memref<16x128xf32, #tpu.memory_space<vmem>>
      %dma_start3A_468 = arith.constant 0 : i32
      %dma_start3A_469 = tpu.memref_slice %arg5[%dma_start3A_468, %multiple_of3A_458] : memref<16x1000000xf32, #tpu.memory_space<hbm>> -> memref<16x128xf32, #tpu.memory_space<hbm>>
      %dma_start3A_470 = arith.constant 176 : i32
      %dma_start3A_471 = arith.constant 0 : i32
      %dma_start3A_472 = tpu.memref_slice %arg11[%dma_start3A_470, %dma_start3A_471] : memref<256x128xf32, #tpu.memory_space<vmem>> -> memref<16x128xf32, #tpu.memory_space<vmem>>
      %dma_start3A_473 = arith.constant 0 : i32
      %dma_start3A_474 = tpu.memref_slice %arg5[%dma_start3A_473, %multiple_of3A_458] : memref<16x1000000xf32, #tpu.memory_space<hbm>> -> memref<16x128xf32, #tpu.memory_space<hbm>>
      tpu.enqueue_dma source(%dma_start3A_474 : memref<16x128xf32, #tpu.memory_space<hbm>>) target(%dma_start3A_472 : memref<16x128xf32, #tpu.memory_space<vmem>>) target_semaphore(%arg15 : memref<!tpu.dma_semaphore, #tpu.memory_space<semaphore_mem>>)
      %dma_start3A_475 = arith.constant 176 : i32
      %dma_start3A_476 = arith.constant 0 : i32
      %dma_start3A_477 = tpu.memref_slice %arg12[%dma_start3A_475, %dma_start3A_476] : memref<256x128xf32, #tpu.memory_space<vmem>> -> memref<16x128xf32, #tpu.memory_space<vmem>>
      %dma_start3A_478 = arith.constant 0 : i32
      %dma_start3A_479 = tpu.memref_slice %arg6[%dma_start3A_478, %multiple_of3A_461] : memref<16x1000000xf32, #tpu.memory_space<hbm>> -> memref<16x128xf32, #tpu.memory_space<hbm>>
      %dma_start3A_480 = arith.constant 176 : i32
      %dma_start3A_481 = arith.constant 0 : i32
      %dma_start3A_482 = tpu.memref_slice %arg12[%dma_start3A_480, %dma_start3A_481] : memref<256x128xf32, #tpu.memory_space<vmem>> -> memref<16x128xf32, #tpu.memory_space<vmem>>
      %dma_start3A_483 = arith.constant 0 : i32
      %dma_start3A_484 = tpu.memref_slice %arg6[%dma_start3A_483, %multiple_of3A_461] : memref<16x1000000xf32, #tpu.memory_space<hbm>> -> memref<16x128xf32, #tpu.memory_space<hbm>>
      tpu.enqueue_dma source(%dma_start3A_484 : memref<16x128xf32, #tpu.memory_space<hbm>>) target(%dma_start3A_482 : memref<16x128xf32, #tpu.memory_space<vmem>>) target_semaphore(%arg15 : memref<!tpu.dma_semaphore, #tpu.memory_space<semaphore_mem>>)
      %dma_start3A_485 = arith.constant 176 : i32
      %dma_start3A_486 = arith.constant 0 : i32
      %dma_start3A_487 = tpu.memref_slice %arg13[%dma_start3A_485, %dma_start3A_486] : memref<256x128xf32, #tpu.memory_space<vmem>> -> memref<16x128xf32, #tpu.memory_space<vmem>>
      %dma_start3A_488 = arith.constant 0 : i32
      %dma_start3A_489 = tpu.memref_slice %arg6[%dma_start3A_488, %multiple_of3A_464] : memref<16x1000000xf32, #tpu.memory_space<hbm>> -> memref<16x128xf32, #tpu.memory_space<hbm>>
      %dma_start3A_490 = arith.constant 176 : i32
      %dma_start3A_491 = arith.constant 0 : i32
      %dma_start3A_492 = tpu.memref_slice %arg13[%dma_start3A_490, %dma_start3A_491] : memref<256x128xf32, #tpu.memory_space<vmem>> -> memref<16x128xf32, #tpu.memory_space<vmem>>
      %dma_start3A_493 = arith.constant 0 : i32
      %dma_start3A_494 = tpu.memref_slice %arg6[%dma_start3A_493, %multiple_of3A_464] : memref<16x1000000xf32, #tpu.memory_space<hbm>> -> memref<16x128xf32, #tpu.memory_space<hbm>>
      tpu.enqueue_dma source(%dma_start3A_494 : memref<16x128xf32, #tpu.memory_space<hbm>>) target(%dma_start3A_492 : memref<16x128xf32, #tpu.memory_space<vmem>>) target_semaphore(%arg15 : memref<!tpu.dma_semaphore, #tpu.memory_space<semaphore_mem>>)
      %slice3A_495 = vector.extract_strided_slice %mul3A_18 {offsets = [12], sizes = [1], strides = [1]} : vector<16xi32> to vector<1xi32>
      %squeeze3A_496 = vector.extract %slice3A_495[0] : i32 from vector<1xi32>
      %multiple_of3A_497 = tpu.assume_multiple %squeeze3A_496, 128 : i32
      %slice3A_498 = vector.extract_strided_slice %mul3A_24 {offsets = [12], sizes = [1], strides = [1]} : vector<16xi32> to vector<1xi32>
      %squeeze3A_499 = vector.extract %slice3A_498[0] : i32 from vector<1xi32>
      %multiple_of3A_500 = tpu.assume_multiple %squeeze3A_499, 128 : i32
      %slice3A_501 = vector.extract_strided_slice %mul3A_30 {offsets = [12], sizes = [1], strides = [1]} : vector<16xi32> to vector<1xi32>
      %squeeze3A_502 = vector.extract %slice3A_501[0] : i32 from vector<1xi32>
      %multiple_of3A_503 = tpu.assume_multiple %squeeze3A_502, 128 : i32
      %dma_start3A_504 = arith.constant 192 : i32
      %dma_start3A_505 = arith.constant 0 : i32
      %dma_start3A_506 = tpu.memref_slice %arg11[%dma_start3A_504, %dma_start3A_505] : memref<256x128xf32, #tpu.memory_space<vmem>> -> memref<16x128xf32, #tpu.memory_space<vmem>>
      %dma_start3A_507 = arith.constant 0 : i32
      %dma_start3A_508 = tpu.memref_slice %arg5[%dma_start3A_507, %multiple_of3A_497] : memref<16x1000000xf32, #tpu.memory_space<hbm>> -> memref<16x128xf32, #tpu.memory_space<hbm>>
      %dma_start3A_509 = arith.constant 192 : i32
      %dma_start3A_510 = arith.constant 0 : i32
      %dma_start3A_511 = tpu.memref_slice %arg11[%dma_start3A_509, %dma_start3A_510] : memref<256x128xf32, #tpu.memory_space<vmem>> -> memref<16x128xf32, #tpu.memory_space<vmem>>
      %dma_start3A_512 = arith.constant 0 : i32
      %dma_start3A_513 = tpu.memref_slice %arg5[%dma_start3A_512, %multiple_of3A_497] : memref<16x1000000xf32, #tpu.memory_space<hbm>> -> memref<16x128xf32, #tpu.memory_space<hbm>>
      tpu.enqueue_dma source(%dma_start3A_513 : memref<16x128xf32, #tpu.memory_space<hbm>>) target(%dma_start3A_511 : memref<16x128xf32, #tpu.memory_space<vmem>>) target_semaphore(%arg15 : memref<!tpu.dma_semaphore, #tpu.memory_space<semaphore_mem>>)
      %dma_start3A_514 = arith.constant 192 : i32
      %dma_start3A_515 = arith.constant 0 : i32
      %dma_start3A_516 = tpu.memref_slice %arg12[%dma_start3A_514, %dma_start3A_515] : memref<256x128xf32, #tpu.memory_space<vmem>> -> memref<16x128xf32, #tpu.memory_space<vmem>>
      %dma_start3A_517 = arith.constant 0 : i32
      %dma_start3A_518 = tpu.memref_slice %arg6[%dma_start3A_517, %multiple_of3A_500] : memref<16x1000000xf32, #tpu.memory_space<hbm>> -> memref<16x128xf32, #tpu.memory_space<hbm>>
      %dma_start3A_519 = arith.constant 192 : i32
      %dma_start3A_520 = arith.constant 0 : i32
      %dma_start3A_521 = tpu.memref_slice %arg12[%dma_start3A_519, %dma_start3A_520] : memref<256x128xf32, #tpu.memory_space<vmem>> -> memref<16x128xf32, #tpu.memory_space<vmem>>
      %dma_start3A_522 = arith.constant 0 : i32
      %dma_start3A_523 = tpu.memref_slice %arg6[%dma_start3A_522, %multiple_of3A_500] : memref<16x1000000xf32, #tpu.memory_space<hbm>> -> memref<16x128xf32, #tpu.memory_space<hbm>>
      tpu.enqueue_dma source(%dma_start3A_523 : memref<16x128xf32, #tpu.memory_space<hbm>>) target(%dma_start3A_521 : memref<16x128xf32, #tpu.memory_space<vmem>>) target_semaphore(%arg15 : memref<!tpu.dma_semaphore, #tpu.memory_space<semaphore_mem>>)
      %dma_start3A_524 = arith.constant 192 : i32
      %dma_start3A_525 = arith.constant 0 : i32
      %dma_start3A_526 = tpu.memref_slice %arg13[%dma_start3A_524, %dma_start3A_525] : memref<256x128xf32, #tpu.memory_space<vmem>> -> memref<16x128xf32, #tpu.memory_space<vmem>>
      %dma_start3A_527 = arith.constant 0 : i32
      %dma_start3A_528 = tpu.memref_slice %arg6[%dma_start3A_527, %multiple_of3A_503] : memref<16x1000000xf32, #tpu.memory_space<hbm>> -> memref<16x128xf32, #tpu.memory_space<hbm>>
      %dma_start3A_529 = arith.constant 192 : i32
      %dma_start3A_530 = arith.constant 0 : i32
      %dma_start3A_531 = tpu.memref_slice %arg13[%dma_start3A_529, %dma_start3A_530] : memref<256x128xf32, #tpu.memory_space<vmem>> -> memref<16x128xf32, #tpu.memory_space<vmem>>
      %dma_start3A_532 = arith.constant 0 : i32
      %dma_start3A_533 = tpu.memref_slice %arg6[%dma_start3A_532, %multiple_of3A_503] : memref<16x1000000xf32, #tpu.memory_space<hbm>> -> memref<16x128xf32, #tpu.memory_space<hbm>>
      tpu.enqueue_dma source(%dma_start3A_533 : memref<16x128xf32, #tpu.memory_space<hbm>>) target(%dma_start3A_531 : memref<16x128xf32, #tpu.memory_space<vmem>>) target_semaphore(%arg15 : memref<!tpu.dma_semaphore, #tpu.memory_space<semaphore_mem>>)
      %slice3A_534 = vector.extract_strided_slice %mul3A_18 {offsets = [13], sizes = [1], strides = [1]} : vector<16xi32> to vector<1xi32>
      %squeeze3A_535 = vector.extract %slice3A_534[0] : i32 from vector<1xi32>
      %multiple_of3A_536 = tpu.assume_multiple %squeeze3A_535, 128 : i32
      %slice3A_537 = vector.extract_strided_slice %mul3A_24 {offsets = [13], sizes = [1], strides = [1]} : vector<16xi32> to vector<1xi32>
      %squeeze3A_538 = vector.extract %slice3A_537[0] : i32 from vector<1xi32>
      %multiple_of3A_539 = tpu.assume_multiple %squeeze3A_538, 128 : i32
      %slice3A_540 = vector.extract_strided_slice %mul3A_30 {offsets = [13], sizes = [1], strides = [1]} : vector<16xi32> to vector<1xi32>
      %squeeze3A_541 = vector.extract %slice3A_540[0] : i32 from vector<1xi32>
      %multiple_of3A_542 = tpu.assume_multiple %squeeze3A_541, 128 : i32
      %dma_start3A_543 = arith.constant 208 : i32
      %dma_start3A_544 = arith.constant 0 : i32
      %dma_start3A_545 = tpu.memref_slice %arg11[%dma_start3A_543, %dma_start3A_544] : memref<256x128xf32, #tpu.memory_space<vmem>> -> memref<16x128xf32, #tpu.memory_space<vmem>>
      %dma_start3A_546 = arith.constant 0 : i32
      %dma_start3A_547 = tpu.memref_slice %arg5[%dma_start3A_546, %multiple_of3A_536] : memref<16x1000000xf32, #tpu.memory_space<hbm>> -> memref<16x128xf32, #tpu.memory_space<hbm>>
      %dma_start3A_548 = arith.constant 208 : i32
      %dma_start3A_549 = arith.constant 0 : i32
      %dma_start3A_550 = tpu.memref_slice %arg11[%dma_start3A_548, %dma_start3A_549] : memref<256x128xf32, #tpu.memory_space<vmem>> -> memref<16x128xf32, #tpu.memory_space<vmem>>
      %dma_start3A_551 = arith.constant 0 : i32
      %dma_start3A_552 = tpu.memref_slice %arg5[%dma_start3A_551, %multiple_of3A_536] : memref<16x1000000xf32, #tpu.memory_space<hbm>> -> memref<16x128xf32, #tpu.memory_space<hbm>>
      tpu.enqueue_dma source(%dma_start3A_552 : memref<16x128xf32, #tpu.memory_space<hbm>>) target(%dma_start3A_550 : memref<16x128xf32, #tpu.memory_space<vmem>>) target_semaphore(%arg15 : memref<!tpu.dma_semaphore, #tpu.memory_space<semaphore_mem>>)
      %dma_start3A_553 = arith.constant 208 : i32
      %dma_start3A_554 = arith.constant 0 : i32
      %dma_start3A_555 = tpu.memref_slice %arg12[%dma_start3A_553, %dma_start3A_554] : memref<256x128xf32, #tpu.memory_space<vmem>> -> memref<16x128xf32, #tpu.memory_space<vmem>>
      %dma_start3A_556 = arith.constant 0 : i32
      %dma_start3A_557 = tpu.memref_slice %arg6[%dma_start3A_556, %multiple_of3A_539] : memref<16x1000000xf32, #tpu.memory_space<hbm>> -> memref<16x128xf32, #tpu.memory_space<hbm>>
      %dma_start3A_558 = arith.constant 208 : i32
      %dma_start3A_559 = arith.constant 0 : i32
      %dma_start3A_560 = tpu.memref_slice %arg12[%dma_start3A_558, %dma_start3A_559] : memref<256x128xf32, #tpu.memory_space<vmem>> -> memref<16x128xf32, #tpu.memory_space<vmem>>
      %dma_start3A_561 = arith.constant 0 : i32
      %dma_start3A_562 = tpu.memref_slice %arg6[%dma_start3A_561, %multiple_of3A_539] : memref<16x1000000xf32, #tpu.memory_space<hbm>> -> memref<16x128xf32, #tpu.memory_space<hbm>>
      tpu.enqueue_dma source(%dma_start3A_562 : memref<16x128xf32, #tpu.memory_space<hbm>>) target(%dma_start3A_560 : memref<16x128xf32, #tpu.memory_space<vmem>>) target_semaphore(%arg15 : memref<!tpu.dma_semaphore, #tpu.memory_space<semaphore_mem>>)
      %dma_start3A_563 = arith.constant 208 : i32
      %dma_start3A_564 = arith.constant 0 : i32
      %dma_start3A_565 = tpu.memref_slice %arg13[%dma_start3A_563, %dma_start3A_564] : memref<256x128xf32, #tpu.memory_space<vmem>> -> memref<16x128xf32, #tpu.memory_space<vmem>>
      %dma_start3A_566 = arith.constant 0 : i32
      %dma_start3A_567 = tpu.memref_slice %arg6[%dma_start3A_566, %multiple_of3A_542] : memref<16x1000000xf32, #tpu.memory_space<hbm>> -> memref<16x128xf32, #tpu.memory_space<hbm>>
      %dma_start3A_568 = arith.constant 208 : i32
      %dma_start3A_569 = arith.constant 0 : i32
      %dma_start3A_570 = tpu.memref_slice %arg13[%dma_start3A_568, %dma_start3A_569] : memref<256x128xf32, #tpu.memory_space<vmem>> -> memref<16x128xf32, #tpu.memory_space<vmem>>
      %dma_start3A_571 = arith.constant 0 : i32
      %dma_start3A_572 = tpu.memref_slice %arg6[%dma_start3A_571, %multiple_of3A_542] : memref<16x1000000xf32, #tpu.memory_space<hbm>> -> memref<16x128xf32, #tpu.memory_space<hbm>>
      tpu.enqueue_dma source(%dma_start3A_572 : memref<16x128xf32, #tpu.memory_space<hbm>>) target(%dma_start3A_570 : memref<16x128xf32, #tpu.memory_space<vmem>>) target_semaphore(%arg15 : memref<!tpu.dma_semaphore, #tpu.memory_space<semaphore_mem>>)
      %slice3A_573 = vector.extract_strided_slice %mul3A_18 {offsets = [14], sizes = [1], strides = [1]} : vector<16xi32> to vector<1xi32>
      %squeeze3A_574 = vector.extract %slice3A_573[0] : i32 from vector<1xi32>
      %multiple_of3A_575 = tpu.assume_multiple %squeeze3A_574, 128 : i32
      %slice3A_576 = vector.extract_strided_slice %mul3A_24 {offsets = [14], sizes = [1], strides = [1]} : vector<16xi32> to vector<1xi32>
      %squeeze3A_577 = vector.extract %slice3A_576[0] : i32 from vector<1xi32>
      %multiple_of3A_578 = tpu.assume_multiple %squeeze3A_577, 128 : i32
      %slice3A_579 = vector.extract_strided_slice %mul3A_30 {offsets = [14], sizes = [1], strides = [1]} : vector<16xi32> to vector<1xi32>
      %squeeze3A_580 = vector.extract %slice3A_579[0] : i32 from vector<1xi32>
      %multiple_of3A_581 = tpu.assume_multiple %squeeze3A_580, 128 : i32
      %dma_start3A_582 = arith.constant 224 : i32
      %dma_start3A_583 = arith.constant 0 : i32
      %dma_start3A_584 = tpu.memref_slice %arg11[%dma_start3A_582, %dma_start3A_583] : memref<256x128xf32, #tpu.memory_space<vmem>> -> memref<16x128xf32, #tpu.memory_space<vmem>>
      %dma_start3A_585 = arith.constant 0 : i32
      %dma_start3A_586 = tpu.memref_slice %arg5[%dma_start3A_585, %multiple_of3A_575] : memref<16x1000000xf32, #tpu.memory_space<hbm>> -> memref<16x128xf32, #tpu.memory_space<hbm>>
      %dma_start3A_587 = arith.constant 224 : i32
      %dma_start3A_588 = arith.constant 0 : i32
      %dma_start3A_589 = tpu.memref_slice %arg11[%dma_start3A_587, %dma_start3A_588] : memref<256x128xf32, #tpu.memory_space<vmem>> -> memref<16x128xf32, #tpu.memory_space<vmem>>
      %dma_start3A_590 = arith.constant 0 : i32
      %dma_start3A_591 = tpu.memref_slice %arg5[%dma_start3A_590, %multiple_of3A_575] : memref<16x1000000xf32, #tpu.memory_space<hbm>> -> memref<16x128xf32, #tpu.memory_space<hbm>>
      tpu.enqueue_dma source(%dma_start3A_591 : memref<16x128xf32, #tpu.memory_space<hbm>>) target(%dma_start3A_589 : memref<16x128xf32, #tpu.memory_space<vmem>>) target_semaphore(%arg15 : memref<!tpu.dma_semaphore, #tpu.memory_space<semaphore_mem>>)
      %dma_start3A_592 = arith.constant 224 : i32
      %dma_start3A_593 = arith.constant 0 : i32
      %dma_start3A_594 = tpu.memref_slice %arg12[%dma_start3A_592, %dma_start3A_593] : memref<256x128xf32, #tpu.memory_space<vmem>> -> memref<16x128xf32, #tpu.memory_space<vmem>>
      %dma_start3A_595 = arith.constant 0 : i32
      %dma_start3A_596 = tpu.memref_slice %arg6[%dma_start3A_595, %multiple_of3A_578] : memref<16x1000000xf32, #tpu.memory_space<hbm>> -> memref<16x128xf32, #tpu.memory_space<hbm>>
      %dma_start3A_597 = arith.constant 224 : i32
      %dma_start3A_598 = arith.constant 0 : i32
      %dma_start3A_599 = tpu.memref_slice %arg12[%dma_start3A_597, %dma_start3A_598] : memref<256x128xf32, #tpu.memory_space<vmem>> -> memref<16x128xf32, #tpu.memory_space<vmem>>
      %dma_start3A_600 = arith.constant 0 : i32
      %dma_start3A_601 = tpu.memref_slice %arg6[%dma_start3A_600, %multiple_of3A_578] : memref<16x1000000xf32, #tpu.memory_space<hbm>> -> memref<16x128xf32, #tpu.memory_space<hbm>>
      tpu.enqueue_dma source(%dma_start3A_601 : memref<16x128xf32, #tpu.memory_space<hbm>>) target(%dma_start3A_599 : memref<16x128xf32, #tpu.memory_space<vmem>>) target_semaphore(%arg15 : memref<!tpu.dma_semaphore, #tpu.memory_space<semaphore_mem>>)
      %dma_start3A_602 = arith.constant 224 : i32
      %dma_start3A_603 = arith.constant 0 : i32
      %dma_start3A_604 = tpu.memref_slice %arg13[%dma_start3A_602, %dma_start3A_603] : memref<256x128xf32, #tpu.memory_space<vmem>> -> memref<16x128xf32, #tpu.memory_space<vmem>>
      %dma_start3A_605 = arith.constant 0 : i32
      %dma_start3A_606 = tpu.memref_slice %arg6[%dma_start3A_605, %multiple_of3A_581] : memref<16x1000000xf32, #tpu.memory_space<hbm>> -> memref<16x128xf32, #tpu.memory_space<hbm>>
      %dma_start3A_607 = arith.constant 224 : i32
      %dma_start3A_608 = arith.constant 0 : i32
      %dma_start3A_609 = tpu.memref_slice %arg13[%dma_start3A_607, %dma_start3A_608] : memref<256x128xf32, #tpu.memory_space<vmem>> -> memref<16x128xf32, #tpu.memory_space<vmem>>
      %dma_start3A_610 = arith.constant 0 : i32
      %dma_start3A_611 = tpu.memref_slice %arg6[%dma_start3A_610, %multiple_of3A_581] : memref<16x1000000xf32, #tpu.memory_space<hbm>> -> memref<16x128xf32, #tpu.memory_space<hbm>>
      tpu.enqueue_dma source(%dma_start3A_611 : memref<16x128xf32, #tpu.memory_space<hbm>>) target(%dma_start3A_609 : memref<16x128xf32, #tpu.memory_space<vmem>>) target_semaphore(%arg15 : memref<!tpu.dma_semaphore, #tpu.memory_space<semaphore_mem>>)
      %slice3A_612 = vector.extract_strided_slice %mul3A_18 {offsets = [15], sizes = [1], strides = [1]} : vector<16xi32> to vector<1xi32>
      %squeeze3A_613 = vector.extract %slice3A_612[0] : i32 from vector<1xi32>
      %multiple_of3A_614 = tpu.assume_multiple %squeeze3A_613, 128 : i32
      %slice3A_615 = vector.extract_strided_slice %mul3A_24 {offsets = [15], sizes = [1], strides = [1]} : vector<16xi32> to vector<1xi32>
      %squeeze3A_616 = vector.extract %slice3A_615[0] : i32 from vector<1xi32>
      %multiple_of3A_617 = tpu.assume_multiple %squeeze3A_616, 128 : i32
      %slice3A_618 = vector.extract_strided_slice %mul3A_30 {offsets = [15], sizes = [1], strides = [1]} : vector<16xi32> to vector<1xi32>
      %squeeze3A_619 = vector.extract %slice3A_618[0] : i32 from vector<1xi32>
      %multiple_of3A_620 = tpu.assume_multiple %squeeze3A_619, 128 : i32
      %dma_start3A_621 = arith.constant 240 : i32
      %dma_start3A_622 = arith.constant 0 : i32
      %dma_start3A_623 = tpu.memref_slice %arg11[%dma_start3A_621, %dma_start3A_622] : memref<256x128xf32, #tpu.memory_space<vmem>> -> memref<16x128xf32, #tpu.memory_space<vmem>>
      %dma_start3A_624 = arith.constant 0 : i32
      %dma_start3A_625 = tpu.memref_slice %arg5[%dma_start3A_624, %multiple_of3A_614] : memref<16x1000000xf32, #tpu.memory_space<hbm>> -> memref<16x128xf32, #tpu.memory_space<hbm>>
      %dma_start3A_626 = arith.constant 240 : i32
      %dma_start3A_627 = arith.constant 0 : i32
      %dma_start3A_628 = tpu.memref_slice %arg11[%dma_start3A_626, %dma_start3A_627] : memref<256x128xf32, #tpu.memory_space<vmem>> -> memref<16x128xf32, #tpu.memory_space<vmem>>
      %dma_start3A_629 = arith.constant 0 : i32
      %dma_start3A_630 = tpu.memref_slice %arg5[%dma_start3A_629, %multiple_of3A_614] : memref<16x1000000xf32, #tpu.memory_space<hbm>> -> memref<16x128xf32, #tpu.memory_space<hbm>>
      tpu.enqueue_dma source(%dma_start3A_630 : memref<16x128xf32, #tpu.memory_space<hbm>>) target(%dma_start3A_628 : memref<16x128xf32, #tpu.memory_space<vmem>>) target_semaphore(%arg15 : memref<!tpu.dma_semaphore, #tpu.memory_space<semaphore_mem>>)
      %dma_start3A_631 = arith.constant 240 : i32
      %dma_start3A_632 = arith.constant 0 : i32
      %dma_start3A_633 = tpu.memref_slice %arg12[%dma_start3A_631, %dma_start3A_632] : memref<256x128xf32, #tpu.memory_space<vmem>> -> memref<16x128xf32, #tpu.memory_space<vmem>>
      %dma_start3A_634 = arith.constant 0 : i32
      %dma_start3A_635 = tpu.memref_slice %arg6[%dma_start3A_634, %multiple_of3A_617] : memref<16x1000000xf32, #tpu.memory_space<hbm>> -> memref<16x128xf32, #tpu.memory_space<hbm>>
      %dma_start3A_636 = arith.constant 240 : i32
      %dma_start3A_637 = arith.constant 0 : i32
      %dma_start3A_638 = tpu.memref_slice %arg12[%dma_start3A_636, %dma_start3A_637] : memref<256x128xf32, #tpu.memory_space<vmem>> -> memref<16x128xf32, #tpu.memory_space<vmem>>
      %dma_start3A_639 = arith.constant 0 : i32
      %dma_start3A_640 = tpu.memref_slice %arg6[%dma_start3A_639, %multiple_of3A_617] : memref<16x1000000xf32, #tpu.memory_space<hbm>> -> memref<16x128xf32, #tpu.memory_space<hbm>>
      tpu.enqueue_dma source(%dma_start3A_640 : memref<16x128xf32, #tpu.memory_space<hbm>>) target(%dma_start3A_638 : memref<16x128xf32, #tpu.memory_space<vmem>>) target_semaphore(%arg15 : memref<!tpu.dma_semaphore, #tpu.memory_space<semaphore_mem>>)
      %dma_start3A_641 = arith.constant 240 : i32
      %dma_start3A_642 = arith.constant 0 : i32
      %dma_start3A_643 = tpu.memref_slice %arg13[%dma_start3A_641, %dma_start3A_642] : memref<256x128xf32, #tpu.memory_space<vmem>> -> memref<16x128xf32, #tpu.memory_space<vmem>>
      %dma_start3A_644 = arith.constant 0 : i32
      %dma_start3A_645 = tpu.memref_slice %arg6[%dma_start3A_644, %multiple_of3A_620] : memref<16x1000000xf32, #tpu.memory_space<hbm>> -> memref<16x128xf32, #tpu.memory_space<hbm>>
      %dma_start3A_646 = arith.constant 240 : i32
      %dma_start3A_647 = arith.constant 0 : i32
      %dma_start3A_648 = tpu.memref_slice %arg13[%dma_start3A_646, %dma_start3A_647] : memref<256x128xf32, #tpu.memory_space<vmem>> -> memref<16x128xf32, #tpu.memory_space<vmem>>
      %dma_start3A_649 = arith.constant 0 : i32
      %dma_start3A_650 = tpu.memref_slice %arg6[%dma_start3A_649, %multiple_of3A_620] : memref<16x1000000xf32, #tpu.memory_space<hbm>> -> memref<16x128xf32, #tpu.memory_space<hbm>>
      tpu.enqueue_dma source(%dma_start3A_650 : memref<16x128xf32, #tpu.memory_space<hbm>>) target(%dma_start3A_648 : memref<16x128xf32, #tpu.memory_space<vmem>>) target_semaphore(%arg15 : memref<!tpu.dma_semaphore, #tpu.memory_space<semaphore_mem>>)
      %dma_wait3A = arith.constant 0 : i32
      %dma_wait3A_651 = arith.constant 0 : i32
      %dma_wait3A_652 = tpu.memref_slice %arg11[%dma_wait3A, %dma_wait3A_651] : memref<256x128xf32, #tpu.memory_space<vmem>> -> memref<16x128xf32, #tpu.memory_space<vmem>>
      %dma_wait3A_653 = arith.constant 0 : i32
      %dma_wait3A_654 = tpu.memref_slice %arg5[%dma_wait3A_653, %multiple_of3A] : memref<16x1000000xf32, #tpu.memory_space<hbm>> -> memref<16x128xf32, #tpu.memory_space<hbm>>
      %dma_wait3A_655 = arith.constant 0 : i32
      %dma_wait3A_656 = arith.constant 0 : i32
      %dma_wait3A_657 = tpu.memref_slice %arg11[%dma_wait3A_655, %dma_wait3A_656] : memref<256x128xf32, #tpu.memory_space<vmem>> -> memref<16x128xf32, #tpu.memory_space<vmem>>
      %dma_wait3A_658 = arith.constant 0 : i32
      %dma_wait3A_659 = tpu.memref_slice %arg5[%dma_wait3A_658, %multiple_of3A] : memref<16x1000000xf32, #tpu.memory_space<hbm>> -> memref<16x128xf32, #tpu.memory_space<hbm>>
      tpu.wait_dma2 semaphore(%arg15 : memref<!tpu.dma_semaphore, #tpu.memory_space<semaphore_mem>>) src(%dma_wait3A_659 : memref<16x128xf32, #tpu.memory_space<hbm>>) dst(%dma_wait3A_657 : memref<16x128xf32, #tpu.memory_space<vmem>>)
      %dma_wait3A_660 = arith.constant 0 : i32
      %dma_wait3A_661 = arith.constant 0 : i32
      %dma_wait3A_662 = tpu.memref_slice %arg12[%dma_wait3A_660, %dma_wait3A_661] : memref<256x128xf32, #tpu.memory_space<vmem>> -> memref<16x128xf32, #tpu.memory_space<vmem>>
      %dma_wait3A_663 = arith.constant 0 : i32
      %dma_wait3A_664 = tpu.memref_slice %arg6[%dma_wait3A_663, %multiple_of3A_33] : memref<16x1000000xf32, #tpu.memory_space<hbm>> -> memref<16x128xf32, #tpu.memory_space<hbm>>
      %dma_wait3A_665 = arith.constant 0 : i32
      %dma_wait3A_666 = arith.constant 0 : i32
      %dma_wait3A_667 = tpu.memref_slice %arg12[%dma_wait3A_665, %dma_wait3A_666] : memref<256x128xf32, #tpu.memory_space<vmem>> -> memref<16x128xf32, #tpu.memory_space<vmem>>
      %dma_wait3A_668 = arith.constant 0 : i32
      %dma_wait3A_669 = tpu.memref_slice %arg6[%dma_wait3A_668, %multiple_of3A_33] : memref<16x1000000xf32, #tpu.memory_space<hbm>> -> memref<16x128xf32, #tpu.memory_space<hbm>>
      tpu.wait_dma2 semaphore(%arg15 : memref<!tpu.dma_semaphore, #tpu.memory_space<semaphore_mem>>) src(%dma_wait3A_669 : memref<16x128xf32, #tpu.memory_space<hbm>>) dst(%dma_wait3A_667 : memref<16x128xf32, #tpu.memory_space<vmem>>)
      %dma_wait3A_670 = arith.constant 0 : i32
      %dma_wait3A_671 = arith.constant 0 : i32
      %dma_wait3A_672 = tpu.memref_slice %arg13[%dma_wait3A_670, %dma_wait3A_671] : memref<256x128xf32, #tpu.memory_space<vmem>> -> memref<16x128xf32, #tpu.memory_space<vmem>>
      %dma_wait3A_673 = arith.constant 0 : i32
      %dma_wait3A_674 = tpu.memref_slice %arg6[%dma_wait3A_673, %multiple_of3A_36] : memref<16x1000000xf32, #tpu.memory_space<hbm>> -> memref<16x128xf32, #tpu.memory_space<hbm>>
      %dma_wait3A_675 = arith.constant 0 : i32
      %dma_wait3A_676 = arith.constant 0 : i32
      %dma_wait3A_677 = tpu.memref_slice %arg13[%dma_wait3A_675, %dma_wait3A_676] : memref<256x128xf32, #tpu.memory_space<vmem>> -> memref<16x128xf32, #tpu.memory_space<vmem>>
      %dma_wait3A_678 = arith.constant 0 : i32
      %dma_wait3A_679 = tpu.memref_slice %arg6[%dma_wait3A_678, %multiple_of3A_36] : memref<16x1000000xf32, #tpu.memory_space<hbm>> -> memref<16x128xf32, #tpu.memory_space<hbm>>
      tpu.wait_dma2 semaphore(%arg15 : memref<!tpu.dma_semaphore, #tpu.memory_space<semaphore_mem>>) src(%dma_wait3A_679 : memref<16x128xf32, #tpu.memory_space<hbm>>) dst(%dma_wait3A_677 : memref<16x128xf32, #tpu.memory_space<vmem>>)
      %dma_wait3A_680 = arith.constant 16 : i32
      %dma_wait3A_681 = arith.constant 0 : i32
      %dma_wait3A_682 = tpu.memref_slice %arg11[%dma_wait3A_680, %dma_wait3A_681] : memref<256x128xf32, #tpu.memory_space<vmem>> -> memref<16x128xf32, #tpu.memory_space<vmem>>
      %dma_wait3A_683 = arith.constant 0 : i32
      %dma_wait3A_684 = tpu.memref_slice %arg5[%dma_wait3A_683, %multiple_of3A_68] : memref<16x1000000xf32, #tpu.memory_space<hbm>> -> memref<16x128xf32, #tpu.memory_space<hbm>>
      %dma_wait3A_685 = arith.constant 16 : i32
      %dma_wait3A_686 = arith.constant 0 : i32
      %dma_wait3A_687 = tpu.memref_slice %arg11[%dma_wait3A_685, %dma_wait3A_686] : memref<256x128xf32, #tpu.memory_space<vmem>> -> memref<16x128xf32, #tpu.memory_space<vmem>>
      %dma_wait3A_688 = arith.constant 0 : i32
      %dma_wait3A_689 = tpu.memref_slice %arg5[%dma_wait3A_688, %multiple_of3A_68] : memref<16x1000000xf32, #tpu.memory_space<hbm>> -> memref<16x128xf32, #tpu.memory_space<hbm>>
      tpu.wait_dma2 semaphore(%arg15 : memref<!tpu.dma_semaphore, #tpu.memory_space<semaphore_mem>>) src(%dma_wait3A_689 : memref<16x128xf32, #tpu.memory_space<hbm>>) dst(%dma_wait3A_687 : memref<16x128xf32, #tpu.memory_space<vmem>>)
      %dma_wait3A_690 = arith.constant 16 : i32
      %dma_wait3A_691 = arith.constant 0 : i32
      %dma_wait3A_692 = tpu.memref_slice %arg12[%dma_wait3A_690, %dma_wait3A_691] : memref<256x128xf32, #tpu.memory_space<vmem>> -> memref<16x128xf32, #tpu.memory_space<vmem>>
      %dma_wait3A_693 = arith.constant 0 : i32
      %dma_wait3A_694 = tpu.memref_slice %arg6[%dma_wait3A_693, %multiple_of3A_71] : memref<16x1000000xf32, #tpu.memory_space<hbm>> -> memref<16x128xf32, #tpu.memory_space<hbm>>
      %dma_wait3A_695 = arith.constant 16 : i32
      %dma_wait3A_696 = arith.constant 0 : i32
      %dma_wait3A_697 = tpu.memref_slice %arg12[%dma_wait3A_695, %dma_wait3A_696] : memref<256x128xf32, #tpu.memory_space<vmem>> -> memref<16x128xf32, #tpu.memory_space<vmem>>
      %dma_wait3A_698 = arith.constant 0 : i32
      %dma_wait3A_699 = tpu.memref_slice %arg6[%dma_wait3A_698, %multiple_of3A_71] : memref<16x1000000xf32, #tpu.memory_space<hbm>> -> memref<16x128xf32, #tpu.memory_space<hbm>>
      tpu.wait_dma2 semaphore(%arg15 : memref<!tpu.dma_semaphore, #tpu.memory_space<semaphore_mem>>) src(%dma_wait3A_699 : memref<16x128xf32, #tpu.memory_space<hbm>>) dst(%dma_wait3A_697 : memref<16x128xf32, #tpu.memory_space<vmem>>)
      %dma_wait3A_700 = arith.constant 16 : i32
      %dma_wait3A_701 = arith.constant 0 : i32
      %dma_wait3A_702 = tpu.memref_slice %arg13[%dma_wait3A_700, %dma_wait3A_701] : memref<256x128xf32, #tpu.memory_space<vmem>> -> memref<16x128xf32, #tpu.memory_space<vmem>>
      %dma_wait3A_703 = arith.constant 0 : i32
      %dma_wait3A_704 = tpu.memref_slice %arg6[%dma_wait3A_703, %multiple_of3A_74] : memref<16x1000000xf32, #tpu.memory_space<hbm>> -> memref<16x128xf32, #tpu.memory_space<hbm>>
      %dma_wait3A_705 = arith.constant 16 : i32
      %dma_wait3A_706 = arith.constant 0 : i32
      %dma_wait3A_707 = tpu.memref_slice %arg13[%dma_wait3A_705, %dma_wait3A_706] : memref<256x128xf32, #tpu.memory_space<vmem>> -> memref<16x128xf32, #tpu.memory_space<vmem>>
      %dma_wait3A_708 = arith.constant 0 : i32
      %dma_wait3A_709 = tpu.memref_slice %arg6[%dma_wait3A_708, %multiple_of3A_74] : memref<16x1000000xf32, #tpu.memory_space<hbm>> -> memref<16x128xf32, #tpu.memory_space<hbm>>
      tpu.wait_dma2 semaphore(%arg15 : memref<!tpu.dma_semaphore, #tpu.memory_space<semaphore_mem>>) src(%dma_wait3A_709 : memref<16x128xf32, #tpu.memory_space<hbm>>) dst(%dma_wait3A_707 : memref<16x128xf32, #tpu.memory_space<vmem>>)
      %dma_wait3A_710 = arith.constant 32 : i32
      %dma_wait3A_711 = arith.constant 0 : i32
      %dma_wait3A_712 = tpu.memref_slice %arg11[%dma_wait3A_710, %dma_wait3A_711] : memref<256x128xf32, #tpu.memory_space<vmem>> -> memref<16x128xf32, #tpu.memory_space<vmem>>
      %dma_wait3A_713 = arith.constant 0 : i32
      %dma_wait3A_714 = tpu.memref_slice %arg5[%dma_wait3A_713, %multiple_of3A_107] : memref<16x1000000xf32, #tpu.memory_space<hbm>> -> memref<16x128xf32, #tpu.memory_space<hbm>>
      %dma_wait3A_715 = arith.constant 32 : i32
      %dma_wait3A_716 = arith.constant 0 : i32
      %dma_wait3A_717 = tpu.memref_slice %arg11[%dma_wait3A_715, %dma_wait3A_716] : memref<256x128xf32, #tpu.memory_space<vmem>> -> memref<16x128xf32, #tpu.memory_space<vmem>>
      %dma_wait3A_718 = arith.constant 0 : i32
      %dma_wait3A_719 = tpu.memref_slice %arg5[%dma_wait3A_718, %multiple_of3A_107] : memref<16x1000000xf32, #tpu.memory_space<hbm>> -> memref<16x128xf32, #tpu.memory_space<hbm>>
      tpu.wait_dma2 semaphore(%arg15 : memref<!tpu.dma_semaphore, #tpu.memory_space<semaphore_mem>>) src(%dma_wait3A_719 : memref<16x128xf32, #tpu.memory_space<hbm>>) dst(%dma_wait3A_717 : memref<16x128xf32, #tpu.memory_space<vmem>>)
      %dma_wait3A_720 = arith.constant 32 : i32
      %dma_wait3A_721 = arith.constant 0 : i32
      %dma_wait3A_722 = tpu.memref_slice %arg12[%dma_wait3A_720, %dma_wait3A_721] : memref<256x128xf32, #tpu.memory_space<vmem>> -> memref<16x128xf32, #tpu.memory_space<vmem>>
      %dma_wait3A_723 = arith.constant 0 : i32
      %dma_wait3A_724 = tpu.memref_slice %arg6[%dma_wait3A_723, %multiple_of3A_110] : memref<16x1000000xf32, #tpu.memory_space<hbm>> -> memref<16x128xf32, #tpu.memory_space<hbm>>
      %dma_wait3A_725 = arith.constant 32 : i32
      %dma_wait3A_726 = arith.constant 0 : i32
      %dma_wait3A_727 = tpu.memref_slice %arg12[%dma_wait3A_725, %dma_wait3A_726] : memref<256x128xf32, #tpu.memory_space<vmem>> -> memref<16x128xf32, #tpu.memory_space<vmem>>
      %dma_wait3A_728 = arith.constant 0 : i32
      %dma_wait3A_729 = tpu.memref_slice %arg6[%dma_wait3A_728, %multiple_of3A_110] : memref<16x1000000xf32, #tpu.memory_space<hbm>> -> memref<16x128xf32, #tpu.memory_space<hbm>>
      tpu.wait_dma2 semaphore(%arg15 : memref<!tpu.dma_semaphore, #tpu.memory_space<semaphore_mem>>) src(%dma_wait3A_729 : memref<16x128xf32, #tpu.memory_space<hbm>>) dst(%dma_wait3A_727 : memref<16x128xf32, #tpu.memory_space<vmem>>)
      %dma_wait3A_730 = arith.constant 32 : i32
      %dma_wait3A_731 = arith.constant 0 : i32
      %dma_wait3A_732 = tpu.memref_slice %arg13[%dma_wait3A_730, %dma_wait3A_731] : memref<256x128xf32, #tpu.memory_space<vmem>> -> memref<16x128xf32, #tpu.memory_space<vmem>>
      %dma_wait3A_733 = arith.constant 0 : i32
      %dma_wait3A_734 = tpu.memref_slice %arg6[%dma_wait3A_733, %multiple_of3A_113] : memref<16x1000000xf32, #tpu.memory_space<hbm>> -> memref<16x128xf32, #tpu.memory_space<hbm>>
      %dma_wait3A_735 = arith.constant 32 : i32
      %dma_wait3A_736 = arith.constant 0 : i32
      %dma_wait3A_737 = tpu.memref_slice %arg13[%dma_wait3A_735, %dma_wait3A_736] : memref<256x128xf32, #tpu.memory_space<vmem>> -> memref<16x128xf32, #tpu.memory_space<vmem>>
      %dma_wait3A_738 = arith.constant 0 : i32
      %dma_wait3A_739 = tpu.memref_slice %arg6[%dma_wait3A_738, %multiple_of3A_113] : memref<16x1000000xf32, #tpu.memory_space<hbm>> -> memref<16x128xf32, #tpu.memory_space<hbm>>
      tpu.wait_dma2 semaphore(%arg15 : memref<!tpu.dma_semaphore, #tpu.memory_space<semaphore_mem>>) src(%dma_wait3A_739 : memref<16x128xf32, #tpu.memory_space<hbm>>) dst(%dma_wait3A_737 : memref<16x128xf32, #tpu.memory_space<vmem>>)
      %dma_wait3A_740 = arith.constant 48 : i32
      %dma_wait3A_741 = arith.constant 0 : i32
      %dma_wait3A_742 = tpu.memref_slice %arg11[%dma_wait3A_740, %dma_wait3A_741] : memref<256x128xf32, #tpu.memory_space<vmem>> -> memref<16x128xf32, #tpu.memory_space<vmem>>
      %dma_wait3A_743 = arith.constant 0 : i32
      %dma_wait3A_744 = tpu.memref_slice %arg5[%dma_wait3A_743, %multiple_of3A_146] : memref<16x1000000xf32, #tpu.memory_space<hbm>> -> memref<16x128xf32, #tpu.memory_space<hbm>>
      %dma_wait3A_745 = arith.constant 48 : i32
      %dma_wait3A_746 = arith.constant 0 : i32
      %dma_wait3A_747 = tpu.memref_slice %arg11[%dma_wait3A_745, %dma_wait3A_746] : memref<256x128xf32, #tpu.memory_space<vmem>> -> memref<16x128xf32, #tpu.memory_space<vmem>>
      %dma_wait3A_748 = arith.constant 0 : i32
      %dma_wait3A_749 = tpu.memref_slice %arg5[%dma_wait3A_748, %multiple_of3A_146] : memref<16x1000000xf32, #tpu.memory_space<hbm>> -> memref<16x128xf32, #tpu.memory_space<hbm>>
      tpu.wait_dma2 semaphore(%arg15 : memref<!tpu.dma_semaphore, #tpu.memory_space<semaphore_mem>>) src(%dma_wait3A_749 : memref<16x128xf32, #tpu.memory_space<hbm>>) dst(%dma_wait3A_747 : memref<16x128xf32, #tpu.memory_space<vmem>>)
      %dma_wait3A_750 = arith.constant 48 : i32
      %dma_wait3A_751 = arith.constant 0 : i32
      %dma_wait3A_752 = tpu.memref_slice %arg12[%dma_wait3A_750, %dma_wait3A_751] : memref<256x128xf32, #tpu.memory_space<vmem>> -> memref<16x128xf32, #tpu.memory_space<vmem>>
      %dma_wait3A_753 = arith.constant 0 : i32
      %dma_wait3A_754 = tpu.memref_slice %arg6[%dma_wait3A_753, %multiple_of3A_149] : memref<16x1000000xf32, #tpu.memory_space<hbm>> -> memref<16x128xf32, #tpu.memory_space<hbm>>
      %dma_wait3A_755 = arith.constant 48 : i32
      %dma_wait3A_756 = arith.constant 0 : i32
      %dma_wait3A_757 = tpu.memref_slice %arg12[%dma_wait3A_755, %dma_wait3A_756] : memref<256x128xf32, #tpu.memory_space<vmem>> -> memref<16x128xf32, #tpu.memory_space<vmem>>
      %dma_wait3A_758 = arith.constant 0 : i32
      %dma_wait3A_759 = tpu.memref_slice %arg6[%dma_wait3A_758, %multiple_of3A_149] : memref<16x1000000xf32, #tpu.memory_space<hbm>> -> memref<16x128xf32, #tpu.memory_space<hbm>>
      tpu.wait_dma2 semaphore(%arg15 : memref<!tpu.dma_semaphore, #tpu.memory_space<semaphore_mem>>) src(%dma_wait3A_759 : memref<16x128xf32, #tpu.memory_space<hbm>>) dst(%dma_wait3A_757 : memref<16x128xf32, #tpu.memory_space<vmem>>)
      %dma_wait3A_760 = arith.constant 48 : i32
      %dma_wait3A_761 = arith.constant 0 : i32
      %dma_wait3A_762 = tpu.memref_slice %arg13[%dma_wait3A_760, %dma_wait3A_761] : memref<256x128xf32, #tpu.memory_space<vmem>> -> memref<16x128xf32, #tpu.memory_space<vmem>>
      %dma_wait3A_763 = arith.constant 0 : i32
      %dma_wait3A_764 = tpu.memref_slice %arg6[%dma_wait3A_763, %multiple_of3A_152] : memref<16x1000000xf32, #tpu.memory_space<hbm>> -> memref<16x128xf32, #tpu.memory_space<hbm>>
      %dma_wait3A_765 = arith.constant 48 : i32
      %dma_wait3A_766 = arith.constant 0 : i32
      %dma_wait3A_767 = tpu.memref_slice %arg13[%dma_wait3A_765, %dma_wait3A_766] : memref<256x128xf32, #tpu.memory_space<vmem>> -> memref<16x128xf32, #tpu.memory_space<vmem>>
      %dma_wait3A_768 = arith.constant 0 : i32
      %dma_wait3A_769 = tpu.memref_slice %arg6[%dma_wait3A_768, %multiple_of3A_152] : memref<16x1000000xf32, #tpu.memory_space<hbm>> -> memref<16x128xf32, #tpu.memory_space<hbm>>
      tpu.wait_dma2 semaphore(%arg15 : memref<!tpu.dma_semaphore, #tpu.memory_space<semaphore_mem>>) src(%dma_wait3A_769 : memref<16x128xf32, #tpu.memory_space<hbm>>) dst(%dma_wait3A_767 : memref<16x128xf32, #tpu.memory_space<vmem>>)
      %dma_wait3A_770 = arith.constant 64 : i32
      %dma_wait3A_771 = arith.constant 0 : i32
      %dma_wait3A_772 = tpu.memref_slice %arg11[%dma_wait3A_770, %dma_wait3A_771] : memref<256x128xf32, #tpu.memory_space<vmem>> -> memref<16x128xf32, #tpu.memory_space<vmem>>
      %dma_wait3A_773 = arith.constant 0 : i32
      %dma_wait3A_774 = tpu.memref_slice %arg5[%dma_wait3A_773, %multiple_of3A_185] : memref<16x1000000xf32, #tpu.memory_space<hbm>> -> memref<16x128xf32, #tpu.memory_space<hbm>>
      %dma_wait3A_775 = arith.constant 64 : i32
      %dma_wait3A_776 = arith.constant 0 : i32
      %dma_wait3A_777 = tpu.memref_slice %arg11[%dma_wait3A_775, %dma_wait3A_776] : memref<256x128xf32, #tpu.memory_space<vmem>> -> memref<16x128xf32, #tpu.memory_space<vmem>>
      %dma_wait3A_778 = arith.constant 0 : i32
      %dma_wait3A_779 = tpu.memref_slice %arg5[%dma_wait3A_778, %multiple_of3A_185] : memref<16x1000000xf32, #tpu.memory_space<hbm>> -> memref<16x128xf32, #tpu.memory_space<hbm>>
      tpu.wait_dma2 semaphore(%arg15 : memref<!tpu.dma_semaphore, #tpu.memory_space<semaphore_mem>>) src(%dma_wait3A_779 : memref<16x128xf32, #tpu.memory_space<hbm>>) dst(%dma_wait3A_777 : memref<16x128xf32, #tpu.memory_space<vmem>>)
      %dma_wait3A_780 = arith.constant 64 : i32
      %dma_wait3A_781 = arith.constant 0 : i32
      %dma_wait3A_782 = tpu.memref_slice %arg12[%dma_wait3A_780, %dma_wait3A_781] : memref<256x128xf32, #tpu.memory_space<vmem>> -> memref<16x128xf32, #tpu.memory_space<vmem>>
      %dma_wait3A_783 = arith.constant 0 : i32
      %dma_wait3A_784 = tpu.memref_slice %arg6[%dma_wait3A_783, %multiple_of3A_188] : memref<16x1000000xf32, #tpu.memory_space<hbm>> -> memref<16x128xf32, #tpu.memory_space<hbm>>
      %dma_wait3A_785 = arith.constant 64 : i32
      %dma_wait3A_786 = arith.constant 0 : i32
      %dma_wait3A_787 = tpu.memref_slice %arg12[%dma_wait3A_785, %dma_wait3A_786] : memref<256x128xf32, #tpu.memory_space<vmem>> -> memref<16x128xf32, #tpu.memory_space<vmem>>
      %dma_wait3A_788 = arith.constant 0 : i32
      %dma_wait3A_789 = tpu.memref_slice %arg6[%dma_wait3A_788, %multiple_of3A_188] : memref<16x1000000xf32, #tpu.memory_space<hbm>> -> memref<16x128xf32, #tpu.memory_space<hbm>>
      tpu.wait_dma2 semaphore(%arg15 : memref<!tpu.dma_semaphore, #tpu.memory_space<semaphore_mem>>) src(%dma_wait3A_789 : memref<16x128xf32, #tpu.memory_space<hbm>>) dst(%dma_wait3A_787 : memref<16x128xf32, #tpu.memory_space<vmem>>)
      %dma_wait3A_790 = arith.constant 64 : i32
      %dma_wait3A_791 = arith.constant 0 : i32
      %dma_wait3A_792 = tpu.memref_slice %arg13[%dma_wait3A_790, %dma_wait3A_791] : memref<256x128xf32, #tpu.memory_space<vmem>> -> memref<16x128xf32, #tpu.memory_space<vmem>>
      %dma_wait3A_793 = arith.constant 0 : i32
      %dma_wait3A_794 = tpu.memref_slice %arg6[%dma_wait3A_793, %multiple_of3A_191] : memref<16x1000000xf32, #tpu.memory_space<hbm>> -> memref<16x128xf32, #tpu.memory_space<hbm>>
      %dma_wait3A_795 = arith.constant 64 : i32
      %dma_wait3A_796 = arith.constant 0 : i32
      %dma_wait3A_797 = tpu.memref_slice %arg13[%dma_wait3A_795, %dma_wait3A_796] : memref<256x128xf32, #tpu.memory_space<vmem>> -> memref<16x128xf32, #tpu.memory_space<vmem>>
      %dma_wait3A_798 = arith.constant 0 : i32
      %dma_wait3A_799 = tpu.memref_slice %arg6[%dma_wait3A_798, %multiple_of3A_191] : memref<16x1000000xf32, #tpu.memory_space<hbm>> -> memref<16x128xf32, #tpu.memory_space<hbm>>
      tpu.wait_dma2 semaphore(%arg15 : memref<!tpu.dma_semaphore, #tpu.memory_space<semaphore_mem>>) src(%dma_wait3A_799 : memref<16x128xf32, #tpu.memory_space<hbm>>) dst(%dma_wait3A_797 : memref<16x128xf32, #tpu.memory_space<vmem>>)
      %dma_wait3A_800 = arith.constant 80 : i32
      %dma_wait3A_801 = arith.constant 0 : i32
      %dma_wait3A_802 = tpu.memref_slice %arg11[%dma_wait3A_800, %dma_wait3A_801] : memref<256x128xf32, #tpu.memory_space<vmem>> -> memref<16x128xf32, #tpu.memory_space<vmem>>
      %dma_wait3A_803 = arith.constant 0 : i32
      %dma_wait3A_804 = tpu.memref_slice %arg5[%dma_wait3A_803, %multiple_of3A_224] : memref<16x1000000xf32, #tpu.memory_space<hbm>> -> memref<16x128xf32, #tpu.memory_space<hbm>>
      %dma_wait3A_805 = arith.constant 80 : i32
      %dma_wait3A_806 = arith.constant 0 : i32
      %dma_wait3A_807 = tpu.memref_slice %arg11[%dma_wait3A_805, %dma_wait3A_806] : memref<256x128xf32, #tpu.memory_space<vmem>> -> memref<16x128xf32, #tpu.memory_space<vmem>>
      %dma_wait3A_808 = arith.constant 0 : i32
      %dma_wait3A_809 = tpu.memref_slice %arg5[%dma_wait3A_808, %multiple_of3A_224] : memref<16x1000000xf32, #tpu.memory_space<hbm>> -> memref<16x128xf32, #tpu.memory_space<hbm>>
      tpu.wait_dma2 semaphore(%arg15 : memref<!tpu.dma_semaphore, #tpu.memory_space<semaphore_mem>>) src(%dma_wait3A_809 : memref<16x128xf32, #tpu.memory_space<hbm>>) dst(%dma_wait3A_807 : memref<16x128xf32, #tpu.memory_space<vmem>>)
      %dma_wait3A_810 = arith.constant 80 : i32
      %dma_wait3A_811 = arith.constant 0 : i32
      %dma_wait3A_812 = tpu.memref_slice %arg12[%dma_wait3A_810, %dma_wait3A_811] : memref<256x128xf32, #tpu.memory_space<vmem>> -> memref<16x128xf32, #tpu.memory_space<vmem>>
      %dma_wait3A_813 = arith.constant 0 : i32
      %dma_wait3A_814 = tpu.memref_slice %arg6[%dma_wait3A_813, %multiple_of3A_227] : memref<16x1000000xf32, #tpu.memory_space<hbm>> -> memref<16x128xf32, #tpu.memory_space<hbm>>
      %dma_wait3A_815 = arith.constant 80 : i32
      %dma_wait3A_816 = arith.constant 0 : i32
      %dma_wait3A_817 = tpu.memref_slice %arg12[%dma_wait3A_815, %dma_wait3A_816] : memref<256x128xf32, #tpu.memory_space<vmem>> -> memref<16x128xf32, #tpu.memory_space<vmem>>
      %dma_wait3A_818 = arith.constant 0 : i32
      %dma_wait3A_819 = tpu.memref_slice %arg6[%dma_wait3A_818, %multiple_of3A_227] : memref<16x1000000xf32, #tpu.memory_space<hbm>> -> memref<16x128xf32, #tpu.memory_space<hbm>>
      tpu.wait_dma2 semaphore(%arg15 : memref<!tpu.dma_semaphore, #tpu.memory_space<semaphore_mem>>) src(%dma_wait3A_819 : memref<16x128xf32, #tpu.memory_space<hbm>>) dst(%dma_wait3A_817 : memref<16x128xf32, #tpu.memory_space<vmem>>)
      %dma_wait3A_820 = arith.constant 80 : i32
      %dma_wait3A_821 = arith.constant 0 : i32
      %dma_wait3A_822 = tpu.memref_slice %arg13[%dma_wait3A_820, %dma_wait3A_821] : memref<256x128xf32, #tpu.memory_space<vmem>> -> memref<16x128xf32, #tpu.memory_space<vmem>>
      %dma_wait3A_823 = arith.constant 0 : i32
      %dma_wait3A_824 = tpu.memref_slice %arg6[%dma_wait3A_823, %multiple_of3A_230] : memref<16x1000000xf32, #tpu.memory_space<hbm>> -> memref<16x128xf32, #tpu.memory_space<hbm>>
      %dma_wait3A_825 = arith.constant 80 : i32
      %dma_wait3A_826 = arith.constant 0 : i32
      %dma_wait3A_827 = tpu.memref_slice %arg13[%dma_wait3A_825, %dma_wait3A_826] : memref<256x128xf32, #tpu.memory_space<vmem>> -> memref<16x128xf32, #tpu.memory_space<vmem>>
      %dma_wait3A_828 = arith.constant 0 : i32
      %dma_wait3A_829 = tpu.memref_slice %arg6[%dma_wait3A_828, %multiple_of3A_230] : memref<16x1000000xf32, #tpu.memory_space<hbm>> -> memref<16x128xf32, #tpu.memory_space<hbm>>
      tpu.wait_dma2 semaphore(%arg15 : memref<!tpu.dma_semaphore, #tpu.memory_space<semaphore_mem>>) src(%dma_wait3A_829 : memref<16x128xf32, #tpu.memory_space<hbm>>) dst(%dma_wait3A_827 : memref<16x128xf32, #tpu.memory_space<vmem>>)
      %dma_wait3A_830 = arith.constant 96 : i32
      %dma_wait3A_831 = arith.constant 0 : i32
      %dma_wait3A_832 = tpu.memref_slice %arg11[%dma_wait3A_830, %dma_wait3A_831] : memref<256x128xf32, #tpu.memory_space<vmem>> -> memref<16x128xf32, #tpu.memory_space<vmem>>
      %dma_wait3A_833 = arith.constant 0 : i32
      %dma_wait3A_834 = tpu.memref_slice %arg5[%dma_wait3A_833, %multiple_of3A_263] : memref<16x1000000xf32, #tpu.memory_space<hbm>> -> memref<16x128xf32, #tpu.memory_space<hbm>>
      %dma_wait3A_835 = arith.constant 96 : i32
      %dma_wait3A_836 = arith.constant 0 : i32
      %dma_wait3A_837 = tpu.memref_slice %arg11[%dma_wait3A_835, %dma_wait3A_836] : memref<256x128xf32, #tpu.memory_space<vmem>> -> memref<16x128xf32, #tpu.memory_space<vmem>>
      %dma_wait3A_838 = arith.constant 0 : i32
      %dma_wait3A_839 = tpu.memref_slice %arg5[%dma_wait3A_838, %multiple_of3A_263] : memref<16x1000000xf32, #tpu.memory_space<hbm>> -> memref<16x128xf32, #tpu.memory_space<hbm>>
      tpu.wait_dma2 semaphore(%arg15 : memref<!tpu.dma_semaphore, #tpu.memory_space<semaphore_mem>>) src(%dma_wait3A_839 : memref<16x128xf32, #tpu.memory_space<hbm>>) dst(%dma_wait3A_837 : memref<16x128xf32, #tpu.memory_space<vmem>>)
      %dma_wait3A_840 = arith.constant 96 : i32
      %dma_wait3A_841 = arith.constant 0 : i32
      %dma_wait3A_842 = tpu.memref_slice %arg12[%dma_wait3A_840, %dma_wait3A_841] : memref<256x128xf32, #tpu.memory_space<vmem>> -> memref<16x128xf32, #tpu.memory_space<vmem>>
      %dma_wait3A_843 = arith.constant 0 : i32
      %dma_wait3A_844 = tpu.memref_slice %arg6[%dma_wait3A_843, %multiple_of3A_266] : memref<16x1000000xf32, #tpu.memory_space<hbm>> -> memref<16x128xf32, #tpu.memory_space<hbm>>
      %dma_wait3A_845 = arith.constant 96 : i32
      %dma_wait3A_846 = arith.constant 0 : i32
      %dma_wait3A_847 = tpu.memref_slice %arg12[%dma_wait3A_845, %dma_wait3A_846] : memref<256x128xf32, #tpu.memory_space<vmem>> -> memref<16x128xf32, #tpu.memory_space<vmem>>
      %dma_wait3A_848 = arith.constant 0 : i32
      %dma_wait3A_849 = tpu.memref_slice %arg6[%dma_wait3A_848, %multiple_of3A_266] : memref<16x1000000xf32, #tpu.memory_space<hbm>> -> memref<16x128xf32, #tpu.memory_space<hbm>>
      tpu.wait_dma2 semaphore(%arg15 : memref<!tpu.dma_semaphore, #tpu.memory_space<semaphore_mem>>) src(%dma_wait3A_849 : memref<16x128xf32, #tpu.memory_space<hbm>>) dst(%dma_wait3A_847 : memref<16x128xf32, #tpu.memory_space<vmem>>)
      %dma_wait3A_850 = arith.constant 96 : i32
      %dma_wait3A_851 = arith.constant 0 : i32
      %dma_wait3A_852 = tpu.memref_slice %arg13[%dma_wait3A_850, %dma_wait3A_851] : memref<256x128xf32, #tpu.memory_space<vmem>> -> memref<16x128xf32, #tpu.memory_space<vmem>>
      %dma_wait3A_853 = arith.constant 0 : i32
      %dma_wait3A_854 = tpu.memref_slice %arg6[%dma_wait3A_853, %multiple_of3A_269] : memref<16x1000000xf32, #tpu.memory_space<hbm>> -> memref<16x128xf32, #tpu.memory_space<hbm>>
      %dma_wait3A_855 = arith.constant 96 : i32
      %dma_wait3A_856 = arith.constant 0 : i32
      %dma_wait3A_857 = tpu.memref_slice %arg13[%dma_wait3A_855, %dma_wait3A_856] : memref<256x128xf32, #tpu.memory_space<vmem>> -> memref<16x128xf32, #tpu.memory_space<vmem>>
      %dma_wait3A_858 = arith.constant 0 : i32
      %dma_wait3A_859 = tpu.memref_slice %arg6[%dma_wait3A_858, %multiple_of3A_269] : memref<16x1000000xf32, #tpu.memory_space<hbm>> -> memref<16x128xf32, #tpu.memory_space<hbm>>
      tpu.wait_dma2 semaphore(%arg15 : memref<!tpu.dma_semaphore, #tpu.memory_space<semaphore_mem>>) src(%dma_wait3A_859 : memref<16x128xf32, #tpu.memory_space<hbm>>) dst(%dma_wait3A_857 : memref<16x128xf32, #tpu.memory_space<vmem>>)
      %dma_wait3A_860 = arith.constant 112 : i32
      %dma_wait3A_861 = arith.constant 0 : i32
      %dma_wait3A_862 = tpu.memref_slice %arg11[%dma_wait3A_860, %dma_wait3A_861] : memref<256x128xf32, #tpu.memory_space<vmem>> -> memref<16x128xf32, #tpu.memory_space<vmem>>
      %dma_wait3A_863 = arith.constant 0 : i32
      %dma_wait3A_864 = tpu.memref_slice %arg5[%dma_wait3A_863, %multiple_of3A_302] : memref<16x1000000xf32, #tpu.memory_space<hbm>> -> memref<16x128xf32, #tpu.memory_space<hbm>>
      %dma_wait3A_865 = arith.constant 112 : i32
      %dma_wait3A_866 = arith.constant 0 : i32
      %dma_wait3A_867 = tpu.memref_slice %arg11[%dma_wait3A_865, %dma_wait3A_866] : memref<256x128xf32, #tpu.memory_space<vmem>> -> memref<16x128xf32, #tpu.memory_space<vmem>>
      %dma_wait3A_868 = arith.constant 0 : i32
      %dma_wait3A_869 = tpu.memref_slice %arg5[%dma_wait3A_868, %multiple_of3A_302] : memref<16x1000000xf32, #tpu.memory_space<hbm>> -> memref<16x128xf32, #tpu.memory_space<hbm>>
      tpu.wait_dma2 semaphore(%arg15 : memref<!tpu.dma_semaphore, #tpu.memory_space<semaphore_mem>>) src(%dma_wait3A_869 : memref<16x128xf32, #tpu.memory_space<hbm>>) dst(%dma_wait3A_867 : memref<16x128xf32, #tpu.memory_space<vmem>>)
      %dma_wait3A_870 = arith.constant 112 : i32
      %dma_wait3A_871 = arith.constant 0 : i32
      %dma_wait3A_872 = tpu.memref_slice %arg12[%dma_wait3A_870, %dma_wait3A_871] : memref<256x128xf32, #tpu.memory_space<vmem>> -> memref<16x128xf32, #tpu.memory_space<vmem>>
      %dma_wait3A_873 = arith.constant 0 : i32
      %dma_wait3A_874 = tpu.memref_slice %arg6[%dma_wait3A_873, %multiple_of3A_305] : memref<16x1000000xf32, #tpu.memory_space<hbm>> -> memref<16x128xf32, #tpu.memory_space<hbm>>
      %dma_wait3A_875 = arith.constant 112 : i32
      %dma_wait3A_876 = arith.constant 0 : i32
      %dma_wait3A_877 = tpu.memref_slice %arg12[%dma_wait3A_875, %dma_wait3A_876] : memref<256x128xf32, #tpu.memory_space<vmem>> -> memref<16x128xf32, #tpu.memory_space<vmem>>
      %dma_wait3A_878 = arith.constant 0 : i32
      %dma_wait3A_879 = tpu.memref_slice %arg6[%dma_wait3A_878, %multiple_of3A_305] : memref<16x1000000xf32, #tpu.memory_space<hbm>> -> memref<16x128xf32, #tpu.memory_space<hbm>>
      tpu.wait_dma2 semaphore(%arg15 : memref<!tpu.dma_semaphore, #tpu.memory_space<semaphore_mem>>) src(%dma_wait3A_879 : memref<16x128xf32, #tpu.memory_space<hbm>>) dst(%dma_wait3A_877 : memref<16x128xf32, #tpu.memory_space<vmem>>)
      %dma_wait3A_880 = arith.constant 112 : i32
      %dma_wait3A_881 = arith.constant 0 : i32
      %dma_wait3A_882 = tpu.memref_slice %arg13[%dma_wait3A_880, %dma_wait3A_881] : memref<256x128xf32, #tpu.memory_space<vmem>> -> memref<16x128xf32, #tpu.memory_space<vmem>>
      %dma_wait3A_883 = arith.constant 0 : i32
      %dma_wait3A_884 = tpu.memref_slice %arg6[%dma_wait3A_883, %multiple_of3A_308] : memref<16x1000000xf32, #tpu.memory_space<hbm>> -> memref<16x128xf32, #tpu.memory_space<hbm>>
      %dma_wait3A_885 = arith.constant 112 : i32
      %dma_wait3A_886 = arith.constant 0 : i32
      %dma_wait3A_887 = tpu.memref_slice %arg13[%dma_wait3A_885, %dma_wait3A_886] : memref<256x128xf32, #tpu.memory_space<vmem>> -> memref<16x128xf32, #tpu.memory_space<vmem>>
      %dma_wait3A_888 = arith.constant 0 : i32
      %dma_wait3A_889 = tpu.memref_slice %arg6[%dma_wait3A_888, %multiple_of3A_308] : memref<16x1000000xf32, #tpu.memory_space<hbm>> -> memref<16x128xf32, #tpu.memory_space<hbm>>
      tpu.wait_dma2 semaphore(%arg15 : memref<!tpu.dma_semaphore, #tpu.memory_space<semaphore_mem>>) src(%dma_wait3A_889 : memref<16x128xf32, #tpu.memory_space<hbm>>) dst(%dma_wait3A_887 : memref<16x128xf32, #tpu.memory_space<vmem>>)
      %dma_wait3A_890 = arith.constant 128 : i32
      %dma_wait3A_891 = arith.constant 0 : i32
      %dma_wait3A_892 = tpu.memref_slice %arg11[%dma_wait3A_890, %dma_wait3A_891] : memref<256x128xf32, #tpu.memory_space<vmem>> -> memref<16x128xf32, #tpu.memory_space<vmem>>
      %dma_wait3A_893 = arith.constant 0 : i32
      %dma_wait3A_894 = tpu.memref_slice %arg5[%dma_wait3A_893, %multiple_of3A_341] : memref<16x1000000xf32, #tpu.memory_space<hbm>> -> memref<16x128xf32, #tpu.memory_space<hbm>>
      %dma_wait3A_895 = arith.constant 128 : i32
      %dma_wait3A_896 = arith.constant 0 : i32
      %dma_wait3A_897 = tpu.memref_slice %arg11[%dma_wait3A_895, %dma_wait3A_896] : memref<256x128xf32, #tpu.memory_space<vmem>> -> memref<16x128xf32, #tpu.memory_space<vmem>>
      %dma_wait3A_898 = arith.constant 0 : i32
      %dma_wait3A_899 = tpu.memref_slice %arg5[%dma_wait3A_898, %multiple_of3A_341] : memref<16x1000000xf32, #tpu.memory_space<hbm>> -> memref<16x128xf32, #tpu.memory_space<hbm>>
      tpu.wait_dma2 semaphore(%arg15 : memref<!tpu.dma_semaphore, #tpu.memory_space<semaphore_mem>>) src(%dma_wait3A_899 : memref<16x128xf32, #tpu.memory_space<hbm>>) dst(%dma_wait3A_897 : memref<16x128xf32, #tpu.memory_space<vmem>>)
      %dma_wait3A_900 = arith.constant 128 : i32
      %dma_wait3A_901 = arith.constant 0 : i32
      %dma_wait3A_902 = tpu.memref_slice %arg12[%dma_wait3A_900, %dma_wait3A_901] : memref<256x128xf32, #tpu.memory_space<vmem>> -> memref<16x128xf32, #tpu.memory_space<vmem>>
      %dma_wait3A_903 = arith.constant 0 : i32
      %dma_wait3A_904 = tpu.memref_slice %arg6[%dma_wait3A_903, %multiple_of3A_344] : memref<16x1000000xf32, #tpu.memory_space<hbm>> -> memref<16x128xf32, #tpu.memory_space<hbm>>
      %dma_wait3A_905 = arith.constant 128 : i32
      %dma_wait3A_906 = arith.constant 0 : i32
      %dma_wait3A_907 = tpu.memref_slice %arg12[%dma_wait3A_905, %dma_wait3A_906] : memref<256x128xf32, #tpu.memory_space<vmem>> -> memref<16x128xf32, #tpu.memory_space<vmem>>
      %dma_wait3A_908 = arith.constant 0 : i32
      %dma_wait3A_909 = tpu.memref_slice %arg6[%dma_wait3A_908, %multiple_of3A_344] : memref<16x1000000xf32, #tpu.memory_space<hbm>> -> memref<16x128xf32, #tpu.memory_space<hbm>>
      tpu.wait_dma2 semaphore(%arg15 : memref<!tpu.dma_semaphore, #tpu.memory_space<semaphore_mem>>) src(%dma_wait3A_909 : memref<16x128xf32, #tpu.memory_space<hbm>>) dst(%dma_wait3A_907 : memref<16x128xf32, #tpu.memory_space<vmem>>)
      %dma_wait3A_910 = arith.constant 128 : i32
      %dma_wait3A_911 = arith.constant 0 : i32
      %dma_wait3A_912 = tpu.memref_slice %arg13[%dma_wait3A_910, %dma_wait3A_911] : memref<256x128xf32, #tpu.memory_space<vmem>> -> memref<16x128xf32, #tpu.memory_space<vmem>>
      %dma_wait3A_913 = arith.constant 0 : i32
      %dma_wait3A_914 = tpu.memref_slice %arg6[%dma_wait3A_913, %multiple_of3A_347] : memref<16x1000000xf32, #tpu.memory_space<hbm>> -> memref<16x128xf32, #tpu.memory_space<hbm>>
      %dma_wait3A_915 = arith.constant 128 : i32
      %dma_wait3A_916 = arith.constant 0 : i32
      %dma_wait3A_917 = tpu.memref_slice %arg13[%dma_wait3A_915, %dma_wait3A_916] : memref<256x128xf32, #tpu.memory_space<vmem>> -> memref<16x128xf32, #tpu.memory_space<vmem>>
      %dma_wait3A_918 = arith.constant 0 : i32
      %dma_wait3A_919 = tpu.memref_slice %arg6[%dma_wait3A_918, %multiple_of3A_347] : memref<16x1000000xf32, #tpu.memory_space<hbm>> -> memref<16x128xf32, #tpu.memory_space<hbm>>
      tpu.wait_dma2 semaphore(%arg15 : memref<!tpu.dma_semaphore, #tpu.memory_space<semaphore_mem>>) src(%dma_wait3A_919 : memref<16x128xf32, #tpu.memory_space<hbm>>) dst(%dma_wait3A_917 : memref<16x128xf32, #tpu.memory_space<vmem>>)
      %dma_wait3A_920 = arith.constant 144 : i32
      %dma_wait3A_921 = arith.constant 0 : i32
      %dma_wait3A_922 = tpu.memref_slice %arg11[%dma_wait3A_920, %dma_wait3A_921] : memref<256x128xf32, #tpu.memory_space<vmem>> -> memref<16x128xf32, #tpu.memory_space<vmem>>
      %dma_wait3A_923 = arith.constant 0 : i32
      %dma_wait3A_924 = tpu.memref_slice %arg5[%dma_wait3A_923, %multiple_of3A_380] : memref<16x1000000xf32, #tpu.memory_space<hbm>> -> memref<16x128xf32, #tpu.memory_space<hbm>>
      %dma_wait3A_925 = arith.constant 144 : i32
      %dma_wait3A_926 = arith.constant 0 : i32
      %dma_wait3A_927 = tpu.memref_slice %arg11[%dma_wait3A_925, %dma_wait3A_926] : memref<256x128xf32, #tpu.memory_space<vmem>> -> memref<16x128xf32, #tpu.memory_space<vmem>>
      %dma_wait3A_928 = arith.constant 0 : i32
      %dma_wait3A_929 = tpu.memref_slice %arg5[%dma_wait3A_928, %multiple_of3A_380] : memref<16x1000000xf32, #tpu.memory_space<hbm>> -> memref<16x128xf32, #tpu.memory_space<hbm>>
      tpu.wait_dma2 semaphore(%arg15 : memref<!tpu.dma_semaphore, #tpu.memory_space<semaphore_mem>>) src(%dma_wait3A_929 : memref<16x128xf32, #tpu.memory_space<hbm>>) dst(%dma_wait3A_927 : memref<16x128xf32, #tpu.memory_space<vmem>>)
      %dma_wait3A_930 = arith.constant 144 : i32
      %dma_wait3A_931 = arith.constant 0 : i32
      %dma_wait3A_932 = tpu.memref_slice %arg12[%dma_wait3A_930, %dma_wait3A_931] : memref<256x128xf32, #tpu.memory_space<vmem>> -> memref<16x128xf32, #tpu.memory_space<vmem>>
      %dma_wait3A_933 = arith.constant 0 : i32
      %dma_wait3A_934 = tpu.memref_slice %arg6[%dma_wait3A_933, %multiple_of3A_383] : memref<16x1000000xf32, #tpu.memory_space<hbm>> -> memref<16x128xf32, #tpu.memory_space<hbm>>
      %dma_wait3A_935 = arith.constant 144 : i32
      %dma_wait3A_936 = arith.constant 0 : i32
      %dma_wait3A_937 = tpu.memref_slice %arg12[%dma_wait3A_935, %dma_wait3A_936] : memref<256x128xf32, #tpu.memory_space<vmem>> -> memref<16x128xf32, #tpu.memory_space<vmem>>
      %dma_wait3A_938 = arith.constant 0 : i32
      %dma_wait3A_939 = tpu.memref_slice %arg6[%dma_wait3A_938, %multiple_of3A_383] : memref<16x1000000xf32, #tpu.memory_space<hbm>> -> memref<16x128xf32, #tpu.memory_space<hbm>>
      tpu.wait_dma2 semaphore(%arg15 : memref<!tpu.dma_semaphore, #tpu.memory_space<semaphore_mem>>) src(%dma_wait3A_939 : memref<16x128xf32, #tpu.memory_space<hbm>>) dst(%dma_wait3A_937 : memref<16x128xf32, #tpu.memory_space<vmem>>)
      %dma_wait3A_940 = arith.constant 144 : i32
      %dma_wait3A_941 = arith.constant 0 : i32
      %dma_wait3A_942 = tpu.memref_slice %arg13[%dma_wait3A_940, %dma_wait3A_941] : memref<256x128xf32, #tpu.memory_space<vmem>> -> memref<16x128xf32, #tpu.memory_space<vmem>>
      %dma_wait3A_943 = arith.constant 0 : i32
      %dma_wait3A_944 = tpu.memref_slice %arg6[%dma_wait3A_943, %multiple_of3A_386] : memref<16x1000000xf32, #tpu.memory_space<hbm>> -> memref<16x128xf32, #tpu.memory_space<hbm>>
      %dma_wait3A_945 = arith.constant 144 : i32
      %dma_wait3A_946 = arith.constant 0 : i32
      %dma_wait3A_947 = tpu.memref_slice %arg13[%dma_wait3A_945, %dma_wait3A_946] : memref<256x128xf32, #tpu.memory_space<vmem>> -> memref<16x128xf32, #tpu.memory_space<vmem>>
      %dma_wait3A_948 = arith.constant 0 : i32
      %dma_wait3A_949 = tpu.memref_slice %arg6[%dma_wait3A_948, %multiple_of3A_386] : memref<16x1000000xf32, #tpu.memory_space<hbm>> -> memref<16x128xf32, #tpu.memory_space<hbm>>
      tpu.wait_dma2 semaphore(%arg15 : memref<!tpu.dma_semaphore, #tpu.memory_space<semaphore_mem>>) src(%dma_wait3A_949 : memref<16x128xf32, #tpu.memory_space<hbm>>) dst(%dma_wait3A_947 : memref<16x128xf32, #tpu.memory_space<vmem>>)
      %dma_wait3A_950 = arith.constant 160 : i32
      %dma_wait3A_951 = arith.constant 0 : i32
      %dma_wait3A_952 = tpu.memref_slice %arg11[%dma_wait3A_950, %dma_wait3A_951] : memref<256x128xf32, #tpu.memory_space<vmem>> -> memref<16x128xf32, #tpu.memory_space<vmem>>
      %dma_wait3A_953 = arith.constant 0 : i32
      %dma_wait3A_954 = tpu.memref_slice %arg5[%dma_wait3A_953, %multiple_of3A_419] : memref<16x1000000xf32, #tpu.memory_space<hbm>> -> memref<16x128xf32, #tpu.memory_space<hbm>>
      %dma_wait3A_955 = arith.constant 160 : i32
      %dma_wait3A_956 = arith.constant 0 : i32
      %dma_wait3A_957 = tpu.memref_slice %arg11[%dma_wait3A_955, %dma_wait3A_956] : memref<256x128xf32, #tpu.memory_space<vmem>> -> memref<16x128xf32, #tpu.memory_space<vmem>>
      %dma_wait3A_958 = arith.constant 0 : i32
      %dma_wait3A_959 = tpu.memref_slice %arg5[%dma_wait3A_958, %multiple_of3A_419] : memref<16x1000000xf32, #tpu.memory_space<hbm>> -> memref<16x128xf32, #tpu.memory_space<hbm>>
      tpu.wait_dma2 semaphore(%arg15 : memref<!tpu.dma_semaphore, #tpu.memory_space<semaphore_mem>>) src(%dma_wait3A_959 : memref<16x128xf32, #tpu.memory_space<hbm>>) dst(%dma_wait3A_957 : memref<16x128xf32, #tpu.memory_space<vmem>>)
      %dma_wait3A_960 = arith.constant 160 : i32
      %dma_wait3A_961 = arith.constant 0 : i32
      %dma_wait3A_962 = tpu.memref_slice %arg12[%dma_wait3A_960, %dma_wait3A_961] : memref<256x128xf32, #tpu.memory_space<vmem>> -> memref<16x128xf32, #tpu.memory_space<vmem>>
      %dma_wait3A_963 = arith.constant 0 : i32
      %dma_wait3A_964 = tpu.memref_slice %arg6[%dma_wait3A_963, %multiple_of3A_422] : memref<16x1000000xf32, #tpu.memory_space<hbm>> -> memref<16x128xf32, #tpu.memory_space<hbm>>
      %dma_wait3A_965 = arith.constant 160 : i32
      %dma_wait3A_966 = arith.constant 0 : i32
      %dma_wait3A_967 = tpu.memref_slice %arg12[%dma_wait3A_965, %dma_wait3A_966] : memref<256x128xf32, #tpu.memory_space<vmem>> -> memref<16x128xf32, #tpu.memory_space<vmem>>
      %dma_wait3A_968 = arith.constant 0 : i32
      %dma_wait3A_969 = tpu.memref_slice %arg6[%dma_wait3A_968, %multiple_of3A_422] : memref<16x1000000xf32, #tpu.memory_space<hbm>> -> memref<16x128xf32, #tpu.memory_space<hbm>>
      tpu.wait_dma2 semaphore(%arg15 : memref<!tpu.dma_semaphore, #tpu.memory_space<semaphore_mem>>) src(%dma_wait3A_969 : memref<16x128xf32, #tpu.memory_space<hbm>>) dst(%dma_wait3A_967 : memref<16x128xf32, #tpu.memory_space<vmem>>)
      %dma_wait3A_970 = arith.constant 160 : i32
      %dma_wait3A_971 = arith.constant 0 : i32
      %dma_wait3A_972 = tpu.memref_slice %arg13[%dma_wait3A_970, %dma_wait3A_971] : memref<256x128xf32, #tpu.memory_space<vmem>> -> memref<16x128xf32, #tpu.memory_space<vmem>>
      %dma_wait3A_973 = arith.constant 0 : i32
      %dma_wait3A_974 = tpu.memref_slice %arg6[%dma_wait3A_973, %multiple_of3A_425] : memref<16x1000000xf32, #tpu.memory_space<hbm>> -> memref<16x128xf32, #tpu.memory_space<hbm>>
      %dma_wait3A_975 = arith.constant 160 : i32
      %dma_wait3A_976 = arith.constant 0 : i32
      %dma_wait3A_977 = tpu.memref_slice %arg13[%dma_wait3A_975, %dma_wait3A_976] : memref<256x128xf32, #tpu.memory_space<vmem>> -> memref<16x128xf32, #tpu.memory_space<vmem>>
      %dma_wait3A_978 = arith.constant 0 : i32
      %dma_wait3A_979 = tpu.memref_slice %arg6[%dma_wait3A_978, %multiple_of3A_425] : memref<16x1000000xf32, #tpu.memory_space<hbm>> -> memref<16x128xf32, #tpu.memory_space<hbm>>
      tpu.wait_dma2 semaphore(%arg15 : memref<!tpu.dma_semaphore, #tpu.memory_space<semaphore_mem>>) src(%dma_wait3A_979 : memref<16x128xf32, #tpu.memory_space<hbm>>) dst(%dma_wait3A_977 : memref<16x128xf32, #tpu.memory_space<vmem>>)
      %dma_wait3A_980 = arith.constant 176 : i32
      %dma_wait3A_981 = arith.constant 0 : i32
      %dma_wait3A_982 = tpu.memref_slice %arg11[%dma_wait3A_980, %dma_wait3A_981] : memref<256x128xf32, #tpu.memory_space<vmem>> -> memref<16x128xf32, #tpu.memory_space<vmem>>
      %dma_wait3A_983 = arith.constant 0 : i32
      %dma_wait3A_984 = tpu.memref_slice %arg5[%dma_wait3A_983, %multiple_of3A_458] : memref<16x1000000xf32, #tpu.memory_space<hbm>> -> memref<16x128xf32, #tpu.memory_space<hbm>>
      %dma_wait3A_985 = arith.constant 176 : i32
      %dma_wait3A_986 = arith.constant 0 : i32
      %dma_wait3A_987 = tpu.memref_slice %arg11[%dma_wait3A_985, %dma_wait3A_986] : memref<256x128xf32, #tpu.memory_space<vmem>> -> memref<16x128xf32, #tpu.memory_space<vmem>>
      %dma_wait3A_988 = arith.constant 0 : i32
      %dma_wait3A_989 = tpu.memref_slice %arg5[%dma_wait3A_988, %multiple_of3A_458] : memref<16x1000000xf32, #tpu.memory_space<hbm>> -> memref<16x128xf32, #tpu.memory_space<hbm>>
      tpu.wait_dma2 semaphore(%arg15 : memref<!tpu.dma_semaphore, #tpu.memory_space<semaphore_mem>>) src(%dma_wait3A_989 : memref<16x128xf32, #tpu.memory_space<hbm>>) dst(%dma_wait3A_987 : memref<16x128xf32, #tpu.memory_space<vmem>>)
      %dma_wait3A_990 = arith.constant 176 : i32
      %dma_wait3A_991 = arith.constant 0 : i32
      %dma_wait3A_992 = tpu.memref_slice %arg12[%dma_wait3A_990, %dma_wait3A_991] : memref<256x128xf32, #tpu.memory_space<vmem>> -> memref<16x128xf32, #tpu.memory_space<vmem>>
      %dma_wait3A_993 = arith.constant 0 : i32
      %dma_wait3A_994 = tpu.memref_slice %arg6[%dma_wait3A_993, %multiple_of3A_461] : memref<16x1000000xf32, #tpu.memory_space<hbm>> -> memref<16x128xf32, #tpu.memory_space<hbm>>
      %dma_wait3A_995 = arith.constant 176 : i32
      %dma_wait3A_996 = arith.constant 0 : i32
      %dma_wait3A_997 = tpu.memref_slice %arg12[%dma_wait3A_995, %dma_wait3A_996] : memref<256x128xf32, #tpu.memory_space<vmem>> -> memref<16x128xf32, #tpu.memory_space<vmem>>
      %dma_wait3A_998 = arith.constant 0 : i32
      %dma_wait3A_999 = tpu.memref_slice %arg6[%dma_wait3A_998, %multiple_of3A_461] : memref<16x1000000xf32, #tpu.memory_space<hbm>> -> memref<16x128xf32, #tpu.memory_space<hbm>>
      tpu.wait_dma2 semaphore(%arg15 : memref<!tpu.dma_semaphore, #tpu.memory_space<semaphore_mem>>) src(%dma_wait3A_999 : memref<16x128xf32, #tpu.memory_space<hbm>>) dst(%dma_wait3A_997 : memref<16x128xf32, #tpu.memory_space<vmem>>)
      %dma_wait3A_1000 = arith.constant 176 : i32
      %dma_wait3A_1001 = arith.constant 0 : i32
      %dma_wait3A_1002 = tpu.memref_slice %arg13[%dma_wait3A_1000, %dma_wait3A_1001] : memref<256x128xf32, #tpu.memory_space<vmem>> -> memref<16x128xf32, #tpu.memory_space<vmem>>
      %dma_wait3A_1003 = arith.constant 0 : i32
      %dma_wait3A_1004 = tpu.memref_slice %arg6[%dma_wait3A_1003, %multiple_of3A_464] : memref<16x1000000xf32, #tpu.memory_space<hbm>> -> memref<16x128xf32, #tpu.memory_space<hbm>>
      %dma_wait3A_1005 = arith.constant 176 : i32
      %dma_wait3A_1006 = arith.constant 0 : i32
      %dma_wait3A_1007 = tpu.memref_slice %arg13[%dma_wait3A_1005, %dma_wait3A_1006] : memref<256x128xf32, #tpu.memory_space<vmem>> -> memref<16x128xf32, #tpu.memory_space<vmem>>
      %dma_wait3A_1008 = arith.constant 0 : i32
      %dma_wait3A_1009 = tpu.memref_slice %arg6[%dma_wait3A_1008, %multiple_of3A_464] : memref<16x1000000xf32, #tpu.memory_space<hbm>> -> memref<16x128xf32, #tpu.memory_space<hbm>>
      tpu.wait_dma2 semaphore(%arg15 : memref<!tpu.dma_semaphore, #tpu.memory_space<semaphore_mem>>) src(%dma_wait3A_1009 : memref<16x128xf32, #tpu.memory_space<hbm>>) dst(%dma_wait3A_1007 : memref<16x128xf32, #tpu.memory_space<vmem>>)
      %dma_wait3A_1010 = arith.constant 192 : i32
      %dma_wait3A_1011 = arith.constant 0 : i32
      %dma_wait3A_1012 = tpu.memref_slice %arg11[%dma_wait3A_1010, %dma_wait3A_1011] : memref<256x128xf32, #tpu.memory_space<vmem>> -> memref<16x128xf32, #tpu.memory_space<vmem>>
      %dma_wait3A_1013 = arith.constant 0 : i32
      %dma_wait3A_1014 = tpu.memref_slice %arg5[%dma_wait3A_1013, %multiple_of3A_497] : memref<16x1000000xf32, #tpu.memory_space<hbm>> -> memref<16x128xf32, #tpu.memory_space<hbm>>
      %dma_wait3A_1015 = arith.constant 192 : i32
      %dma_wait3A_1016 = arith.constant 0 : i32
      %dma_wait3A_1017 = tpu.memref_slice %arg11[%dma_wait3A_1015, %dma_wait3A_1016] : memref<256x128xf32, #tpu.memory_space<vmem>> -> memref<16x128xf32, #tpu.memory_space<vmem>>
      %dma_wait3A_1018 = arith.constant 0 : i32
      %dma_wait3A_1019 = tpu.memref_slice %arg5[%dma_wait3A_1018, %multiple_of3A_497] : memref<16x1000000xf32, #tpu.memory_space<hbm>> -> memref<16x128xf32, #tpu.memory_space<hbm>>
      tpu.wait_dma2 semaphore(%arg15 : memref<!tpu.dma_semaphore, #tpu.memory_space<semaphore_mem>>) src(%dma_wait3A_1019 : memref<16x128xf32, #tpu.memory_space<hbm>>) dst(%dma_wait3A_1017 : memref<16x128xf32, #tpu.memory_space<vmem>>)
      %dma_wait3A_1020 = arith.constant 192 : i32
      %dma_wait3A_1021 = arith.constant 0 : i32
      %dma_wait3A_1022 = tpu.memref_slice %arg12[%dma_wait3A_1020, %dma_wait3A_1021] : memref<256x128xf32, #tpu.memory_space<vmem>> -> memref<16x128xf32, #tpu.memory_space<vmem>>
      %dma_wait3A_1023 = arith.constant 0 : i32
      %dma_wait3A_1024 = tpu.memref_slice %arg6[%dma_wait3A_1023, %multiple_of3A_500] : memref<16x1000000xf32, #tpu.memory_space<hbm>> -> memref<16x128xf32, #tpu.memory_space<hbm>>
      %dma_wait3A_1025 = arith.constant 192 : i32
      %dma_wait3A_1026 = arith.constant 0 : i32
      %dma_wait3A_1027 = tpu.memref_slice %arg12[%dma_wait3A_1025, %dma_wait3A_1026] : memref<256x128xf32, #tpu.memory_space<vmem>> -> memref<16x128xf32, #tpu.memory_space<vmem>>
      %dma_wait3A_1028 = arith.constant 0 : i32
      %dma_wait3A_1029 = tpu.memref_slice %arg6[%dma_wait3A_1028, %multiple_of3A_500] : memref<16x1000000xf32, #tpu.memory_space<hbm>> -> memref<16x128xf32, #tpu.memory_space<hbm>>
      tpu.wait_dma2 semaphore(%arg15 : memref<!tpu.dma_semaphore, #tpu.memory_space<semaphore_mem>>) src(%dma_wait3A_1029 : memref<16x128xf32, #tpu.memory_space<hbm>>) dst(%dma_wait3A_1027 : memref<16x128xf32, #tpu.memory_space<vmem>>)
      %dma_wait3A_1030 = arith.constant 192 : i32
      %dma_wait3A_1031 = arith.constant 0 : i32
      %dma_wait3A_1032 = tpu.memref_slice %arg13[%dma_wait3A_1030, %dma_wait3A_1031] : memref<256x128xf32, #tpu.memory_space<vmem>> -> memref<16x128xf32, #tpu.memory_space<vmem>>
      %dma_wait3A_1033 = arith.constant 0 : i32
      %dma_wait3A_1034 = tpu.memref_slice %arg6[%dma_wait3A_1033, %multiple_of3A_503] : memref<16x1000000xf32, #tpu.memory_space<hbm>> -> memref<16x128xf32, #tpu.memory_space<hbm>>
      %dma_wait3A_1035 = arith.constant 192 : i32
      %dma_wait3A_1036 = arith.constant 0 : i32
      %dma_wait3A_1037 = tpu.memref_slice %arg13[%dma_wait3A_1035, %dma_wait3A_1036] : memref<256x128xf32, #tpu.memory_space<vmem>> -> memref<16x128xf32, #tpu.memory_space<vmem>>
      %dma_wait3A_1038 = arith.constant 0 : i32
      %dma_wait3A_1039 = tpu.memref_slice %arg6[%dma_wait3A_1038, %multiple_of3A_503] : memref<16x1000000xf32, #tpu.memory_space<hbm>> -> memref<16x128xf32, #tpu.memory_space<hbm>>
      tpu.wait_dma2 semaphore(%arg15 : memref<!tpu.dma_semaphore, #tpu.memory_space<semaphore_mem>>) src(%dma_wait3A_1039 : memref<16x128xf32, #tpu.memory_space<hbm>>) dst(%dma_wait3A_1037 : memref<16x128xf32, #tpu.memory_space<vmem>>)
      %dma_wait3A_1040 = arith.constant 208 : i32
      %dma_wait3A_1041 = arith.constant 0 : i32
      %dma_wait3A_1042 = tpu.memref_slice %arg11[%dma_wait3A_1040, %dma_wait3A_1041] : memref<256x128xf32, #tpu.memory_space<vmem>> -> memref<16x128xf32, #tpu.memory_space<vmem>>
      %dma_wait3A_1043 = arith.constant 0 : i32
      %dma_wait3A_1044 = tpu.memref_slice %arg5[%dma_wait3A_1043, %multiple_of3A_536] : memref<16x1000000xf32, #tpu.memory_space<hbm>> -> memref<16x128xf32, #tpu.memory_space<hbm>>
      %dma_wait3A_1045 = arith.constant 208 : i32
      %dma_wait3A_1046 = arith.constant 0 : i32
      %dma_wait3A_1047 = tpu.memref_slice %arg11[%dma_wait3A_1045, %dma_wait3A_1046] : memref<256x128xf32, #tpu.memory_space<vmem>> -> memref<16x128xf32, #tpu.memory_space<vmem>>
      %dma_wait3A_1048 = arith.constant 0 : i32
      %dma_wait3A_1049 = tpu.memref_slice %arg5[%dma_wait3A_1048, %multiple_of3A_536] : memref<16x1000000xf32, #tpu.memory_space<hbm>> -> memref<16x128xf32, #tpu.memory_space<hbm>>
      tpu.wait_dma2 semaphore(%arg15 : memref<!tpu.dma_semaphore, #tpu.memory_space<semaphore_mem>>) src(%dma_wait3A_1049 : memref<16x128xf32, #tpu.memory_space<hbm>>) dst(%dma_wait3A_1047 : memref<16x128xf32, #tpu.memory_space<vmem>>)
      %dma_wait3A_1050 = arith.constant 208 : i32
      %dma_wait3A_1051 = arith.constant 0 : i32
      %dma_wait3A_1052 = tpu.memref_slice %arg12[%dma_wait3A_1050, %dma_wait3A_1051] : memref<256x128xf32, #tpu.memory_space<vmem>> -> memref<16x128xf32, #tpu.memory_space<vmem>>
      %dma_wait3A_1053 = arith.constant 0 : i32
      %dma_wait3A_1054 = tpu.memref_slice %arg6[%dma_wait3A_1053, %multiple_of3A_539] : memref<16x1000000xf32, #tpu.memory_space<hbm>> -> memref<16x128xf32, #tpu.memory_space<hbm>>
      %dma_wait3A_1055 = arith.constant 208 : i32
      %dma_wait3A_1056 = arith.constant 0 : i32
      %dma_wait3A_1057 = tpu.memref_slice %arg12[%dma_wait3A_1055, %dma_wait3A_1056] : memref<256x128xf32, #tpu.memory_space<vmem>> -> memref<16x128xf32, #tpu.memory_space<vmem>>
      %dma_wait3A_1058 = arith.constant 0 : i32
      %dma_wait3A_1059 = tpu.memref_slice %arg6[%dma_wait3A_1058, %multiple_of3A_539] : memref<16x1000000xf32, #tpu.memory_space<hbm>> -> memref<16x128xf32, #tpu.memory_space<hbm>>
      tpu.wait_dma2 semaphore(%arg15 : memref<!tpu.dma_semaphore, #tpu.memory_space<semaphore_mem>>) src(%dma_wait3A_1059 : memref<16x128xf32, #tpu.memory_space<hbm>>) dst(%dma_wait3A_1057 : memref<16x128xf32, #tpu.memory_space<vmem>>)
      %dma_wait3A_1060 = arith.constant 208 : i32
      %dma_wait3A_1061 = arith.constant 0 : i32
      %dma_wait3A_1062 = tpu.memref_slice %arg13[%dma_wait3A_1060, %dma_wait3A_1061] : memref<256x128xf32, #tpu.memory_space<vmem>> -> memref<16x128xf32, #tpu.memory_space<vmem>>
      %dma_wait3A_1063 = arith.constant 0 : i32
      %dma_wait3A_1064 = tpu.memref_slice %arg6[%dma_wait3A_1063, %multiple_of3A_542] : memref<16x1000000xf32, #tpu.memory_space<hbm>> -> memref<16x128xf32, #tpu.memory_space<hbm>>
      %dma_wait3A_1065 = arith.constant 208 : i32
      %dma_wait3A_1066 = arith.constant 0 : i32
      %dma_wait3A_1067 = tpu.memref_slice %arg13[%dma_wait3A_1065, %dma_wait3A_1066] : memref<256x128xf32, #tpu.memory_space<vmem>> -> memref<16x128xf32, #tpu.memory_space<vmem>>
      %dma_wait3A_1068 = arith.constant 0 : i32
      %dma_wait3A_1069 = tpu.memref_slice %arg6[%dma_wait3A_1068, %multiple_of3A_542] : memref<16x1000000xf32, #tpu.memory_space<hbm>> -> memref<16x128xf32, #tpu.memory_space<hbm>>
      tpu.wait_dma2 semaphore(%arg15 : memref<!tpu.dma_semaphore, #tpu.memory_space<semaphore_mem>>) src(%dma_wait3A_1069 : memref<16x128xf32, #tpu.memory_space<hbm>>) dst(%dma_wait3A_1067 : memref<16x128xf32, #tpu.memory_space<vmem>>)
      %dma_wait3A_1070 = arith.constant 224 : i32
      %dma_wait3A_1071 = arith.constant 0 : i32
      %dma_wait3A_1072 = tpu.memref_slice %arg11[%dma_wait3A_1070, %dma_wait3A_1071] : memref<256x128xf32, #tpu.memory_space<vmem>> -> memref<16x128xf32, #tpu.memory_space<vmem>>
      %dma_wait3A_1073 = arith.constant 0 : i32
      %dma_wait3A_1074 = tpu.memref_slice %arg5[%dma_wait3A_1073, %multiple_of3A_575] : memref<16x1000000xf32, #tpu.memory_space<hbm>> -> memref<16x128xf32, #tpu.memory_space<hbm>>
      %dma_wait3A_1075 = arith.constant 224 : i32
      %dma_wait3A_1076 = arith.constant 0 : i32
      %dma_wait3A_1077 = tpu.memref_slice %arg11[%dma_wait3A_1075, %dma_wait3A_1076] : memref<256x128xf32, #tpu.memory_space<vmem>> -> memref<16x128xf32, #tpu.memory_space<vmem>>
      %dma_wait3A_1078 = arith.constant 0 : i32
      %dma_wait3A_1079 = tpu.memref_slice %arg5[%dma_wait3A_1078, %multiple_of3A_575] : memref<16x1000000xf32, #tpu.memory_space<hbm>> -> memref<16x128xf32, #tpu.memory_space<hbm>>
      tpu.wait_dma2 semaphore(%arg15 : memref<!tpu.dma_semaphore, #tpu.memory_space<semaphore_mem>>) src(%dma_wait3A_1079 : memref<16x128xf32, #tpu.memory_space<hbm>>) dst(%dma_wait3A_1077 : memref<16x128xf32, #tpu.memory_space<vmem>>)
      %dma_wait3A_1080 = arith.constant 224 : i32
      %dma_wait3A_1081 = arith.constant 0 : i32
      %dma_wait3A_1082 = tpu.memref_slice %arg12[%dma_wait3A_1080, %dma_wait3A_1081] : memref<256x128xf32, #tpu.memory_space<vmem>> -> memref<16x128xf32, #tpu.memory_space<vmem>>
      %dma_wait3A_1083 = arith.constant 0 : i32
      %dma_wait3A_1084 = tpu.memref_slice %arg6[%dma_wait3A_1083, %multiple_of3A_578] : memref<16x1000000xf32, #tpu.memory_space<hbm>> -> memref<16x128xf32, #tpu.memory_space<hbm>>
      %dma_wait3A_1085 = arith.constant 224 : i32
      %dma_wait3A_1086 = arith.constant 0 : i32
      %dma_wait3A_1087 = tpu.memref_slice %arg12[%dma_wait3A_1085, %dma_wait3A_1086] : memref<256x128xf32, #tpu.memory_space<vmem>> -> memref<16x128xf32, #tpu.memory_space<vmem>>
      %dma_wait3A_1088 = arith.constant 0 : i32
      %dma_wait3A_1089 = tpu.memref_slice %arg6[%dma_wait3A_1088, %multiple_of3A_578] : memref<16x1000000xf32, #tpu.memory_space<hbm>> -> memref<16x128xf32, #tpu.memory_space<hbm>>
      tpu.wait_dma2 semaphore(%arg15 : memref<!tpu.dma_semaphore, #tpu.memory_space<semaphore_mem>>) src(%dma_wait3A_1089 : memref<16x128xf32, #tpu.memory_space<hbm>>) dst(%dma_wait3A_1087 : memref<16x128xf32, #tpu.memory_space<vmem>>)
      %dma_wait3A_1090 = arith.constant 224 : i32
      %dma_wait3A_1091 = arith.constant 0 : i32
      %dma_wait3A_1092 = tpu.memref_slice %arg13[%dma_wait3A_1090, %dma_wait3A_1091] : memref<256x128xf32, #tpu.memory_space<vmem>> -> memref<16x128xf32, #tpu.memory_space<vmem>>
      %dma_wait3A_1093 = arith.constant 0 : i32
      %dma_wait3A_1094 = tpu.memref_slice %arg6[%dma_wait3A_1093, %multiple_of3A_581] : memref<16x1000000xf32, #tpu.memory_space<hbm>> -> memref<16x128xf32, #tpu.memory_space<hbm>>
      %dma_wait3A_1095 = arith.constant 224 : i32
      %dma_wait3A_1096 = arith.constant 0 : i32
      %dma_wait3A_1097 = tpu.memref_slice %arg13[%dma_wait3A_1095, %dma_wait3A_1096] : memref<256x128xf32, #tpu.memory_space<vmem>> -> memref<16x128xf32, #tpu.memory_space<vmem>>
      %dma_wait3A_1098 = arith.constant 0 : i32
      %dma_wait3A_1099 = tpu.memref_slice %arg6[%dma_wait3A_1098, %multiple_of3A_581] : memref<16x1000000xf32, #tpu.memory_space<hbm>> -> memref<16x128xf32, #tpu.memory_space<hbm>>
      tpu.wait_dma2 semaphore(%arg15 : memref<!tpu.dma_semaphore, #tpu.memory_space<semaphore_mem>>) src(%dma_wait3A_1099 : memref<16x128xf32, #tpu.memory_space<hbm>>) dst(%dma_wait3A_1097 : memref<16x128xf32, #tpu.memory_space<vmem>>)
      %dma_wait3A_1100 = arith.constant 240 : i32
      %dma_wait3A_1101 = arith.constant 0 : i32
      %dma_wait3A_1102 = tpu.memref_slice %arg11[%dma_wait3A_1100, %dma_wait3A_1101] : memref<256x128xf32, #tpu.memory_space<vmem>> -> memref<16x128xf32, #tpu.memory_space<vmem>>
      %dma_wait3A_1103 = arith.constant 0 : i32
      %dma_wait3A_1104 = tpu.memref_slice %arg5[%dma_wait3A_1103, %multiple_of3A_614] : memref<16x1000000xf32, #tpu.memory_space<hbm>> -> memref<16x128xf32, #tpu.memory_space<hbm>>
      %dma_wait3A_1105 = arith.constant 240 : i32
      %dma_wait3A_1106 = arith.constant 0 : i32
      %dma_wait3A_1107 = tpu.memref_slice %arg11[%dma_wait3A_1105, %dma_wait3A_1106] : memref<256x128xf32, #tpu.memory_space<vmem>> -> memref<16x128xf32, #tpu.memory_space<vmem>>
      %dma_wait3A_1108 = arith.constant 0 : i32
      %dma_wait3A_1109 = tpu.memref_slice %arg5[%dma_wait3A_1108, %multiple_of3A_614] : memref<16x1000000xf32, #tpu.memory_space<hbm>> -> memref<16x128xf32, #tpu.memory_space<hbm>>
      tpu.wait_dma2 semaphore(%arg15 : memref<!tpu.dma_semaphore, #tpu.memory_space<semaphore_mem>>) src(%dma_wait3A_1109 : memref<16x128xf32, #tpu.memory_space<hbm>>) dst(%dma_wait3A_1107 : memref<16x128xf32, #tpu.memory_space<vmem>>)
      %dma_wait3A_1110 = arith.constant 240 : i32
      %dma_wait3A_1111 = arith.constant 0 : i32
      %dma_wait3A_1112 = tpu.memref_slice %arg12[%dma_wait3A_1110, %dma_wait3A_1111] : memref<256x128xf32, #tpu.memory_space<vmem>> -> memref<16x128xf32, #tpu.memory_space<vmem>>
      %dma_wait3A_1113 = arith.constant 0 : i32
      %dma_wait3A_1114 = tpu.memref_slice %arg6[%dma_wait3A_1113, %multiple_of3A_617] : memref<16x1000000xf32, #tpu.memory_space<hbm>> -> memref<16x128xf32, #tpu.memory_space<hbm>>
      %dma_wait3A_1115 = arith.constant 240 : i32
      %dma_wait3A_1116 = arith.constant 0 : i32
      %dma_wait3A_1117 = tpu.memref_slice %arg12[%dma_wait3A_1115, %dma_wait3A_1116] : memref<256x128xf32, #tpu.memory_space<vmem>> -> memref<16x128xf32, #tpu.memory_space<vmem>>
      %dma_wait3A_1118 = arith.constant 0 : i32
      %dma_wait3A_1119 = tpu.memref_slice %arg6[%dma_wait3A_1118, %multiple_of3A_617] : memref<16x1000000xf32, #tpu.memory_space<hbm>> -> memref<16x128xf32, #tpu.memory_space<hbm>>
      tpu.wait_dma2 semaphore(%arg15 : memref<!tpu.dma_semaphore, #tpu.memory_space<semaphore_mem>>) src(%dma_wait3A_1119 : memref<16x128xf32, #tpu.memory_space<hbm>>) dst(%dma_wait3A_1117 : memref<16x128xf32, #tpu.memory_space<vmem>>)
      %dma_wait3A_1120 = arith.constant 240 : i32
      %dma_wait3A_1121 = arith.constant 0 : i32
      %dma_wait3A_1122 = tpu.memref_slice %arg13[%dma_wait3A_1120, %dma_wait3A_1121] : memref<256x128xf32, #tpu.memory_space<vmem>> -> memref<16x128xf32, #tpu.memory_space<vmem>>
      %dma_wait3A_1123 = arith.constant 0 : i32
      %dma_wait3A_1124 = tpu.memref_slice %arg6[%dma_wait3A_1123, %multiple_of3A_620] : memref<16x1000000xf32, #tpu.memory_space<hbm>> -> memref<16x128xf32, #tpu.memory_space<hbm>>
      %dma_wait3A_1125 = arith.constant 240 : i32
      %dma_wait3A_1126 = arith.constant 0 : i32
      %dma_wait3A_1127 = tpu.memref_slice %arg13[%dma_wait3A_1125, %dma_wait3A_1126] : memref<256x128xf32, #tpu.memory_space<vmem>> -> memref<16x128xf32, #tpu.memory_space<vmem>>
      %dma_wait3A_1128 = arith.constant 0 : i32
      %dma_wait3A_1129 = tpu.memref_slice %arg6[%dma_wait3A_1128, %multiple_of3A_620] : memref<16x1000000xf32, #tpu.memory_space<hbm>> -> memref<16x128xf32, #tpu.memory_space<hbm>>
      tpu.wait_dma2 semaphore(%arg15 : memref<!tpu.dma_semaphore, #tpu.memory_space<semaphore_mem>>) src(%dma_wait3A_1129 : memref<16x128xf32, #tpu.memory_space<hbm>>) dst(%dma_wait3A_1127 : memref<16x128xf32, #tpu.memory_space<vmem>>)
      %and3A = arith.constant 127 : i32
      %and3A_1130 = vector.broadcast %and3A : i32 to vector<16xi32>
      %and3A_1131 = arith.andi %get3A_9, %and3A_1130 : vector<16xi32>
      %and3A_1132 = arith.constant 127 : i32
      %and3A_1133 = vector.broadcast %and3A_1132 : i32 to vector<16xi32>
      %and3A_1134 = arith.andi %get3A_11, %and3A_1133 : vector<16xi32>
      %and3A_1135 = arith.constant 127 : i32
      %and3A_1136 = vector.broadcast %and3A_1135 : i32 to vector<16xi32>
      %and3A_1137 = arith.andi %get3A_13, %and3A_1136 : vector<16xi32>
      %mul3A_1138 = arith.constant 16 : i32
      %mul3A_1139 = vector.broadcast %mul3A_1138 : i32 to vector<16xi32>
      %mul3A_1140 = arith.muli %iota3A, %mul3A_1139 : vector<16xi32>
      %broadcast_in_dim3A = arith.constant 0.000000e+00 : f32
      %broadcast_in_dim3A_1141 = vector.broadcast %broadcast_in_dim3A : f32 to vector<16xf32>
      %add3A_1142 = arith.constant 0 : i32
      %add3A_1143 = vector.broadcast %add3A_1142 : i32 to vector<16xi32>
      %add3A_1144 = arith.addi %mul3A_1140, %add3A_1143 : vector<16xi32>
      %gather3A = tpu.vector_load_idx %arg11[%add3A_1144, %and3A_1131] : memref<256x128xf32, #tpu.memory_space<vmem>>[vector<16xi32>, vector<16xi32>], vector<16xf32>,
      %gather3A_1145 = tpu.vector_load_idx %arg12[%add3A_1144, %and3A_1134] : memref<256x128xf32, #tpu.memory_space<vmem>>[vector<16xi32>, vector<16xi32>], vector<16xf32>,
      %gather3A_1146 = tpu.vector_load_idx %arg13[%add3A_1144, %and3A_1137] : memref<256x128xf32, #tpu.memory_space<vmem>>[vector<16xi32>, vector<16xi32>], vector<16xf32>,
      %sub3A = arith.subf %gather3A_1145, %gather3A_1146 : vector<16xf32>
      %mul3A_1147 = arith.mulf %gather3A, %sub3A : vector<16xf32>
      %add3A_1148 = arith.addf %broadcast_in_dim3A_1141, %mul3A_1147 : vector<16xf32>
      %add3A_1149 = arith.constant 1 : i32
      %add3A_1150 = vector.broadcast %add3A_1149 : i32 to vector<16xi32>
      %add3A_1151 = arith.addi %mul3A_1140, %add3A_1150 : vector<16xi32>
      %gather3A_1152 = tpu.vector_load_idx %arg11[%add3A_1151, %and3A_1131] : memref<256x128xf32, #tpu.memory_space<vmem>>[vector<16xi32>, vector<16xi32>], vector<16xf32>,
      %gather3A_1153 = tpu.vector_load_idx %arg12[%add3A_1151, %and3A_1134] : memref<256x128xf32, #tpu.memory_space<vmem>>[vector<16xi32>, vector<16xi32>], vector<16xf32>,
      %gather3A_1154 = tpu.vector_load_idx %arg13[%add3A_1151, %and3A_1137] : memref<256x128xf32, #tpu.memory_space<vmem>>[vector<16xi32>, vector<16xi32>], vector<16xf32>,
      %sub3A_1155 = arith.subf %gather3A_1153, %gather3A_1154 : vector<16xf32>
      %mul3A_1156 = arith.mulf %gather3A_1152, %sub3A_1155 : vector<16xf32>
      %add3A_1157 = arith.addf %add3A_1148, %mul3A_1156 : vector<16xf32>
      %add3A_1158 = arith.constant 2 : i32
      %add3A_1159 = vector.broadcast %add3A_1158 : i32 to vector<16xi32>
      %add3A_1160 = arith.addi %mul3A_1140, %add3A_1159 : vector<16xi32>
      %gather3A_1161 = tpu.vector_load_idx %arg11[%add3A_1160, %and3A_1131] : memref<256x128xf32, #tpu.memory_space<vmem>>[vector<16xi32>, vector<16xi32>], vector<16xf32>,
      %gather3A_1162 = tpu.vector_load_idx %arg12[%add3A_1160, %and3A_1134] : memref<256x128xf32, #tpu.memory_space<vmem>>[vector<16xi32>, vector<16xi32>], vector<16xf32>,
      %gather3A_1163 = tpu.vector_load_idx %arg13[%add3A_1160, %and3A_1137] : memref<256x128xf32, #tpu.memory_space<vmem>>[vector<16xi32>, vector<16xi32>], vector<16xf32>,
      %sub3A_1164 = arith.subf %gather3A_1162, %gather3A_1163 : vector<16xf32>
      %mul3A_1165 = arith.mulf %gather3A_1161, %sub3A_1164 : vector<16xf32>
      %add3A_1166 = arith.addf %add3A_1157, %mul3A_1165 : vector<16xf32>
      %add3A_1167 = arith.constant 3 : i32
      %add3A_1168 = vector.broadcast %add3A_1167 : i32 to vector<16xi32>
      %add3A_1169 = arith.addi %mul3A_1140, %add3A_1168 : vector<16xi32>
      %gather3A_1170 = tpu.vector_load_idx %arg11[%add3A_1169, %and3A_1131] : memref<256x128xf32, #tpu.memory_space<vmem>>[vector<16xi32>, vector<16xi32>], vector<16xf32>,
      %gather3A_1171 = tpu.vector_load_idx %arg12[%add3A_1169, %and3A_1134] : memref<256x128xf32, #tpu.memory_space<vmem>>[vector<16xi32>, vector<16xi32>], vector<16xf32>,
      %gather3A_1172 = tpu.vector_load_idx %arg13[%add3A_1169, %and3A_1137] : memref<256x128xf32, #tpu.memory_space<vmem>>[vector<16xi32>, vector<16xi32>], vector<16xf32>,
      %sub3A_1173 = arith.subf %gather3A_1171, %gather3A_1172 : vector<16xf32>
      %mul3A_1174 = arith.mulf %gather3A_1170, %sub3A_1173 : vector<16xf32>
      %add3A_1175 = arith.addf %add3A_1166, %mul3A_1174 : vector<16xf32>
      %add3A_1176 = arith.constant 4 : i32
      %add3A_1177 = vector.broadcast %add3A_1176 : i32 to vector<16xi32>
      %add3A_1178 = arith.addi %mul3A_1140, %add3A_1177 : vector<16xi32>
      %gather3A_1179 = tpu.vector_load_idx %arg11[%add3A_1178, %and3A_1131] : memref<256x128xf32, #tpu.memory_space<vmem>>[vector<16xi32>, vector<16xi32>], vector<16xf32>,
      %gather3A_1180 = tpu.vector_load_idx %arg12[%add3A_1178, %and3A_1134] : memref<256x128xf32, #tpu.memory_space<vmem>>[vector<16xi32>, vector<16xi32>], vector<16xf32>,
      %gather3A_1181 = tpu.vector_load_idx %arg13[%add3A_1178, %and3A_1137] : memref<256x128xf32, #tpu.memory_space<vmem>>[vector<16xi32>, vector<16xi32>], vector<16xf32>,
      %sub3A_1182 = arith.subf %gather3A_1180, %gather3A_1181 : vector<16xf32>
      %mul3A_1183 = arith.mulf %gather3A_1179, %sub3A_1182 : vector<16xf32>
      %add3A_1184 = arith.addf %add3A_1175, %mul3A_1183 : vector<16xf32>
      %add3A_1185 = arith.constant 5 : i32
      %add3A_1186 = vector.broadcast %add3A_1185 : i32 to vector<16xi32>
      %add3A_1187 = arith.addi %mul3A_1140, %add3A_1186 : vector<16xi32>
      %gather3A_1188 = tpu.vector_load_idx %arg11[%add3A_1187, %and3A_1131] : memref<256x128xf32, #tpu.memory_space<vmem>>[vector<16xi32>, vector<16xi32>], vector<16xf32>,
      %gather3A_1189 = tpu.vector_load_idx %arg12[%add3A_1187, %and3A_1134] : memref<256x128xf32, #tpu.memory_space<vmem>>[vector<16xi32>, vector<16xi32>], vector<16xf32>,
      %gather3A_1190 = tpu.vector_load_idx %arg13[%add3A_1187, %and3A_1137] : memref<256x128xf32, #tpu.memory_space<vmem>>[vector<16xi32>, vector<16xi32>], vector<16xf32>,
      %sub3A_1191 = arith.subf %gather3A_1189, %gather3A_1190 : vector<16xf32>
      %mul3A_1192 = arith.mulf %gather3A_1188, %sub3A_1191 : vector<16xf32>
      %add3A_1193 = arith.addf %add3A_1184, %mul3A_1192 : vector<16xf32>
      %add3A_1194 = arith.constant 6 : i32
      %add3A_1195 = vector.broadcast %add3A_1194 : i32 to vector<16xi32>
      %add3A_1196 = arith.addi %mul3A_1140, %add3A_1195 : vector<16xi32>
      %gather3A_1197 = tpu.vector_load_idx %arg11[%add3A_1196, %and3A_1131] : memref<256x128xf32, #tpu.memory_space<vmem>>[vector<16xi32>, vector<16xi32>], vector<16xf32>,
      %gather3A_1198 = tpu.vector_load_idx %arg12[%add3A_1196, %and3A_1134] : memref<256x128xf32, #tpu.memory_space<vmem>>[vector<16xi32>, vector<16xi32>], vector<16xf32>,
      %gather3A_1199 = tpu.vector_load_idx %arg13[%add3A_1196, %and3A_1137] : memref<256x128xf32, #tpu.memory_space<vmem>>[vector<16xi32>, vector<16xi32>], vector<16xf32>,
      %sub3A_1200 = arith.subf %gather3A_1198, %gather3A_1199 : vector<16xf32>
      %mul3A_1201 = arith.mulf %gather3A_1197, %sub3A_1200 : vector<16xf32>
      %add3A_1202 = arith.addf %add3A_1193, %mul3A_1201 : vector<16xf32>
      %add3A_1203 = arith.constant 7 : i32
      %add3A_1204 = vector.broadcast %add3A_1203 : i32 to vector<16xi32>
      %add3A_1205 = arith.addi %mul3A_1140, %add3A_1204 : vector<16xi32>
      %gather3A_1206 = tpu.vector_load_idx %arg11[%add3A_1205, %and3A_1131] : memref<256x128xf32, #tpu.memory_space<vmem>>[vector<16xi32>, vector<16xi32>], vector<16xf32>,
      %gather3A_1207 = tpu.vector_load_idx %arg12[%add3A_1205, %and3A_1134] : memref<256x128xf32, #tpu.memory_space<vmem>>[vector<16xi32>, vector<16xi32>], vector<16xf32>,
      %gather3A_1208 = tpu.vector_load_idx %arg13[%add3A_1205, %and3A_1137] : memref<256x128xf32, #tpu.memory_space<vmem>>[vector<16xi32>, vector<16xi32>], vector<16xf32>,
      %sub3A_1209 = arith.subf %gather3A_1207, %gather3A_1208 : vector<16xf32>
      %mul3A_1210 = arith.mulf %gather3A_1206, %sub3A_1209 : vector<16xf32>
      %add3A_1211 = arith.addf %add3A_1202, %mul3A_1210 : vector<16xf32>
      %add3A_1212 = arith.constant 8 : i32
      %add3A_1213 = vector.broadcast %add3A_1212 : i32 to vector<16xi32>
      %add3A_1214 = arith.addi %mul3A_1140, %add3A_1213 : vector<16xi32>
      %gather3A_1215 = tpu.vector_load_idx %arg11[%add3A_1214, %and3A_1131] : memref<256x128xf32, #tpu.memory_space<vmem>>[vector<16xi32>, vector<16xi32>], vector<16xf32>,
      %gather3A_1216 = tpu.vector_load_idx %arg12[%add3A_1214, %and3A_1134] : memref<256x128xf32, #tpu.memory_space<vmem>>[vector<16xi32>, vector<16xi32>], vector<16xf32>,
      %gather3A_1217 = tpu.vector_load_idx %arg13[%add3A_1214, %and3A_1137] : memref<256x128xf32, #tpu.memory_space<vmem>>[vector<16xi32>, vector<16xi32>], vector<16xf32>,
      %sub3A_1218 = arith.subf %gather3A_1216, %gather3A_1217 : vector<16xf32>
      %mul3A_1219 = arith.mulf %gather3A_1215, %sub3A_1218 : vector<16xf32>
      %add3A_1220 = arith.addf %add3A_1211, %mul3A_1219 : vector<16xf32>
      %add3A_1221 = arith.constant 9 : i32
      %add3A_1222 = vector.broadcast %add3A_1221 : i32 to vector<16xi32>
      %add3A_1223 = arith.addi %mul3A_1140, %add3A_1222 : vector<16xi32>
      %gather3A_1224 = tpu.vector_load_idx %arg11[%add3A_1223, %and3A_1131] : memref<256x128xf32, #tpu.memory_space<vmem>>[vector<16xi32>, vector<16xi32>], vector<16xf32>,
      %gather3A_1225 = tpu.vector_load_idx %arg12[%add3A_1223, %and3A_1134] : memref<256x128xf32, #tpu.memory_space<vmem>>[vector<16xi32>, vector<16xi32>], vector<16xf32>,
      %gather3A_1226 = tpu.vector_load_idx %arg13[%add3A_1223, %and3A_1137] : memref<256x128xf32, #tpu.memory_space<vmem>>[vector<16xi32>, vector<16xi32>], vector<16xf32>,
      %sub3A_1227 = arith.subf %gather3A_1225, %gather3A_1226 : vector<16xf32>
      %mul3A_1228 = arith.mulf %gather3A_1224, %sub3A_1227 : vector<16xf32>
      %add3A_1229 = arith.addf %add3A_1220, %mul3A_1228 : vector<16xf32>
      %add3A_1230 = arith.constant 10 : i32
      %add3A_1231 = vector.broadcast %add3A_1230 : i32 to vector<16xi32>
      %add3A_1232 = arith.addi %mul3A_1140, %add3A_1231 : vector<16xi32>
      %gather3A_1233 = tpu.vector_load_idx %arg11[%add3A_1232, %and3A_1131] : memref<256x128xf32, #tpu.memory_space<vmem>>[vector<16xi32>, vector<16xi32>], vector<16xf32>,
      %gather3A_1234 = tpu.vector_load_idx %arg12[%add3A_1232, %and3A_1134] : memref<256x128xf32, #tpu.memory_space<vmem>>[vector<16xi32>, vector<16xi32>], vector<16xf32>,
      %gather3A_1235 = tpu.vector_load_idx %arg13[%add3A_1232, %and3A_1137] : memref<256x128xf32, #tpu.memory_space<vmem>>[vector<16xi32>, vector<16xi32>], vector<16xf32>,
      %sub3A_1236 = arith.subf %gather3A_1234, %gather3A_1235 : vector<16xf32>
      %mul3A_1237 = arith.mulf %gather3A_1233, %sub3A_1236 : vector<16xf32>
      %add3A_1238 = arith.addf %add3A_1229, %mul3A_1237 : vector<16xf32>
      %add3A_1239 = arith.constant 11 : i32
      %add3A_1240 = vector.broadcast %add3A_1239 : i32 to vector<16xi32>
      %add3A_1241 = arith.addi %mul3A_1140, %add3A_1240 : vector<16xi32>
      %gather3A_1242 = tpu.vector_load_idx %arg11[%add3A_1241, %and3A_1131] : memref<256x128xf32, #tpu.memory_space<vmem>>[vector<16xi32>, vector<16xi32>], vector<16xf32>,
      %gather3A_1243 = tpu.vector_load_idx %arg12[%add3A_1241, %and3A_1134] : memref<256x128xf32, #tpu.memory_space<vmem>>[vector<16xi32>, vector<16xi32>], vector<16xf32>,
      %gather3A_1244 = tpu.vector_load_idx %arg13[%add3A_1241, %and3A_1137] : memref<256x128xf32, #tpu.memory_space<vmem>>[vector<16xi32>, vector<16xi32>], vector<16xf32>,
      %sub3A_1245 = arith.subf %gather3A_1243, %gather3A_1244 : vector<16xf32>
      %mul3A_1246 = arith.mulf %gather3A_1242, %sub3A_1245 : vector<16xf32>
      %add3A_1247 = arith.addf %add3A_1238, %mul3A_1246 : vector<16xf32>
      %add3A_1248 = arith.constant 12 : i32
      %add3A_1249 = vector.broadcast %add3A_1248 : i32 to vector<16xi32>
      %add3A_1250 = arith.addi %mul3A_1140, %add3A_1249 : vector<16xi32>
      %gather3A_1251 = tpu.vector_load_idx %arg11[%add3A_1250, %and3A_1131] : memref<256x128xf32, #tpu.memory_space<vmem>>[vector<16xi32>, vector<16xi32>], vector<16xf32>,
      %gather3A_1252 = tpu.vector_load_idx %arg12[%add3A_1250, %and3A_1134] : memref<256x128xf32, #tpu.memory_space<vmem>>[vector<16xi32>, vector<16xi32>], vector<16xf32>,
      %gather3A_1253 = tpu.vector_load_idx %arg13[%add3A_1250, %and3A_1137] : memref<256x128xf32, #tpu.memory_space<vmem>>[vector<16xi32>, vector<16xi32>], vector<16xf32>,
      %sub3A_1254 = arith.subf %gather3A_1252, %gather3A_1253 : vector<16xf32>
      %mul3A_1255 = arith.mulf %gather3A_1251, %sub3A_1254 : vector<16xf32>
      %add3A_1256 = arith.addf %add3A_1247, %mul3A_1255 : vector<16xf32>
      %add3A_1257 = arith.constant 13 : i32
      %add3A_1258 = vector.broadcast %add3A_1257 : i32 to vector<16xi32>
      %add3A_1259 = arith.addi %mul3A_1140, %add3A_1258 : vector<16xi32>
      %gather3A_1260 = tpu.vector_load_idx %arg11[%add3A_1259, %and3A_1131] : memref<256x128xf32, #tpu.memory_space<vmem>>[vector<16xi32>, vector<16xi32>], vector<16xf32>,
      %gather3A_1261 = tpu.vector_load_idx %arg12[%add3A_1259, %and3A_1134] : memref<256x128xf32, #tpu.memory_space<vmem>>[vector<16xi32>, vector<16xi32>], vector<16xf32>,
      %gather3A_1262 = tpu.vector_load_idx %arg13[%add3A_1259, %and3A_1137] : memref<256x128xf32, #tpu.memory_space<vmem>>[vector<16xi32>, vector<16xi32>], vector<16xf32>,
      %sub3A_1263 = arith.subf %gather3A_1261, %gather3A_1262 : vector<16xf32>
      %mul3A_1264 = arith.mulf %gather3A_1260, %sub3A_1263 : vector<16xf32>
      %add3A_1265 = arith.addf %add3A_1256, %mul3A_1264 : vector<16xf32>
      %add3A_1266 = arith.constant 14 : i32
      %add3A_1267 = vector.broadcast %add3A_1266 : i32 to vector<16xi32>
      %add3A_1268 = arith.addi %mul3A_1140, %add3A_1267 : vector<16xi32>
      %gather3A_1269 = tpu.vector_load_idx %arg11[%add3A_1268, %and3A_1131] : memref<256x128xf32, #tpu.memory_space<vmem>>[vector<16xi32>, vector<16xi32>], vector<16xf32>,
      %gather3A_1270 = tpu.vector_load_idx %arg12[%add3A_1268, %and3A_1134] : memref<256x128xf32, #tpu.memory_space<vmem>>[vector<16xi32>, vector<16xi32>], vector<16xf32>,
      %gather3A_1271 = tpu.vector_load_idx %arg13[%add3A_1268, %and3A_1137] : memref<256x128xf32, #tpu.memory_space<vmem>>[vector<16xi32>, vector<16xi32>], vector<16xf32>,
      %sub3A_1272 = arith.subf %gather3A_1270, %gather3A_1271 : vector<16xf32>
      %mul3A_1273 = arith.mulf %gather3A_1269, %sub3A_1272 : vector<16xf32>
      %add3A_1274 = arith.addf %add3A_1265, %mul3A_1273 : vector<16xf32>
      %add3A_1275 = arith.constant 15 : i32
      %add3A_1276 = vector.broadcast %add3A_1275 : i32 to vector<16xi32>
      %add3A_1277 = arith.addi %mul3A_1140, %add3A_1276 : vector<16xi32>
      %gather3A_1278 = tpu.vector_load_idx %arg11[%add3A_1277, %and3A_1131] : memref<256x128xf32, #tpu.memory_space<vmem>>[vector<16xi32>, vector<16xi32>], vector<16xf32>,
      %gather3A_1279 = tpu.vector_load_idx %arg12[%add3A_1277, %and3A_1134] : memref<256x128xf32, #tpu.memory_space<vmem>>[vector<16xi32>, vector<16xi32>], vector<16xf32>,
      %gather3A_1280 = tpu.vector_load_idx %arg13[%add3A_1277, %and3A_1137] : memref<256x128xf32, #tpu.memory_space<vmem>>[vector<16xi32>, vector<16xi32>], vector<16xf32>,
      %sub3A_1281 = arith.subf %gather3A_1279, %gather3A_1280 : vector<16xf32>
      %mul3A_1282 = arith.mulf %gather3A_1278, %sub3A_1281 : vector<16xf32>
      %add3A_1283 = arith.addf %add3A_1274, %mul3A_1282 : vector<16xf32>
      %swap3A = arith.index_cast %mul3A_8 : i32 to index
      %swap3A_1284 = tpu.vector_load %arg14[%swap3A] {strides = array<i32>} : memref<512xf32, #tpu.memory_space<vmem>>, vector<16xf32>,
      tpu.vector_store %arg14[%swap3A], %add3A_1283 {strides = array<i32>} : memref<512xf32, #tpu.memory_space<vmem>>, vector<16xf32>,
    }
    %scan3A_5 = arith.constant 32 : i32
    "tpu.region"() ({
      %run_scoped3A = tpu.sem_alloc : memref<!tpu.dma_semaphore, #tpu.memory_space<semaphore_mem>>
      %dma_start3A = arith.constant 0 : i32
      %dma_start3A_6 = tpu.memref_slice %arg7[%add3A, %dma_start3A] : memref<32x512xf32, #tpu.memory_space<hbm>> -> memref<1x512xf32, #tpu.memory_space<hbm>>
      %dma_start3A_7 = tpu.memref_squeeze %dma_start3A_6 : memref<1x512xf32, #tpu.memory_space<hbm>> -> memref<512xf32, #tpu.memory_space<hbm>>
      %dma_start3A_8 = arith.constant 0 : i32
      %dma_start3A_9 = tpu.memref_slice %arg7[%add3A, %dma_start3A_8] : memref<32x512xf32, #tpu.memory_space<hbm>> -> memref<1x512xf32, #tpu.memory_space<hbm>>
      %dma_start3A_10 = tpu.memref_squeeze %dma_start3A_9 : memref<1x512xf32, #tpu.memory_space<hbm>> -> memref<512xf32, #tpu.memory_space<hbm>>
      tpu.enqueue_dma source(%arg14 : memref<512xf32, #tpu.memory_space<vmem>>) target(%dma_start3A_10 : memref<512xf32, #tpu.memory_space<hbm>>) target_semaphore(%run_scoped3A : memref<!tpu.dma_semaphore, #tpu.memory_space<semaphore_mem>>)
      %dma_wait3A = arith.constant 0 : i32
      %dma_wait3A_11 = tpu.memref_slice %arg7[%add3A, %dma_wait3A] : memref<32x512xf32, #tpu.memory_space<hbm>> -> memref<1x512xf32, #tpu.memory_space<hbm>>
      %dma_wait3A_12 = tpu.memref_squeeze %dma_wait3A_11 : memref<1x512xf32, #tpu.memory_space<hbm>> -> memref<512xf32, #tpu.memory_space<hbm>>
      %dma_wait3A_13 = arith.constant 0 : i32
      %dma_wait3A_14 = tpu.memref_slice %arg7[%add3A, %dma_wait3A_13] : memref<32x512xf32, #tpu.memory_space<hbm>> -> memref<1x512xf32, #tpu.memory_space<hbm>>
      %dma_wait3A_15 = tpu.memref_squeeze %dma_wait3A_14 : memref<1x512xf32, #tpu.memory_space<hbm>> -> memref<512xf32, #tpu.memory_space<hbm>>
      tpu.wait_dma2 semaphore(%run_scoped3A : memref<!tpu.dma_semaphore, #tpu.memory_space<semaphore_mem>>) src(%arg14 : memref<512xf32, #tpu.memory_space<vmem>>) dst(%dma_wait3A_15 : memref<512xf32, #tpu.memory_space<hbm>>)
      tpu.yield
    }) : () -> ()
    return
  }
}

module attributes {stable_mosaic.version = 14 : i64} {
  func.func @body(%arg0: memref<128x128xf32, #tpu.memory_space<vmem>>, %arg1: memref<1x1xf32, #tpu.memory_space<smem>>) attributes {dimension_semantics = [], scalar_prefetch = 0 : i64, scratch_operands = 0 : i64, tpu.core_type = #tpu.core_type<tc>} {
    %get3A = arith.constant 0 : index
    %get3A_0 = arith.constant 0 : index
    %get3A_1 = vector.load %arg0[%get3A, %get3A_0] : memref<128x128xf32, #tpu.memory_space<vmem>>, vector<128x128xf32>
    %neg3A = arith.constant 0.000000e+00 : f32
    %neg3A_2 = vector.broadcast %neg3A : f32 to vector<128x128xf32>
    %neg3A_3 = arith.subf %neg3A_2, %get3A_1 : vector<128x128xf32>
    %max3A = arith.constant 0.000000e+00 : f32
    %max3A_4 = vector.broadcast %max3A : f32 to vector<128x128xf32>
    %max3A_5 = arith.maximumf %neg3A_3, %max3A_4 : vector<128x128xf32>
    %abs3A = math.absf %neg3A_3 : vector<128x128xf32>
    %neg3A_6 = arith.constant 0.000000e+00 : f32
    %neg3A_7 = vector.broadcast %neg3A_6 : f32 to vector<128x128xf32>
    %neg3A_8 = arith.subf %neg3A_7, %abs3A : vector<128x128xf32>
    %exp3A = math.exp %neg3A_8 : vector<128x128xf32>
    %log1p3A = math.log1p %exp3A : vector<128x128xf32>
    %add3A = arith.addf %max3A_5, %log1p3A : vector<128x128xf32>
    %reduce_sum3A = vector.shape_cast %add3A : vector<128x128xf32> to vector<1x128x128xf32>
    %reduce_sum3A_9 = arith.constant dense<0.000000e+00> : vector<1xf32>
    %reduce_sum3A_10 = vector.multi_reduction <add>, %reduce_sum3A, %reduce_sum3A_9 [1, 2] : vector<1x128x128xf32> to vector<1xf32>
    %reduce_sum3A_11 = vector.shape_cast %reduce_sum3A_10 : vector<1xf32> to vector<1x1x1xf32>
    %reduce_sum3A_12 = vector.extract %reduce_sum3A_11[0, 0, 0] : f32 from vector<1x1x1xf32>
    %mul3A = arith.constant 6.10351563E-5 : f32
    %mul3A_13 = arith.mulf %reduce_sum3A_12, %mul3A : f32
    %swap3A = arith.constant 0 : index
    %swap3A_14 = arith.constant 0 : index
    %swap3A_15 = memref.load %arg1[%swap3A, %swap3A_14] : memref<1x1xf32, #tpu.memory_space<smem>>
    memref.store %mul3A_13, %arg1[%swap3A, %swap3A_14] : memref<1x1xf32, #tpu.memory_space<smem>>
    return
  }
}

</mosaic_0001>

<sc_bundles>
// kernel: kernel.4.cloned.1.call-start
scs
__scs_entry_jumppad:
0x0: {  	(pc) =	sbr.rel $0x88, $3  }
0x1: {  	(tag) =	ssettag $0x0;
	lr =	simm.s32 $0x1  }
0x2: {  	[smem:$0x3F9C] =	sst lr;
	_ =	strace $0xD0000000  }
0x3: {  	_ = 	snop  }
0x4: {  	_ = 	snop  }
0x5: {  	_ = 	snop  }
0x6: {  	_ = 	snop  }
0x7: {  	_ = 	snop  }
__scs_overlays_trampoline_lowered:
0x8: {  	[smem:$0x3FAB] =	sst s0  }
0x9: {  	[smem:$0x3FAC] =	sst s1  }
0xa: {  	[smem:$0x3FAD] =	sst s2  }
0xb: {  	[smem:$0x3FAE] =	sst s3  }
0xc: {  	[smem:$0x3FAF] =	sst s4  }
0xd: {  	[smem:$0x3FB0] =	sst s5  }
0xe: {  	[smem:$0x3FB1] =	sst s6  }
0xf: {  	[smem:$0x3FB2] =	sst s7  }
0x10: {  	[smem:$0x3FB3] =	sst s8  }
0x11: {  	[smem:$0x3FB4] =	sst s9;
	s0 =	simm.s32 @!p0 $0x0  }
0x12: {  	s1 =	sld [smem:$0x3F9A];
	s0 =	simm.s32 @p0 $0x1  }
0x13: {  	[smem:$0x3FB5] =	sst s0;
	s0 =	simm.s32 @!p1 $0x0  }
0x14: {  	s2 =	sld [smem:$0x3F99];
	s0 =	simm.s32 @p1 $0x1  }
0x15: {  	[smem:$0x3FB6] =	sst s0;
	s0 =	simm.s32 @!p2 $0x0  }
0x16: {  	s3 =	sld [smem:$0x3FDB];
	s0 =	simm.s32 @p2 $0x1  }
0x17: {  	s4 =	simm.s32 $0x1BF5;
	[smem:$0x3FB8] =	sst s0  }
0x18: {  	s0 =	sld [smem:$0x3F9B];
	_ =	swait.ge [sflag:s4], $0x0  }
0x19: {  	s7 =	sld [smem:$0x3F9C]  }
0x1a: {  	s8 =	sadd.s32 $0xFFFFE003, lr  }
0x1b: {  	s9 =	sadd.s32 $0xFFFFFEF7, lr;
	s5 =	simm.s32 $0xFFFFFFFF;
	p2 =	slt.u32 s8, $0xFFFFF086  }
0x1c: {  	p1 =	slt.u32 s9, $0xF7A;
	s5 =	simm.s32 @!p2 $0x0  }
0x1d: {  	s5 =	simm.s32 @p1 $0x1;
	p0 =	seq.s32 s7, s2  }
0x1e: {  	s7 =	smul.u32 @!p0 $0xF7A, s2;
	p2 =	seq.s32 @!p0 s5, $0x0  }
0x1f: {  	s9 =	smul.u32 $0xF7A, s1;
	s8 =	simm.s32 @!p0 $0x1BF5;
	p2 =	por !p2, p0  }
0x20: {  	[sflag:s8] =	ssyncset.s32 @!p0 $0xFFFFF086;
	s6 =	sadd.s32 @!p0 s3, s7;
	s7 =	simm.s32 @!p0 $0x108  }
0x21: {  	s3 =	sadd.s32 s3, s9;
	s6 =	sadd.s32 @!p0 $0x88, s6;
	s7 =	simm.s32 @p2 $0x1082  }
0x22: {  	[simem:s7], [sflag:s8] =	dma.local @!p0 [hbm:s6], $0xF7A  }
0x23: {  	s9 =	sor.u32 $0xD0000000, s2;
	s6 =	simm.s32 $0x108;
	_ =	swait.ge @!p0 [sflag:s8], $0x0  }
0x24: {  	s3 =	sadd.s32 $0x88, s3;
	s6 =	simm.s32 @!p1 $0x1082;
	[sflag:s4] =	ssyncset.s32 $0xFFFFF086  }
0x25: {  	[simem:s6], [sflag:s4] =	dma.local [hbm:s3], $0xF7A  }
0x26: {  	[smem:$0x3F9C] =	sst s1;
	(tag) =	ssettag s2;
	_ =	strace s9  }
0x27: {  	s1 =	sld [smem:$0x3FAC]  }
0x28: {  	s2 =	sld [smem:$0x3FAD]  }
0x29: {  	s4 =	sld [smem:$0x3FAF]  }
0x2a: {  	p0 =	seq.s32 s5, $0x0;
	s5 =	sld [smem:$0x3FB0]  }
0x2b: {  	s6 =	sld [smem:$0x3FB1]  }
0x2c: {  	s7 =	sld [smem:$0x3FB2]  }
0x2d: {  	s3 =	simm.s32 $0x108;
	s8 =	sld [smem:$0x3FB3]  }
0x2e: {  	s3 =	simm.s32 @!p0 $0x1082;
	s9 =	sld [smem:$0x3FB4]  }
0x2f: {  	lr =	sadd.s32 s0, s3;
	s0 =	sld [smem:$0x3FAB]  }
0x30: {  	s3 =	sld [smem:$0x3FAE]  }
0x31: {  	[smem:$0x3FB7] =	sst s10  }
0x32: {  	s10 =	sld [smem:$0x3FB5];
	_ =	sdelay $0x3  }
0x33: {  	p0 =	seq.s32 s10, $0x1;
	s10 =	sld [smem:$0x3FB7];
	_ =	sdelay $0x3  }
0x34: {  	[smem:$0x3FB7] =	sst s10  }
0x35: {  	s10 =	sld [smem:$0x3FB6];
	_ =	sdelay $0x3  }
0x36: {  	p1 =	seq.s32 s10, $0x1;
	s10 =	sld [smem:$0x3FB7];
	_ =	sdelay $0x3  }
0x37: {  	[smem:$0x3FB7] =	sst s10  }
0x38: {  	s10 =	sld [smem:$0x3FB8]  }
0x39: {  	_ = 	snop;
	(pc) =	sbr.ind lr, $3  }
0x3a: {  	_ = 	snop  }
0x3b: {  	_ = 	snop  }
0x3c: {  	p2 =	seq.s32 s10, $0x1;
	s10 =	sld [smem:$0x3FB7]  }
0x3d: {  	_ =	shalt  }
0x3e: {  	_ =	shalt  }
0x3f: {  	_ =	shalt  }
0x40: {  	_ =	shalt  }
0x41: {  	_ =	shalt  }
0x42: {  	_ =	shalt  }
0x43: {  	_ =	shalt  }
0x44: {  	_ =	shalt  }
0x45: {  	_ =	shalt  }
0x46: {  	_ =	shalt  }
0x47: {  	_ =	shalt  }
0x48: {  	_ =	shalt  }
0x49: {  	_ =	shalt  }
0x4a: {  	_ =	shalt  }
0x4b: {  	_ =	shalt  }
0x4c: {  	_ =	shalt  }
0x4d: {  	_ =	shalt  }
0x4e: {  	_ =	shalt  }
0x4f: {  	_ =	shalt  }
0x50: {  	_ =	shalt  }
0x51: {  	_ =	shalt  }
0x52: {  	_ =	shalt  }
0x53: {  	_ =	shalt  }
0x54: {  	_ =	shalt  }
0x55: {  	_ =	shalt  }
0x56: {  	_ =	shalt  }
0x57: {  	_ =	shalt  }
0x58: {  	_ =	shalt  }
0x59: {  	_ =	shalt  }
0x5a: {  	_ =	shalt  }
0x5b: {  	_ =	shalt  }
0x5c: {  	_ =	shalt  }
0x5d: {  	_ =	shalt  }
0x5e: {  	_ =	shalt  }
0x5f: {  	_ =	shalt  }
0x60: {  	_ =	shalt  }
0x61: {  	_ =	shalt  }
0x62: {  	_ =	shalt  }
0x63: {  	_ =	shalt  }
0x64: {  	_ =	shalt  }
0x65: {  	_ =	shalt  }
0x66: {  	_ =	shalt  }
0x67: {  	_ =	shalt  }
0x68: {  	_ =	shalt  }
0x69: {  	_ =	shalt  }
0x6a: {  	_ =	shalt  }
0x6b: {  	_ =	shalt  }
0x6c: {  	_ =	shalt  }
0x6d: {  	_ =	shalt  }
0x6e: {  	_ =	shalt  }
0x6f: {  	_ =	shalt  }
0x70: {  	_ =	shalt  }
0x71: {  	_ =	shalt  }
0x72: {  	_ =	shalt  }
0x73: {  	_ =	shalt  }
0x74: {  	_ =	shalt  }
0x75: {  	_ =	shalt  }
0x76: {  	_ =	shalt  }
0x77: {  	_ =	shalt  }
0x78: {  	_ =	shalt  }
0x79: {  	_ =	shalt  }
0x7a: {  	_ =	shalt  }
0x7b: {  	_ =	shalt  }
0x7c: {  	_ =	shalt  }
0x7d: {  	_ =	shalt  }
0x7e: {  	_ =	shalt  }
0x7f: {  	_ =	shalt  }
0x80: {  	_ =	shalt  }
0x81: {  	_ =	shalt  }
0x82: {  	_ =	shalt  }
0x83: {  	_ =	shalt  }
0x84: {  	_ =	shalt  }
0x85: {  	_ =	shalt  }
0x86: {  	_ =	shalt  }
0x87: {  	_ =	shalt  }
.Lfunc_end0:
.L_simem_size_0:
called_computation_lowered:
.L_overlay_start_0:
0x88: {  	s2 =	sld [smem:$0x3FD9]  }
0x89: {  	s3 =	sld [smem:$0x3FFE];
	_ =	sdelay $0x1  }
0x8a: {  	s1 =	srdreg.scid  }
0x8b: {  	s0 =	sand.u32 $0x1, s1  }
0x8c: {  	s17 =	sshll.u32 s0, $0xA;
	s2 =	sadd.s32 s3, s2  }
0x8d: {  	s2 =	sadd.s32 s2, s17  }
0x8e: {  	[smem:$0x3FC3] =	sst s2  }
0x8f: {  	_ = 	snop  }
0x90: {  	s2 =	sld [smem:$0x3FC6]  }
0x91: {  	s18 =	sld [smem:$0x3FC5];
	(tm) =	ssettm $0x1  }
0x92: {  	s4 =	sld [smem:$0x3FFB];
	_ =	sdelay $0x3  }
0x93: {  	_ =	strace s4  }
0x94: {  	s4 =	sld [smem:$0x3FFC];
	_ =	sdelay $0x3  }
0x95: {  	_ =	strace s4  }
0x96: {  	s4 =	sld [smem:$0x3FFD];
	_ =	sdelay $0x3  }
0x97: {  	_ =	strace s4  }
0x98: {  	_ =	strace $0x8FFFFFFF  }
0x99: {  	s19 =	sld [smem:$0x3FDB];
	_ =	sdelay $0x1  }
0x9a: {  	s5 =	simm.s32 $_scs_section_size  }
0x9b: {  	s6 =	simm.s32 $_size__tile_overlayer_lowered;
	s7 =	simm.s32 $_tile_overlayer_lowered  }
0x9c: {  	s22 =	simm.s32 $0x1BFF;
	s21 =	sshll.u32 s7, $0x1;
	s4 =	sadd.s32 s5, s19  }
0x9d: {  	s8 =	simm.s32 $0x0;
	s20 =	sshll.u32 s6, $0x1;
	s6 =	sadd.s32 s21, s4  }
0x9e: {  	[timem:s8], [sflag:s22] =	dma.local [hbm:s6], s20  }
0x9f: {  	_ =	swait.ge [sflag:s22], s20  }
0xa0: {  	s5 =	ssub.s32 $0x0, s20;
	[sflag:s22] =	ssyncset.done $0x0  }
0xa1: {  	[sflag:s22] =	ssyncadd.s32 s5;
	_ =	sdelay $0x1  }
0xa2: {  	s23 =	simm.s32 $0x1B8B  }
0xa3: {  	_ =	swait.ge [sflag:s23], $0x1  }
0xa4: {  	[sflag:s23] =	ssyncset.done $0x0  }
0xa5: {  	s25 =	simm.s32 $0x1B8E;
	s24 =	sld [smem:$0x3FFE];
	[sflag:s23] =	ssyncadd.s32 $0xFFFFFFFF  }
0xa6: {  	s26 =	simm.s32 $execute0_lowered;
	[smem:$0x3FD2] =	sst s25  }
0xa7: {  	s6 =	sshll.u32 s26, $0x1;
	_ =	strace $0x80000046;
	[dreg:$0x1] =	wrdreg $0xFFFFFFFF  }
0xa8: {  	s28 =	simm.s32 $_size_execute0_lowered;
	s4 =	sadd.s32 s4, s6;
	[dreg:$0x0] =	wrdreg $0x0  }
0xa9: {  	s6 =	sshll.u32 s28, $0x1;
	[dreg:$0x2] =	wrdreg s4  }
0xaa: {  	[dreg:$0x3] =	wrdreg s6  }
0xab: {  	[dreg:$0x4] =	wrdreg $0xC0  }
0xac: {  	_ =	task [dreg:s8], $0x5FFFF  }
0xad: {  	[dreg:$0x1] =	wrdreg $0xFFFFFFFF  }
0xae: {  	[dreg:$0x0] =	wrdreg $0x60  }
0xaf: {  	[dreg:$0x2] =	wrdreg s24  }
0xb0: {  	[dreg:$0x3] =	wrdreg s2  }
0xb1: {  	[dreg:$0x4] =	wrdreg s18  }
0xb2: {  	[dreg:$0x5] =	wrdreg $0x9  }
0xb3: {  	_ =	task.clear_ibuf [dreg:s8], $0x6FFFF;
	_ =	strace $0x90000046  }
0xb4: {  	s29 =	simm.s32 $0x9;
	_ =	strace $0x80000048  }
0xb5: {  	_ =	swait.ge [sflag:s29], $0x1  }
0xb6: {  	[sflag:s29] =	ssyncadd.s32 $0xFFFFFFFF  }
0xb7: {  	_ =	strace $0x90000048  }
0xb8: {  	_ =	sfence  }
0xb9: {  	s30 =	sld [smem:$0x0];
	_ =	sdelay $0x2  }
0xba: {  	s31 =	sshll.u32 s1, $0xD;
	s1 =	sshrl.u32 s1, $0x2  }
0xbb: {  	s3 =	sand.u32 $0x4000, s31;
	s1 =	sadd.s32 s1, s30  }
0xbc: {  	s0 =	sor.u32 s3, s0;
	s1 =	sshll.u32 s1, $0x11  }
0xbd: {  	s0 =	sor.u32 s1, s0  }
0xbe: {  	s0 =	sadd.s32 $0x8F2B, s0  }
0xbf: {  	[sflag:s0] =	ssyncadd.remote.s32 $0x1  }
0xc0: {  	_ =	sfence.sel $0xFFFF  }
0xc1: {  	[dreg:$0x0] =	wrdreg $0xFFFFFFFF;
	(pc) =	sbr.abs _section_cstart, $3  }
0xc2: {  	[dreg:$0x1] =	wrdreg $0xFFFFFFFF  }
0xc3: {  	_ =	task.clear_ibuf [dreg:s8], $0x2FFFF;
	_ =	strace $0x9FFFFFFF  }
0xc4: {  	(tm) =	ssettm $0x7FFFFFFF  }
0xc5: {  	_ =	shalt  }
tec
execute0_lowered:
.L_overlay_start_1:
0x0: {  	(tag) =	ssettag $0x1  }
0x1: {  	s4 =	rddreg [dreg:$0x0]  }
0x2: {  	s0 =	rddreg [dreg:$0x1]  }
0x3: {  	s1 =	rddreg [dreg:$0x2]  }
0x4: {  	[dreg:$0x4] =	wrdreg s0  }
0x5: {  	s2 =	simm.s32 $0x0;
	s0 =	rddreg [dreg:$0x3]  }
0x6: {  	s3 =	simm.s32 $0xE00;
	[smem:$0x7FF] =	sst s2  }
0x7: {  	s19 =	simm.s32 $0x8E00;
	_ =	strace $0x80000047;
	[dreg:$0x5] =	wrdreg s3  }
0x8: {  	s20 =	simm.s32 $0x10E00;
	[dreg:$0x6] =	wrdreg s19  }
0x9: {  	s21 =	simm.s32 $0x1600;
	[dreg:$0x7] =	wrdreg s20  }
0xa: {  	s22 =	simm.s32 $0x9600;
	[dreg:$0x8] =	wrdreg s21  }
0xb: {  	s23 =	simm.s32 $0x11600;
	[dreg:$0x9] =	wrdreg s22  }
0xc: {  	s24 =	simm.s32 $0x1E00;
	[dreg:$0xa] =	wrdreg s23  }
0xd: {  	s25 =	simm.s32 $0x9E00;
	[dreg:$0xb] =	wrdreg s24  }
0xe: {  	s26 =	simm.s32 $0x11E00;
	[dreg:$0xc] =	wrdreg s25  }
0xf: {  	s28 =	simm.s32 $0x2600;
	[dreg:$0xd] =	wrdreg s26  }
0x10: {  	s29 =	simm.s32 $0xA600;
	[dreg:$0xe] =	wrdreg s28  }
0x11: {  	s30 =	simm.s32 $0x12600;
	[dreg:$0xf] =	wrdreg s29  }
0x12: {  	s31 =	simm.s32 $0x2E00;
	[dreg:$0x10] =	wrdreg s30  }
0x13: {  	s5 =	simm.s32 $0xAE00;
	[dreg:$0x11] =	wrdreg s31  }
0x14: {  	s6 =	simm.s32 $0x12E00;
	[dreg:$0x12] =	wrdreg s5  }
0x15: {  	s7 =	simm.s32 $0x3600;
	[dreg:$0x13] =	wrdreg s6  }
0x16: {  	s8 =	simm.s32 $0xB600;
	[dreg:$0x14] =	wrdreg s7  }
0x17: {  	s9 =	simm.s32 $0x13600;
	[dreg:$0x15] =	wrdreg s8  }
0x18: {  	s10 =	simm.s32 $0x3E00;
	[dreg:$0x16] =	wrdreg s9  }
0x19: {  	s11 =	simm.s32 $0xBE00;
	[dreg:$0x17] =	wrdreg s10  }
0x1a: {  	s12 =	simm.s32 $0x4600;
	[dreg:$0x18] =	wrdreg s11  }
0x1b: {  	s13 =	simm.s32 $0xC600;
	[dreg:$0x1a] =	wrdreg s12  }
0x1c: {  	s14 =	simm.s32 $0x14600;
	[dreg:$0x1b] =	wrdreg s13  }
0x1d: {  	s15 =	simm.s32 $0x4E00;
	[dreg:$0x1c] =	wrdreg s14  }
0x1e: {  	s16 =	simm.s32 $0xCE00;
	[dreg:$0x1d] =	wrdreg s15  }
0x1f: {  	s17 =	simm.s32 $0x14E00;
	[dreg:$0x1e] =	wrdreg s16  }
0x20: {  	s18 =	simm.s32 $0x5600;
	[dreg:$0x1f] =	wrdreg s17  }
0x21: {  	s6 =	simm.s32 $0x13E00;
	[smem:$0x7EC] =	sst s18  }
0x22: {  	s19 =	simm.s32 $0xD600;
	[dreg:$0x19] =	wrdreg s6  }
0x23: {  	s20 =	simm.s32 $0x15600;
	[smem:$0x7ED] =	sst s19  }
0x24: {  	s21 =	simm.s32 $0x5E00;
	[smem:$0x7EE] =	sst s20  }
0x25: {  	s22 =	simm.s32 $0xDE00;
	[smem:$0x7EF] =	sst s21  }
0x26: {  	s5 =	srdreg.scid;
	s24 =	simm.s32 $0x15E00;
	[smem:$0x7F0] =	sst s22  }
0x27: {  	s3 =	stileid.u32;
	s26 =	simm.s32 $0x6600;
	[smem:$0x7F1] =	sst s24  }
0x28: {  	s28 =	simm.s32 $0xE600;
	s29 =	simm.s32 $0x16600;
	[smem:$0x7F2] =	sst s26  }
0x29: {  	s30 =	simm.s32 $0x6E00;
	s31 =	simm.s32 $0xEE00;
	[smem:$0x7F3] =	sst s28  }
0x2a: {  	s10 =	simm.s32 $0x16E00;
	s11 =	simm.s32 $0x7600;
	[smem:$0x7F4] =	sst s29  }
0x2b: {  	s12 =	simm.s32 $0xF600;
	s13 =	simm.s32 $0x17600;
	[smem:$0x7F5] =	sst s30  }
0x2c: {  	s14 =	simm.s32 $0x7E00;
	s15 =	simm.s32 $0xFE00;
	[smem:$0x7F6] =	sst s31  }
0x2d: {  	s17 =	simm.s32 $0x17E00;
	s16 =	simm.s32 $0x10600;
	[smem:$0x7F7] =	sst s10  }
0x2e: {  	s18 =	simm.s32 $0x18600;
	s5 =	sand.u32 $0x1, s5;
	[smem:$0x7F8] =	sst s11  }
0x2f: {  	s7 =	sshll.u32 s3, $0x7;
	s8 =	sshll.u32 s3, $0x5;
	[smem:$0x7F9] =	sst s12  }
0x30: {  	s10 =	simm.s32 $0x400;
	s11 =	simm.s32 $0x2;
	[smem:$0x7FA] =	sst s13  }
0x31: {  	v0 =	vlaneseq.u32;
	s12 =	simm.s32 $0x200;
	s13 =	simm.s32 $0x7A1400;
	[smem:$0x7FB] =	sst s14  }
0x32: {  	v0 =	vmul.u32 $0x800, v0;
	s14 =	simm.s32 $0x600;
	[smem:$0x7FC] =	sst s15;
	s15 =	simm.s32 $0x8600  }
0x33: {  	[smem:$0x7FD] =	sst s17;
	s9 =	sshll.u32 s5, $0x4;
	s8 =	sand.u32 $0x60, s8  }
0x34: {  	v1 =	vor.u32 $0x80, v0;
	v2 =	vor.u32 $0x100, v0;
	v3 =	vor.u32 $0x180, v0;
	s7 =	sand.u32 $0x600, s7;
	s5 =	ssub.s32 $0x2, s5;
	s8 =	sor.u32 s9, s8  }
0x35: {  	v4 =	vor.u32 $0x200, v0;
	v5 =	vor.u32 $0x280, v0;
	v6 =	vor.u32 $0x300, v0;
	s17 =	simm.s32 $0x1;
	s23 =	sshrl.u32 s5, $0x1;
	s7 =	sor.u32 s7, s8  }
0x36: {  	v7 =	vor.u32 $0x380, v0;
	v8 =	vor.u32 $0x400, v0;
	v9 =	vor.u32 $0x480, v0;
	s19 =	simm.s32 $0x0;
	s25 =	ssub.s32 s5, s23;
	s7 =	sadd.s32 s7, s4  }
0x37: {  	v10 =	vor.u32 $0x500, v0;
	v11 =	vor.u32 $0x580, v0;
	v12 =	vor.u32 $0x600, v0;
	s9 =	simm.s32 $0x80;
	s8 =	smax.u32 s25, $0x1;
	s4 =	sadd.s32 $0x400, s7  }
0x38: {  	v13 =	vor.u32 $0x680, v0;
	v14 =	vor.u32 $0x700, v0;
	v15 =	vor.u32 $0x780, v0;
	s5 =	sadd.s32 $0xC00, s7;
	s6 =	sadd.s32 $0x1400, s7;
	s7 =	sadd.s32 $0x1C00, s7  }
.LBB2_1:
0x39: {  	[tilespmem:s2], [sflag:$0x2] =	stream.strided.gather [hbm4b:s4+s9], $0x200, s10, s9, $0x38;
	[tilespmem:$0x18800] =	vst v63  }
0x3a: {  	_ =	swait.ge [sflag:s11], $0x200  }
0x3b: {  	[sflag:s11] =	ssyncset.done $0x0  }
0x3c: {  	[sflag:s11] =	ssyncadd.s32 $0xFFFFFE00  }
0x3d: {  	[tilespmem:s12], [sflag:$0x2] =	stream.strided.gather [hbm4b:s5+s9], $0x200, s10, s9, $0x38;
	[tilespmem:$0x18800] =	vst v63  }
0x3e: {  	_ =	swait.ge [sflag:s11], $0x200  }
0x3f: {  	[sflag:s11] =	ssyncset.done $0x0  }
0x40: {  	[sflag:s11] =	ssyncadd.s32 $0xFFFFFE00  }
0x41: {  	[tilespmem:s10], [sflag:$0x2] =	stream.strided.gather [hbm4b:s6+s9], $0x200, s10, s9, $0x38;
	[tilespmem:$0x18800] =	vst v63  }
0x42: {  	_ =	swait.ge [sflag:s11], $0x200  }
0x43: {  	[sflag:s11] =	ssyncset.done $0x0  }
0x44: {  	s20 =	simm.s32 $0x0;
	[sflag:s11] =	ssyncadd.s32 $0xFFFFFE00  }
0x45: {  	v16 =	vld [tilespmem:s20+$0x0];
	_ =	sdelay $0x1  }
0x46: {  	v17 =	vld [tilespmem:s20+$0x200];
	_ =	sdelay $0x1  }
0x47: {  	v18 =	vld [tilespmem:s20+$0x400]  }
0x48: {  	s21 =	rddreg [dreg:$0x4];
	v19 =	vand.u32 $0xFFFFFF80, v16  }
0x49: {  	v21 =	vadd.s32 s21, v19  }
0x4a: {  	v19 =	vand.u32 $0xFFFFFF80, v17;
	(v2sf) =	vpush v21, $0x0  }
0x4b: {  	v20 =	vadd.s32 s1, v19  }
0x4c: {  	v19 =	vand.u32 $0xFFFFFF80, v18;
	(v2sf) =	vpush v20, $0x0  }
0x4d: {  	v19 =	vadd.s32 s1, v19  }
0x4e: {  	(v2sf) =	vpush v19, $0x0;
	_ =	sdelay $0x1  }
0x4f: {  	(v2sf) =	vpush v21, $0x1;
	_ =	sdelay $0x1  }
0x50: {  	(v2sf) =	vpush v20, $0x1;
	_ =	sdelay $0x1  }
0x51: {  	(v2sf) =	vpush v19, $0x1;
	_ =	sdelay $0x1  }
0x52: {  	(v2sf) =	vpush v21, $0x2;
	_ =	sdelay $0x1  }
0x53: {  	(v2sf) =	vpush v20, $0x2  }
0x54: {  	s24 =	spop (v2sf)  }
0x55: {  	(v2sf) =	vpush v19, $0x2;
	[tilespmem:s14], [sflag:$0x1] =	stream.strided.gather [hbm4b:s24+s10], $0x800, s13, s10, $0x38;
	[tilespmem:$0x18800] =	vst v63  }
0x56: {  	s25 =	spop (v2sf)  }
0x57: {  	(v2sf) =	vpush v21, $0x3;
	[tilespmem:s15], [sflag:$0x1] =	stream.strided.gather [hbm4b:s25+s10], $0x800, s13, s10, $0x38;
	[tilespmem:$0x18800] =	vst v63  }
0x58: {  	s26 =	rddreg [dreg:$0x5];
	s22 =	spop (v2sf)  }
0x59: {  	(v2sf) =	vpush v20, $0x3;
	[tilespmem:s16], [sflag:$0x1] =	stream.strided.gather [hbm4b:s22+s10], $0x800, s13, s10, $0x38;
	[tilespmem:$0x18800] =	vst v63  }
0x5a: {  	s28 =	rddreg [dreg:$0x6];
	s23 =	spop (v2sf)  }
0x5b: {  	(v2sf) =	vpush v19, $0x3;
	[tilespmem:s26], [sflag:$0x1] =	stream.strided.gather [hbm4b:s23+s10], $0x800, s13, s10, $0x38;
	[tilespmem:$0x18800] =	vst v63  }
0x5c: {  	s29 =	rddreg [dreg:$0x7];
	s30 =	spop (v2sf)  }
0x5d: {  	(v2sf) =	vpush v21, $0x4;
	[tilespmem:s28], [sflag:$0x1] =	stream.strided.gather [hbm4b:s30+s10], $0x800, s13, s10, $0x38;
	[tilespmem:$0x18800] =	vst v63  }
0x5e: {  	s31 =	rddreg [dreg:$0x8];
	s24 =	spop (v2sf)  }
0x5f: {  	(v2sf) =	vpush v20, $0x4;
	[tilespmem:s29], [sflag:$0x1] =	stream.strided.gather [hbm4b:s24+s10], $0x800, s13, s10, $0x38;
	[tilespmem:$0x18800] =	vst v63  }
0x60: {  	s25 =	rddreg [dreg:$0x9];
	s26 =	spop (v2sf)  }
0x61: {  	(v2sf) =	vpush v19, $0x4;
	[tilespmem:s31], [sflag:$0x1] =	stream.strided.gather [hbm4b:s26+s10], $0x800, s13, s10, $0x38;
	[tilespmem:$0x18800] =	vst v63  }
0x62: {  	s28 =	rddreg [dreg:$0xa];
	s29 =	spop (v2sf)  }
0x63: {  	(v2sf) =	vpush v21, $0x5;
	[tilespmem:s25], [sflag:$0x1] =	stream.strided.gather [hbm4b:s29+s10], $0x800, s13, s10, $0x38;
	[tilespmem:$0x18800] =	vst v63  }
0x64: {  	s30 =	rddreg [dreg:$0xb];
	s31 =	spop (v2sf)  }
0x65: {  	(v2sf) =	vpush v20, $0x5;
	[tilespmem:s28], [sflag:$0x1] =	stream.strided.gather [hbm4b:s31+s10], $0x800, s13, s10, $0x38;
	[tilespmem:$0x18800] =	vst v63  }
0x66: {  	s24 =	rddreg [dreg:$0xc];
	s25 =	spop (v2sf)  }
0x67: {  	(v2sf) =	vpush v19, $0x5;
	[tilespmem:s30], [sflag:$0x1] =	stream.strided.gather [hbm4b:s25+s10], $0x800, s13, s10, $0x38;
	[tilespmem:$0x18800] =	vst v63  }
0x68: {  	s26 =	rddreg [dreg:$0xd];
	s28 =	spop (v2sf)  }
0x69: {  	(v2sf) =	vpush v21, $0x6;
	[tilespmem:s24], [sflag:$0x1] =	stream.strided.gather [hbm4b:s28+s10], $0x800, s13, s10, $0x38;
	[tilespmem:$0x18800] =	vst v63  }
0x6a: {  	s29 =	rddreg [dreg:$0xe];
	s30 =	spop (v2sf)  }
0x6b: {  	(v2sf) =	vpush v20, $0x6;
	[tilespmem:s26], [sflag:$0x1] =	stream.strided.gather [hbm4b:s30+s10], $0x800, s13, s10, $0x38;
	[tilespmem:$0x18800] =	vst v63  }
0x6c: {  	s31 =	rddreg [dreg:$0xf];
	s24 =	spop (v2sf)  }
0x6d: {  	(v2sf) =	vpush v19, $0x6;
	[tilespmem:s29], [sflag:$0x1] =	stream.strided.gather [hbm4b:s24+s10], $0x800, s13, s10, $0x38;
	[tilespmem:$0x18800] =	vst v63  }
0x6e: {  	s25 =	rddreg [dreg:$0x10];
	s26 =	spop (v2sf)  }
0x6f: {  	(v2sf) =	vpush v21, $0x7;
	[tilespmem:s31], [sflag:$0x1] =	stream.strided.gather [hbm4b:s26+s10], $0x800, s13, s10, $0x38;
	[tilespmem:$0x18800] =	vst v63  }
0x70: {  	s28 =	rddreg [dreg:$0x11];
	s29 =	spop (v2sf)  }
0x71: {  	(v2sf) =	vpush v20, $0x7;
	[tilespmem:s25], [sflag:$0x1] =	stream.strided.gather [hbm4b:s29+s10], $0x800, s13, s10, $0x38;
	[tilespmem:$0x18800] =	vst v63  }
0x72: {  	s30 =	rddreg [dreg:$0x12];
	s31 =	spop (v2sf)  }
0x73: {  	(v2sf) =	vpush v19, $0x7;
	[tilespmem:s28], [sflag:$0x1] =	stream.strided.gather [hbm4b:s31+s10], $0x800, s13, s10, $0x38;
	[tilespmem:$0x18800] =	vst v63  }
0x74: {  	s24 =	rddreg [dreg:$0x13];
	s25 =	spop (v2sf)  }
0x75: {  	(v2sf) =	vpush v21, $0x8;
	[tilespmem:s30], [sflag:$0x1] =	stream.strided.gather [hbm4b:s25+s10], $0x800, s13, s10, $0x38;
	[tilespmem:$0x18800] =	vst v63  }
0x76: {  	s26 =	rddreg [dreg:$0x14];
	s28 =	spop (v2sf)  }
0x77: {  	(v2sf) =	vpush v20, $0x8;
	[tilespmem:s24], [sflag:$0x1] =	stream.strided.gather [hbm4b:s28+s10], $0x800, s13, s10, $0x38;
	[tilespmem:$0x18800] =	vst v63  }
0x78: {  	s29 =	rddreg [dreg:$0x15];
	s30 =	spop (v2sf)  }
0x79: {  	(v2sf) =	vpush v19, $0x8;
	[tilespmem:s26], [sflag:$0x1] =	stream.strided.gather [hbm4b:s30+s10], $0x800, s13, s10, $0x38;
	[tilespmem:$0x18800] =	vst v63  }
0x7a: {  	s31 =	rddreg [dreg:$0x16];
	s24 =	spop (v2sf)  }
0x7b: {  	(v2sf) =	vpush v21, $0x9;
	[tilespmem:s29], [sflag:$0x1] =	stream.strided.gather [hbm4b:s24+s10], $0x800, s13, s10, $0x38;
	[tilespmem:$0x18800] =	vst v63  }
0x7c: {  	s25 =	rddreg [dreg:$0x17];
	s26 =	spop (v2sf)  }
0x7d: {  	(v2sf) =	vpush v20, $0x9;
	[tilespmem:s31], [sflag:$0x1] =	stream.strided.gather [hbm4b:s26+s10], $0x800, s13, s10, $0x38;
	[tilespmem:$0x18800] =	vst v63  }
0x7e: {  	s28 =	rddreg [dreg:$0x18];
	s29 =	spop (v2sf)  }
0x7f: {  	(v2sf) =	vpush v19, $0x9;
	[tilespmem:s25], [sflag:$0x1] =	stream.strided.gather [hbm4b:s29+s10], $0x800, s13, s10, $0x38;
	[tilespmem:$0x18800] =	vst v63  }
0x80: {  	s30 =	rddreg [dreg:$0x19];
	s31 =	spop (v2sf)  }
0x81: {  	(v2sf) =	vpush v21, $0xA;
	[tilespmem:s28], [sflag:$0x1] =	stream.strided.gather [hbm4b:s31+s10], $0x800, s13, s10, $0x38;
	[tilespmem:$0x18800] =	vst v63  }
0x82: {  	s24 =	rddreg [dreg:$0x1a];
	s25 =	spop (v2sf)  }
0x83: {  	(v2sf) =	vpush v20, $0xA;
	[tilespmem:s30], [sflag:$0x1] =	stream.strided.gather [hbm4b:s25+s10], $0x800, s13, s10, $0x38;
	[tilespmem:$0x18800] =	vst v63  }
0x84: {  	s26 =	rddreg [dreg:$0x1b];
	s28 =	spop (v2sf)  }
0x85: {  	(v2sf) =	vpush v19, $0xA;
	[tilespmem:s24], [sflag:$0x1] =	stream.strided.gather [hbm4b:s28+s10], $0x800, s13, s10, $0x38;
	[tilespmem:$0x18800] =	vst v63  }
0x86: {  	s29 =	rddreg [dreg:$0x1c];
	s30 =	spop (v2sf)  }
0x87: {  	(v2sf) =	vpush v21, $0xB;
	[tilespmem:s26], [sflag:$0x1] =	stream.strided.gather [hbm4b:s30+s10], $0x800, s13, s10, $0x38;
	[tilespmem:$0x18800] =	vst v63  }
0x88: {  	s31 =	rddreg [dreg:$0x1d];
	s24 =	spop (v2sf)  }
0x89: {  	(v2sf) =	vpush v20, $0xB;
	[tilespmem:s29], [sflag:$0x1] =	stream.strided.gather [hbm4b:s24+s10], $0x800, s13, s10, $0x38;
	[tilespmem:$0x18800] =	vst v63  }
0x8a: {  	s25 =	rddreg [dreg:$0x1e];
	s26 =	spop (v2sf)  }
0x8b: {  	(v2sf) =	vpush v19, $0xB;
	[tilespmem:s31], [sflag:$0x1] =	stream.strided.gather [hbm4b:s26+s10], $0x800, s13, s10, $0x38;
	[tilespmem:$0x18800] =	vst v63  }
0x8c: {  	s28 =	rddreg [dreg:$0x1f];
	s29 =	spop (v2sf)  }
0x8d: {  	(v2sf) =	vpush v21, $0xC;
	[tilespmem:s25], [sflag:$0x1] =	stream.strided.gather [hbm4b:s29+s10], $0x800, s13, s10, $0x38;
	[tilespmem:$0x18800] =	vst v63  }
0x8e: {  	s30 =	sld [smem:$0x7EC];
	s31 =	spop (v2sf)  }
0x8f: {  	(v2sf) =	vpush v20, $0xC;
	[tilespmem:s28], [sflag:$0x1] =	stream.strided.gather [hbm4b:s31+s10], $0x800, s13, s10, $0x38;
	[tilespmem:$0x18800] =	vst v63  }
0x90: {  	s24 =	sld [smem:$0x7ED];
	s25 =	spop (v2sf)  }
0x91: {  	(v2sf) =	vpush v19, $0xC;
	[tilespmem:s30], [sflag:$0x1] =	stream.strided.gather [hbm4b:s25+s10], $0x800, s13, s10, $0x38;
	[tilespmem:$0x18800] =	vst v63  }
0x92: {  	s26 =	sld [smem:$0x7EE];
	s28 =	spop (v2sf)  }
0x93: {  	(v2sf) =	vpush v21, $0xD;
	[tilespmem:s24], [sflag:$0x1] =	stream.strided.gather [hbm4b:s28+s10], $0x800, s13, s10, $0x38;
	[tilespmem:$0x18800] =	vst v63  }
0x94: {  	s29 =	sld [smem:$0x7EF];
	s30 =	spop (v2sf)  }
0x95: {  	(v2sf) =	vpush v20, $0xD;
	[tilespmem:s26], [sflag:$0x1] =	stream.strided.gather [hbm4b:s30+s10], $0x800, s13, s10, $0x38;
	[tilespmem:$0x18800] =	vst v63  }
0x96: {  	s31 =	sld [smem:$0x7F0];
	s24 =	spop (v2sf)  }
0x97: {  	(v2sf) =	vpush v19, $0xD;
	[tilespmem:s29], [sflag:$0x1] =	stream.strided.gather [hbm4b:s24+s10], $0x800, s13, s10, $0x38;
	[tilespmem:$0x18800] =	vst v63  }
0x98: {  	s25 =	sld [smem:$0x7F1];
	s26 =	spop (v2sf)  }
0x99: {  	(v2sf) =	vpush v21, $0xE;
	[tilespmem:s31], [sflag:$0x1] =	stream.strided.gather [hbm4b:s26+s10], $0x800, s13, s10, $0x38;
	[tilespmem:$0x18800] =	vst v63  }
0x9a: {  	s28 =	sld [smem:$0x7F2];
	s29 =	spop (v2sf)  }
0x9b: {  	(v2sf) =	vpush v20, $0xE;
	[tilespmem:s25], [sflag:$0x1] =	stream.strided.gather [hbm4b:s29+s10], $0x800, s13, s10, $0x38;
	[tilespmem:$0x18800] =	vst v63  }
0x9c: {  	s30 =	sld [smem:$0x7F3];
	s31 =	spop (v2sf)  }
0x9d: {  	(v2sf) =	vpush v19, $0xE;
	[tilespmem:s28], [sflag:$0x1] =	stream.strided.gather [hbm4b:s31+s10], $0x800, s13, s10, $0x38;
	[tilespmem:$0x18800] =	vst v63  }
0x9e: {  	s24 =	sld [smem:$0x7F4];
	s25 =	spop (v2sf)  }
0x9f: {  	(v2sf) =	vpush v21, $0xF;
	[tilespmem:s30], [sflag:$0x1] =	stream.strided.gather [hbm4b:s25+s10], $0x800, s13, s10, $0x38;
	[tilespmem:$0x18800] =	vst v63  }
0xa0: {  	s26 =	sld [smem:$0x7F5];
	s28 =	spop (v2sf)  }
0xa1: {  	(v2sf) =	vpush v20, $0xF;
	[tilespmem:s24], [sflag:$0x1] =	stream.strided.gather [hbm4b:s28+s10], $0x800, s13, s10, $0x38;
	[tilespmem:$0x18800] =	vst v63  }
0xa2: {  	s29 =	sld [smem:$0x7F6];
	s30 =	spop (v2sf)  }
0xa3: {  	(v2sf) =	vpush v19, $0xF;
	[tilespmem:s26], [sflag:$0x1] =	stream.strided.gather [hbm4b:s30+s10], $0x800, s13, s10, $0x38;
	[tilespmem:$0x18800] =	vst v63  }
0xa4: {  	s31 =	sld [smem:$0x7F7];
	s24 =	spop (v2sf)  }
0xa5: {  	[tilespmem:s29], [sflag:$0x1] =	stream.strided.gather [hbm4b:s24+s10], $0x800, s13, s10, $0x38;
	[tilespmem:$0x18800] =	vst v63  }
0xa6: {  	s25 =	sld [smem:$0x7F8];
	s26 =	spop (v2sf)  }
0xa7: {  	[tilespmem:s31], [sflag:$0x1] =	stream.strided.gather [hbm4b:s26+s10], $0x800, s13, s10, $0x38;
	[tilespmem:$0x18800] =	vst v63  }
0xa8: {  	s28 =	sld [smem:$0x7F9];
	s29 =	spop (v2sf)  }
0xa9: {  	[tilespmem:s25], [sflag:$0x1] =	stream.strided.gather [hbm4b:s29+s10], $0x800, s13, s10, $0x38;
	[tilespmem:$0x18800] =	vst v63  }
0xaa: {  	s30 =	sld [smem:$0x7FA];
	s31 =	spop (v2sf)  }
0xab: {  	[tilespmem:s28], [sflag:$0x1] =	stream.strided.gather [hbm4b:s31+s10], $0x800, s13, s10, $0x38;
	[tilespmem:$0x18800] =	vst v63  }
0xac: {  	s24 =	sld [smem:$0x7FB];
	s25 =	spop (v2sf)  }
0xad: {  	[tilespmem:s30], [sflag:$0x1] =	stream.strided.gather [hbm4b:s25+s10], $0x800, s13, s10, $0x38;
	[tilespmem:$0x18800] =	vst v63  }
0xae: {  	s26 =	sld [smem:$0x7FC];
	s28 =	spop (v2sf)  }
0xaf: {  	[tilespmem:s24], [sflag:$0x1] =	stream.strided.gather [hbm4b:s28+s10], $0x800, s13, s10, $0x38;
	[tilespmem:$0x18800] =	vst v63  }
0xb0: {  	s29 =	sld [smem:$0x7FD];
	s30 =	spop (v2sf)  }
0xb1: {  	[tilespmem:s26], [sflag:$0x1] =	stream.strided.gather [hbm4b:s30+s10], $0x800, s13, s10, $0x38;
	[tilespmem:$0x18800] =	vst v63  }
0xb2: {  	s31 =	spop (v2sf)  }
0xb3: {  	[tilespmem:s29], [sflag:$0x1] =	stream.strided.gather [hbm4b:s31+s10], $0x800, s13, s10, $0x38;
	[tilespmem:$0x18800] =	vst v63  }
0xb4: {  	_ =	swait.ge [sflag:s17], $0x800  }
0xb5: {  	[sflag:s17] =	ssyncset.done $0x0  }
0xb6: {  	[sflag:s17] =	ssyncadd.s32 $0xFFFFF800  }
0xb7: {  	_ =	swait.ge [sflag:s17], $0x800  }
0xb8: {  	[sflag:s17] =	ssyncset.done $0x0  }
0xb9: {  	[sflag:s17] =	ssyncadd.s32 $0xFFFFF800  }
0xba: {  	_ =	swait.ge [sflag:s17], $0x800  }
0xbb: {  	[sflag:s17] =	ssyncset.done $0x0  }
0xbc: {  	[sflag:s17] =	ssyncadd.s32 $0xFFFFF800  }
0xbd: {  	_ =	swait.ge [sflag:s17], $0x800  }
0xbe: {  	[sflag:s17] =	ssyncset.done $0x0  }
0xbf: {  	[sflag:s17] =	ssyncadd.s32 $0xFFFFF800  }
0xc0: {  	_ =	swait.ge [sflag:s17], $0x800  }
0xc1: {  	[sflag:s17] =	ssyncset.done $0x0  }
0xc2: {  	[sflag:s17] =	ssyncadd.s32 $0xFFFFF800  }
0xc3: {  	_ =	swait.ge [sflag:s17], $0x800  }
0xc4: {  	[sflag:s17] =	ssyncset.done $0x0  }
0xc5: {  	[sflag:s17] =	ssyncadd.s32 $0xFFFFF800  }
0xc6: {  	_ =	swait.ge [sflag:s17], $0x800  }
0xc7: {  	[sflag:s17] =	ssyncset.done $0x0  }
0xc8: {  	[sflag:s17] =	ssyncadd.s32 $0xFFFFF800  }
0xc9: {  	_ =	swait.ge [sflag:s17], $0x800  }
0xca: {  	[sflag:s17] =	ssyncset.done $0x0  }
0xcb: {  	[sflag:s17] =	ssyncadd.s32 $0xFFFFF800  }
0xcc: {  	_ =	swait.ge [sflag:s17], $0x800  }
0xcd: {  	[sflag:s17] =	ssyncset.done $0x0  }
0xce: {  	[sflag:s17] =	ssyncadd.s32 $0xFFFFF800  }
0xcf: {  	_ =	swait.ge [sflag:s17], $0x800  }
0xd0: {  	[sflag:s17] =	ssyncset.done $0x0  }
0xd1: {  	[sflag:s17] =	ssyncadd.s32 $0xFFFFF800  }
0xd2: {  	_ =	swait.ge [sflag:s17], $0x800  }
0xd3: {  	[sflag:s17] =	ssyncset.done $0x0  }
0xd4: {  	[sflag:s17] =	ssyncadd.s32 $0xFFFFF800  }
0xd5: {  	_ =	swait.ge [sflag:s17], $0x800  }
0xd6: {  	[sflag:s17] =	ssyncset.done $0x0  }
0xd7: {  	[sflag:s17] =	ssyncadd.s32 $0xFFFFF800  }
0xd8: {  	_ =	swait.ge [sflag:s17], $0x800  }
0xd9: {  	[sflag:s17] =	ssyncset.done $0x0  }
0xda: {  	[sflag:s17] =	ssyncadd.s32 $0xFFFFF800  }
0xdb: {  	_ =	swait.ge [sflag:s17], $0x800  }
0xdc: {  	[sflag:s17] =	ssyncset.done $0x0  }
0xdd: {  	[sflag:s17] =	ssyncadd.s32 $0xFFFFF800  }
0xde: {  	_ =	swait.ge [sflag:s17], $0x800  }
0xdf: {  	[sflag:s17] =	ssyncset.done $0x0  }
0xe0: {  	[sflag:s17] =	ssyncadd.s32 $0xFFFFF800  }
0xe1: {  	_ =	swait.ge [sflag:s17], $0x800  }
0xe2: {  	[sflag:s17] =	ssyncset.done $0x0  }
0xe3: {  	[sflag:s17] =	ssyncadd.s32 $0xFFFFF800  }
0xe4: {  	_ =	swait.ge [sflag:s17], $0x800  }
0xe5: {  	[sflag:s17] =	ssyncset.done $0x0  }
0xe6: {  	[sflag:s17] =	ssyncadd.s32 $0xFFFFF800  }
0xe7: {  	_ =	swait.ge [sflag:s17], $0x800  }
0xe8: {  	[sflag:s17] =	ssyncset.done $0x0  }
0xe9: {  	[sflag:s17] =	ssyncadd.s32 $0xFFFFF800  }
0xea: {  	_ =	swait.ge [sflag:s17], $0x800  }
0xeb: {  	[sflag:s17] =	ssyncset.done $0x0  }
0xec: {  	[sflag:s17] =	ssyncadd.s32 $0xFFFFF800  }
0xed: {  	_ =	swait.ge [sflag:s17], $0x800  }
0xee: {  	[sflag:s17] =	ssyncset.done $0x0  }
0xef: {  	[sflag:s17] =	ssyncadd.s32 $0xFFFFF800  }
0xf0: {  	_ =	swait.ge [sflag:s17], $0x800  }
0xf1: {  	[sflag:s17] =	ssyncset.done $0x0  }
0xf2: {  	[sflag:s17] =	ssyncadd.s32 $0xFFFFF800  }
0xf3: {  	_ =	swait.ge [sflag:s17], $0x800  }
0xf4: {  	[sflag:s17] =	ssyncset.done $0x0  }
0xf5: {  	[sflag:s17] =	ssyncadd.s32 $0xFFFFF800  }
0xf6: {  	_ =	swait.ge [sflag:s17], $0x800  }
0xf7: {  	[sflag:s17] =	ssyncset.done $0x0  }
0xf8: {  	[sflag:s17] =	ssyncadd.s32 $0xFFFFF800  }
0xf9: {  	_ =	swait.ge [sflag:s17], $0x800  }
0xfa: {  	[sflag:s17] =	ssyncset.done $0x0  }
0xfb: {  	[sflag:s17] =	ssyncadd.s32 $0xFFFFF800  }
0xfc: {  	_ =	swait.ge [sflag:s17], $0x800  }
0xfd: {  	[sflag:s17] =	ssyncset.done $0x0  }
0xfe: {  	[sflag:s17] =	ssyncadd.s32 $0xFFFFF800  }
0xff: {  	_ =	swait.ge [sflag:s17], $0x800  }
0x100: {  	[sflag:s17] =	ssyncset.done $0x0  }
0x101: {  	[sflag:s17] =	ssyncadd.s32 $0xFFFFF800  }
0x102: {  	_ =	swait.ge [sflag:s17], $0x800  }
0x103: {  	[sflag:s17] =	ssyncset.done $0x0  }
0x104: {  	[sflag:s17] =	ssyncadd.s32 $0xFFFFF800  }
0x105: {  	_ =	swait.ge [sflag:s17], $0x800  }
0x106: {  	[sflag:s17] =	ssyncset.done $0x0  }
0x107: {  	[sflag:s17] =	ssyncadd.s32 $0xFFFFF800  }
0x108: {  	_ =	swait.ge [sflag:s17], $0x800  }
0x109: {  	[sflag:s17] =	ssyncset.done $0x0  }
0x10a: {  	[sflag:s17] =	ssyncadd.s32 $0xFFFFF800  }
0x10b: {  	_ =	swait.ge [sflag:s17], $0x800  }
0x10c: {  	[sflag:s17] =	ssyncset.done $0x0  }
0x10d: {  	[sflag:s17] =	ssyncadd.s32 $0xFFFFF800  }
0x10e: {  	_ =	swait.ge [sflag:s17], $0x800  }
0x10f: {  	[sflag:s17] =	ssyncset.done $0x0  }
0x110: {  	[sflag:s17] =	ssyncadd.s32 $0xFFFFF800  }
0x111: {  	_ =	swait.ge [sflag:s17], $0x800  }
0x112: {  	[sflag:s17] =	ssyncset.done $0x0  }
0x113: {  	[sflag:s17] =	ssyncadd.s32 $0xFFFFF800  }
0x114: {  	_ =	swait.ge [sflag:s17], $0x800  }
0x115: {  	[sflag:s17] =	ssyncset.done $0x0  }
0x116: {  	[sflag:s17] =	ssyncadd.s32 $0xFFFFF800  }
0x117: {  	_ =	swait.ge [sflag:s17], $0x800  }
0x118: {  	[sflag:s17] =	ssyncset.done $0x0  }
0x119: {  	[sflag:s17] =	ssyncadd.s32 $0xFFFFF800  }
0x11a: {  	_ =	swait.ge [sflag:s17], $0x800  }
0x11b: {  	[sflag:s17] =	ssyncset.done $0x0  }
0x11c: {  	[sflag:s17] =	ssyncadd.s32 $0xFFFFF800  }
0x11d: {  	_ =	swait.ge [sflag:s17], $0x800  }
0x11e: {  	[sflag:s17] =	ssyncset.done $0x0  }
0x11f: {  	[sflag:s17] =	ssyncadd.s32 $0xFFFFF800  }
0x120: {  	_ =	swait.ge [sflag:s17], $0x800  }
0x121: {  	[sflag:s17] =	ssyncset.done $0x0  }
0x122: {  	[sflag:s17] =	ssyncadd.s32 $0xFFFFF800  }
0x123: {  	_ =	swait.ge [sflag:s17], $0x800  }
0x124: {  	[sflag:s17] =	ssyncset.done $0x0  }
0x125: {  	[sflag:s17] =	ssyncadd.s32 $0xFFFFF800  }
0x126: {  	_ =	swait.ge [sflag:s17], $0x800  }
0x127: {  	[sflag:s17] =	ssyncset.done $0x0  }
0x128: {  	[sflag:s17] =	ssyncadd.s32 $0xFFFFF800  }
0x129: {  	_ =	swait.ge [sflag:s17], $0x800  }
0x12a: {  	[sflag:s17] =	ssyncset.done $0x0  }
0x12b: {  	[sflag:s17] =	ssyncadd.s32 $0xFFFFF800  }
0x12c: {  	_ =	swait.ge [sflag:s17], $0x800  }
0x12d: {  	[sflag:s17] =	ssyncset.done $0x0  }
0x12e: {  	[sflag:s17] =	ssyncadd.s32 $0xFFFFF800  }
0x12f: {  	_ =	swait.ge [sflag:s17], $0x800  }
0x130: {  	[sflag:s17] =	ssyncset.done $0x0  }
0x131: {  	[sflag:s17] =	ssyncadd.s32 $0xFFFFF800  }
0x132: {  	_ =	swait.ge [sflag:s17], $0x800  }
0x133: {  	[sflag:s17] =	ssyncset.done $0x0  }
0x134: {  	[sflag:s17] =	ssyncadd.s32 $0xFFFFF800  }
0x135: {  	_ =	swait.ge [sflag:s17], $0x800  }
0x136: {  	[sflag:s17] =	ssyncset.done $0x0  }
0x137: {  	[sflag:s17] =	ssyncadd.s32 $0xFFFFF800  }
0x138: {  	_ =	swait.ge [sflag:s17], $0x800  }
0x139: {  	[sflag:s17] =	ssyncset.done $0x0  }
0x13a: {  	[sflag:s17] =	ssyncadd.s32 $0xFFFFF800  }
0x13b: {  	_ =	swait.ge [sflag:s17], $0x800  }
0x13c: {  	[sflag:s17] =	ssyncset.done $0x0  }
0x13d: {  	[sflag:s17] =	ssyncadd.s32 $0xFFFFF800  }
0x13e: {  	v18 =	vand.u32 $0x7F, v18;
	_ =	swait.ge [sflag:s17], $0x800  }
0x13f: {  	v17 =	vand.u32 $0x7F, v17;
	v19 =	vor.u32 v5, v18;
	[sflag:s17] =	ssyncset.done $0x0  }
0x140: {  	v28 =	vand.u32 $0x7F, v16;
	v16 =	vor.u32 v5, v17;
	[sflag:s17] =	ssyncadd.s32 $0xFFFFF800  }
0x141: {  	v20 =	vor.u32 v4, v28;
	_ =	swait.ge [sflag:s17], $0x800  }
0x142: {  	v21 =	vor.u32 v4, v17;
	[sflag:s17] =	ssyncset.done $0x0  }
0x143: {  	v22 =	vor.u32 v7, v18;
	[sflag:s17] =	ssyncadd.s32 $0xFFFFF800  }
0x144: {  	v23 =	vor.u32 v3, v28;
	v19 =	vld.idx.msk [tilespmem:v19+s16+$0x0], $0xffff  }
0x145: {  	v24 =	vor.u32 v3, v18;
	v16 =	vld.idx.msk [tilespmem:v16+s15+$0x0], $0xffff  }
0x146: {  	v25 =	vor.u32 v3, v17;
	v20 =	vld.idx.msk [tilespmem:v20+s14+$0x0], $0xffff  }
0x147: {  	v26 =	vor.u32 v0, v28;
	v21 =	vld.idx.msk [tilespmem:v21+s15+$0x0], $0xffff  }
0x148: {  	v27 =	vor.u32 v2, v28;
	v22 =	vld.idx.msk [tilespmem:v22+s16+$0x0], $0xffff  }
0x149: {  	v29 =	vor.u32 v2, v17;
	v23 =	vld.idx.msk [tilespmem:v23+s14+$0x0], $0xffff  }
0x14a: {  	v30 =	vor.u32 v4, v18;
	v24 =	vld.idx.msk [tilespmem:v24+s16+$0x0], $0xffff  }
0x14b: {  	v31 =	vor.u32 v1, v28;
	v25 =	vld.idx.msk [tilespmem:v25+s15+$0x0], $0xffff  }
0x14c: {  	v32 =	vor.u32 v2, v18;
	v26 =	vld.idx.msk [tilespmem:v26+s14+$0x0], $0xffff  }
0x14d: {  	v33 =	vor.u32 v1, v18;
	v27 =	vld.idx.msk [tilespmem:v27+s14+$0x0], $0xffff  }
0x14e: {  	v34 =	vor.u32 v1, v17;
	v29 =	vld.idx.msk [tilespmem:v29+s15+$0x0], $0xffff  }
0x14f: {  	v35 =	vor.u32 v0, v17;
	v30 =	vld.idx.msk [tilespmem:v30+s16+$0x0], $0xffff  }
0x150: {  	v36 =	vor.u32 v0, v18;
	v31 =	vld.idx.msk [tilespmem:v31+s14+$0x0], $0xffff  }
0x151: {  	v37 =	vor.u32 v6, v17;
	v32 =	vld.idx.msk [tilespmem:v32+s16+$0x0], $0xffff  }
0x152: {  	v38 =	vor.u32 v6, v18;
	v33 =	vld.idx.msk [tilespmem:v33+s16+$0x0], $0xffff  }
0x153: {  	v39 =	vor.u32 v6, v28;
	v34 =	vld.idx.msk [tilespmem:v34+s15+$0x0], $0xffff  }
0x154: {  	v40 =	vor.u32 v7, v17;
	v35 =	vld.idx.msk [tilespmem:v35+s15+$0x0], $0xffff  }
0x155: {  	v41 =	vor.u32 v5, v28;
	v36 =	vld.idx.msk [tilespmem:v36+s16+$0x0], $0xffff  }
0x156: {  	v42 =	vor.u32 v7, v28;
	v37 =	vld.idx.msk [tilespmem:v37+s15+$0x0], $0xffff  }
0x157: {  	v43 =	vor.u32 v8, v17;
	v38 =	vld.idx.msk [tilespmem:v38+s16+$0x0], $0xffff  }
0x158: {  	v44 =	vor.u32 v8, v18;
	v39 =	vld.idx.msk [tilespmem:v39+s14+$0x0], $0xffff  }
0x159: {  	v45 =	vor.u32 v8, v28;
	v40 =	vld.idx.msk [tilespmem:v40+s15+$0x0], $0xffff  }
0x15a: {  	v46 =	vor.u32 v9, v17;
	v41 =	vld.idx.msk [tilespmem:v41+s14+$0x0], $0xffff  }
0x15b: {  	v57 =	vor.u32 v11, v17;
	v49 =	vld.idx.msk [tilespmem:v42+s14+$0x0], $0xffff;
	v35 =	vsub.f32 v35, v36  }
0x15c: {  	v50 =	vor.u32 v9, v18;
	v43 =	vld.idx.msk [tilespmem:v43+s15+$0x0], $0xffff  }
0x15d: {  	v52 =	vor.u32 v10, v17;
	v51 =	vld.idx.msk [tilespmem:v44+s16+$0x0], $0xffff;
	v33 =	vsub.f32 v34, v33;
	v26 =	vmul.f32 v35, v26  }
0x15e: {  	v47 =	vor.u32 v9, v28;
	v56 =	vor.u32 v10, v28;
	v53 =	vld.idx.msk [tilespmem:v45+s14+$0x0], $0xffff  }
0x15f: {  	v55 =	vld.idx.msk [tilespmem:v46+s15+$0x0], $0xffff;
	v29 =	vsub.f32 v29, v32;
	v31 =	vmul.f32 v33, v31;
	v26 =	vadd.f32 $0.0e+00, v26  }
0x160: {  	v60 =	vor.u32 v12, v28;
	v54 =	vor.u32 v10, v18;
	v42 =	vld.idx.msk [tilespmem:v57+s15+$0x0], $0xffff  }
0x161: {  	v24 =	vsub.f32 v25, v24;
	v25 =	vld.idx.msk [tilespmem:v50+s16+$0x0], $0xffff;
	v27 =	vmul.f32 v29, v27;
	v26 =	vadd.f32 v31, v26  }
0x162: {  	v59 =	vor.u32 v12, v18;
	v21 =	vsub.f32 v21, v30;
	v30 =	vld.idx.msk [tilespmem:v52+s15+$0x0], $0xffff;
	v31 =	vor.u32 v11, v18  }
0x163: {  	v22 =	vsub.f32 v40, v22;
	v29 =	vld.idx.msk [tilespmem:v47+s14+$0x0], $0xffff;
	v23 =	vmul.f32 v24, v23;
	v24 =	vadd.f32 v27, v26  }
0x164: {  	v58 =	vor.u32 v11, v28;
	v16 =	vsub.f32 v16, v19;
	v21 =	vmul.f32 v21, v20;
	v20 =	vld.idx.msk [tilespmem:v56+s14+$0x0], $0xffff  }
0x165: {  	v36 =	vmul.f32 v22, v49;
	v22 =	vld.idx.msk [tilespmem:v60+s14+$0x0], $0xffff;
	v27 =	vor.u32 v12, v17;
	v19 =	vadd.f32 v23, v24  }
0x166: {  	v63 =	vor.u32 v13, v28;
	v26 =	vld.idx.msk [tilespmem:v54+s16+$0x0], $0xffff;
	v23 =	vsub.f32 v37, v38  }
0x167: {  	v24 =	vmul.f32 v16, v41;
	v61 =	vld.idx.msk [tilespmem:v31+s16+$0x0], $0xffff;
	v31 =	vor.u32 v13, v17;
	v19 =	vadd.f32 v21, v19  }
0x168: {  	v62 =	vor.u32 v13, v18;
	v34 =	vsub.f32 v43, v51;
	v33 =	vsub.f32 v55, v25;
	v25 =	vld.idx.msk [tilespmem:v59+s16+$0x0], $0xffff  }
0x169: {  	v21 =	vld.idx.msk [tilespmem:v58+s14+$0x0], $0xffff;
	v38 =	vmul.f32 v23, v39;
	v19 =	vadd.f32 v24, v19  }
0x16a: {  	v32 =	vor.u32 v14, v17;
	v34 =	vmul.f32 v34, v53;
	v16 =	vor.u32 v15, v28;
	v23 =	vld.idx.msk [tilespmem:v27+s15+$0x0], $0xffff  }
0x16b: {  	v24 =	vmul.f32 v33, v29;
	v33 =	vor.u32 v15, v17;
	v17 =	vld.idx.msk [tilespmem:v63+s14+$0x0], $0xffff;
	v19 =	vadd.f32 v38, v19  }
0x16c: {  	v27 =	vsub.f32 v30, v26;
	v30 =	vor.u32 v14, v18;
	v18 =	vor.u32 v15, v18;
	v26 =	vld.idx.msk [tilespmem:v31+s15+$0x0], $0xffff  }
0x16d: {  	s21 =	simm.s32 $0x40;
	v31 =	vor.u32 v14, v28;
	v29 =	vsub.f32 v42, v61;
	v28 =	vld.idx.msk [tilespmem:v62+s16+$0x0], $0xffff;
	v35 =	vadd.f32 v36, v19  }
.LBB2_2:
0x16e: {  	_ = 	snop  }
0x16f: {  	v41 =	vadd.f32 v34, v35  }
0x170: {  	v19 =	vld.idx.msk [tilespmem:v32+s15+$0x0], $0xffff  }
0x171: {  	v18 =	vld.idx.msk [tilespmem:v18+s16+$0x0], $0xffff;
	v24 =	vadd.f32 v24, v41;
	v20 =	vmul.f32 v27, v20  }
0x172: {  	v23 =	vsub.f32 v23, v25;
	v25 =	vld.idx.msk [tilespmem:v30+s16+$0x0], $0xffff  }
0x173: {  	v27 =	vld.idx.msk [tilespmem:v31+s14+$0x0], $0xffff;
	v21 =	vmul.f32 v29, v21;
	v20 =	vadd.f32 v20, v24  }
0x174: {  	v30 =	vld.idx.msk [tilespmem:v33+s15+$0x0], $0xffff  }
0x175: {  	v26 =	vsub.f32 v26, v28;
	v22 =	vmul.f32 v23, v22;
	v20 =	vadd.f32 v21, v20  }
0x176: {  	v16 =	vld.idx.msk [tilespmem:v16+s14+$0x0], $0xffff  }
0x177: {  	v17 =	vmul.f32 v26, v17;
	v19 =	vsub.f32 v19, v25;
	v20 =	vadd.f32 v22, v20;
	_ =	sdelay $0x1  }
0x178: {  	v18 =	vsub.f32 v30, v18;
	v19 =	vmul.f32 v19, v27;
	v17 =	vadd.f32 v17, v20;
	_ =	sdelay $0x1  }
0x179: {  	v16 =	vmul.f32 v18, v16;
	v17 =	vadd.f32 v19, v17;
	_ =	sdelay $0x1  }
0x17a: {  	v16 =	vadd.f32 v16, v17  }
0x17b: {  	s22 =	smov.u32 s21  }
0x17c: {  	[tilespmem:s20+$0x18600] =	vst v16;
	s20 =	sshra.s32 s22, $0x2  }
0x17d: {  	v16 =	vld [tilespmem:s20+$0x0];
	_ =	sdelay $0x1  }
0x17e: {  	v18 =	vld [tilespmem:s20+$0x200];
	_ =	sdelay $0x1  }
0x17f: {  	v19 =	vld [tilespmem:s20+$0x400]  }
0x180: {  	s23 =	rddreg [dreg:$0x4];
	v20 =	vand.u32 $0xFFFFFF80, v16  }
0x181: {  	v20 =	vadd.s32 s23, v20  }
0x182: {  	v21 =	vand.u32 $0xFFFFFF80, v18;
	(v2sf) =	vpush v20, $0x0  }
0x183: {  	v21 =	vadd.s32 s1, v21  }
0x184: {  	v22 =	vand.u32 $0xFFFFFF80, v19;
	(v2sf) =	vpush v21, $0x0  }
0x185: {  	v22 =	vadd.s32 s1, v22  }
0x186: {  	(v2sf) =	vpush v22, $0x0;
	_ =	sdelay $0x1  }
0x187: {  	(v2sf) =	vpush v20, $0x1;
	_ =	sdelay $0x1  }
0x188: {  	(v2sf) =	vpush v21, $0x1;
	_ =	sdelay $0x1  }
0x189: {  	(v2sf) =	vpush v22, $0x1;
	_ =	sdelay $0x1  }
0x18a: {  	(v2sf) =	vpush v20, $0x2;
	_ =	sdelay $0x1  }
0x18b: {  	(v2sf) =	vpush v21, $0x2  }
0x18c: {  	s24 =	spop (v2sf)  }
0x18d: {  	(v2sf) =	vpush v22, $0x2;
	[tilespmem:s14], [sflag:$0x1] =	stream.strided.gather [hbm4b:s24+s10], $0x800, s13, s10, $0x38;
	[tilespmem:$0x18800] =	vst v63  }
0x18e: {  	s25 =	spop (v2sf)  }
0x18f: {  	(v2sf) =	vpush v20, $0x3;
	[tilespmem:s15], [sflag:$0x1] =	stream.strided.gather [hbm4b:s25+s10], $0x800, s13, s10, $0x38;
	[tilespmem:$0x18800] =	vst v63  }
0x190: {  	s26 =	rddreg [dreg:$0x5];
	s23 =	spop (v2sf)  }
0x191: {  	(v2sf) =	vpush v21, $0x3;
	[tilespmem:s16], [sflag:$0x1] =	stream.strided.gather [hbm4b:s23+s10], $0x800, s13, s10, $0x38;
	[tilespmem:$0x18800] =	vst v63  }
0x192: {  	s28 =	rddreg [dreg:$0x6];
	s24 =	spop (v2sf)  }
0x193: {  	(v2sf) =	vpush v22, $0x3;
	[tilespmem:s26], [sflag:$0x1] =	stream.strided.gather [hbm4b:s24+s10], $0x800, s13, s10, $0x38;
	[tilespmem:$0x18800] =	vst v63  }
0x194: {  	s29 =	rddreg [dreg:$0x7];
	s30 =	spop (v2sf)  }
0x195: {  	(v2sf) =	vpush v20, $0x4;
	[tilespmem:s28], [sflag:$0x1] =	stream.strided.gather [hbm4b:s30+s10], $0x800, s13, s10, $0x38;
	[tilespmem:$0x18800] =	vst v63  }
0x196: {  	s31 =	rddreg [dreg:$0x8];
	s25 =	spop (v2sf)  }
0x197: {  	(v2sf) =	vpush v21, $0x4;
	[tilespmem:s29], [sflag:$0x1] =	stream.strided.gather [hbm4b:s25+s10], $0x800, s13, s10, $0x38;
	[tilespmem:$0x18800] =	vst v63  }
0x198: {  	s26 =	rddreg [dreg:$0x9];
	s28 =	spop (v2sf)  }
0x199: {  	(v2sf) =	vpush v22, $0x4;
	[tilespmem:s31], [sflag:$0x1] =	stream.strided.gather [hbm4b:s28+s10], $0x800, s13, s10, $0x38;
	[tilespmem:$0x18800] =	vst v63  }
0x19a: {  	s30 =	spop (v2sf);
	s29 =	rddreg [dreg:$0xa]  }
0x19b: {  	(v2sf) =	vpush v20, $0x5;
	[tilespmem:s26], [sflag:$0x1] =	stream.strided.gather [hbm4b:s30+s10], $0x800, s13, s10, $0x38;
	[tilespmem:$0x18800] =	vst v63  }
0x19c: {  	s31 =	rddreg [dreg:$0xb];
	s25 =	spop (v2sf)  }
0x19d: {  	(v2sf) =	vpush v21, $0x5;
	[tilespmem:s29], [sflag:$0x1] =	stream.strided.gather [hbm4b:s25+s10], $0x800, s13, s10, $0x38;
	[tilespmem:$0x18800] =	vst v63  }
0x19e: {  	s26 =	rddreg [dreg:$0xc];
	s28 =	spop (v2sf)  }
0x19f: {  	(v2sf) =	vpush v22, $0x5;
	[tilespmem:s31], [sflag:$0x1] =	stream.strided.gather [hbm4b:s28+s10], $0x800, s13, s10, $0x38;
	[tilespmem:$0x18800] =	vst v63  }
0x1a0: {  	s29 =	rddreg [dreg:$0xd];
	s30 =	spop (v2sf)  }
0x1a1: {  	(v2sf) =	vpush v20, $0x6;
	[tilespmem:s26], [sflag:$0x1] =	stream.strided.gather [hbm4b:s30+s10], $0x800, s13, s10, $0x38;
	[tilespmem:$0x18800] =	vst v63  }
0x1a2: {  	s25 =	spop (v2sf);
	s31 =	rddreg [dreg:$0xe]  }
0x1a3: {  	(v2sf) =	vpush v21, $0x6;
	[tilespmem:s29], [sflag:$0x1] =	stream.strided.gather [hbm4b:s25+s10], $0x800, s13, s10, $0x38;
	[tilespmem:$0x18800] =	vst v63  }
0x1a4: {  	s28 =	spop (v2sf);
	s26 =	rddreg [dreg:$0xf]  }
0x1a5: {  	(v2sf) =	vpush v22, $0x6;
	[tilespmem:s31], [sflag:$0x1] =	stream.strided.gather [hbm4b:s28+s10], $0x800, s13, s10, $0x38;
	[tilespmem:$0x18800] =	vst v63  }
0x1a6: {  	s30 =	spop (v2sf);
	s29 =	rddreg [dreg:$0x10]  }
0x1a7: {  	(v2sf) =	vpush v20, $0x7;
	[tilespmem:s26], [sflag:$0x1] =	stream.strided.gather [hbm4b:s30+s10], $0x800, s13, s10, $0x38;
	[tilespmem:$0x18800] =	vst v63  }
0x1a8: {  	s25 =	spop (v2sf);
	s31 =	rddreg [dreg:$0x11]  }
0x1a9: {  	(v2sf) =	vpush v21, $0x7;
	[tilespmem:s29], [sflag:$0x1] =	stream.strided.gather [hbm4b:s25+s10], $0x800, s13, s10, $0x38;
	[tilespmem:$0x18800] =	vst v63  }
0x1aa: {  	s28 =	spop (v2sf);
	s26 =	rddreg [dreg:$0x12]  }
0x1ab: {  	(v2sf) =	vpush v22, $0x7;
	[tilespmem:s31], [sflag:$0x1] =	stream.strided.gather [hbm4b:s28+s10], $0x800, s13, s10, $0x38;
	[tilespmem:$0x18800] =	vst v63  }
0x1ac: {  	s29 =	rddreg [dreg:$0x13];
	s30 =	spop (v2sf)  }
0x1ad: {  	(v2sf) =	vpush v20, $0x8;
	[tilespmem:s26], [sflag:$0x1] =	stream.strided.gather [hbm4b:s30+s10], $0x800, s13, s10, $0x38;
	[tilespmem:$0x18800] =	vst v63  }
0x1ae: {  	s31 =	rddreg [dreg:$0x14];
	s25 =	spop (v2sf)  }
0x1af: {  	(v2sf) =	vpush v21, $0x8;
	[tilespmem:s29], [sflag:$0x1] =	stream.strided.gather [hbm4b:s25+s10], $0x800, s13, s10, $0x38;
	[tilespmem:$0x18800] =	vst v63  }
0x1b0: {  	s28 =	spop (v2sf);
	s26 =	rddreg [dreg:$0x15]  }
0x1b1: {  	(v2sf) =	vpush v22, $0x8;
	[tilespmem:s31], [sflag:$0x1] =	stream.strided.gather [hbm4b:s28+s10], $0x800, s13, s10, $0x38;
	[tilespmem:$0x18800] =	vst v63  }
0x1b2: {  	s30 =	spop (v2sf);
	s29 =	rddreg [dreg:$0x16]  }
0x1b3: {  	(v2sf) =	vpush v20, $0x9;
	[tilespmem:s26], [sflag:$0x1] =	stream.strided.gather [hbm4b:s30+s10], $0x800, s13, s10, $0x38;
	[tilespmem:$0x18800] =	vst v63  }
0x1b4: {  	s25 =	spop (v2sf);
	s31 =	rddreg [dreg:$0x17]  }
0x1b5: {  	(v2sf) =	vpush v21, $0x9;
	[tilespmem:s29], [sflag:$0x1] =	stream.strided.gather [hbm4b:s25+s10], $0x800, s13, s10, $0x38;
	[tilespmem:$0x18800] =	vst v63  }
0x1b6: {  	s28 =	spop (v2sf);
	s26 =	rddreg [dreg:$0x18]  }
0x1b7: {  	(v2sf) =	vpush v22, $0x9;
	[tilespmem:s31], [sflag:$0x1] =	stream.strided.gather [hbm4b:s28+s10], $0x800, s13, s10, $0x38;
	[tilespmem:$0x18800] =	vst v63  }
0x1b8: {  	s30 =	spop (v2sf);
	s29 =	rddreg [dreg:$0x19]  }
0x1b9: {  	(v2sf) =	vpush v20, $0xA;
	[tilespmem:s26], [sflag:$0x1] =	stream.strided.gather [hbm4b:s30+s10], $0x800, s13, s10, $0x38;
	[tilespmem:$0x18800] =	vst v63  }
0x1ba: {  	s25 =	spop (v2sf);
	s31 =	rddreg [dreg:$0x1a]  }
0x1bb: {  	(v2sf) =	vpush v21, $0xA;
	[tilespmem:s29], [sflag:$0x1] =	stream.strided.gather [hbm4b:s25+s10], $0x800, s13, s10, $0x38;
	[tilespmem:$0x18800] =	vst v63  }
0x1bc: {  	s26 =	rddreg [dreg:$0x1b];
	s28 =	spop (v2sf)  }
0x1bd: {  	(v2sf) =	vpush v22, $0xA;
	[tilespmem:s31], [sflag:$0x1] =	stream.strided.gather [hbm4b:s28+s10], $0x800, s13, s10, $0x38;
	[tilespmem:$0x18800] =	vst v63  }
0x1be: {  	s30 =	spop (v2sf);
	s29 =	rddreg [dreg:$0x1c]  }
0x1bf: {  	(v2sf) =	vpush v20, $0xB;
	[tilespmem:s26], [sflag:$0x1] =	stream.strided.gather [hbm4b:s30+s10], $0x800, s13, s10, $0x38;
	[tilespmem:$0x18800] =	vst v63  }
0x1c0: {  	s25 =	spop (v2sf);
	s31 =	rddreg [dreg:$0x1d]  }
0x1c1: {  	(v2sf) =	vpush v21, $0xB;
	[tilespmem:s29], [sflag:$0x1] =	stream.strided.gather [hbm4b:s25+s10], $0x800, s13, s10, $0x38;
	[tilespmem:$0x18800] =	vst v63  }
0x1c2: {  	s28 =	spop (v2sf);
	s26 =	rddreg [dreg:$0x1e]  }
0x1c3: {  	(v2sf) =	vpush v22, $0xB;
	[tilespmem:s31], [sflag:$0x1] =	stream.strided.gather [hbm4b:s28+s10], $0x800, s13, s10, $0x38;
	[tilespmem:$0x18800] =	vst v63  }
0x1c4: {  	s30 =	spop (v2sf);
	s29 =	rddreg [dreg:$0x1f]  }
0x1c5: {  	(v2sf) =	vpush v20, $0xC;
	[tilespmem:s26], [sflag:$0x1] =	stream.strided.gather [hbm4b:s30+s10], $0x800, s13, s10, $0x38;
	[tilespmem:$0x18800] =	vst v63  }
0x1c6: {  	s25 =	spop (v2sf);
	s31 =	sld [smem:$0x7EC]  }
0x1c7: {  	(v2sf) =	vpush v21, $0xC;
	[tilespmem:s29], [sflag:$0x1] =	stream.strided.gather [hbm4b:s25+s10], $0x800, s13, s10, $0x38;
	[tilespmem:$0x18800] =	vst v63  }
0x1c8: {  	s28 =	spop (v2sf);
	s26 =	sld [smem:$0x7ED]  }
0x1c9: {  	(v2sf) =	vpush v22, $0xC;
	[tilespmem:s31], [sflag:$0x1] =	stream.strided.gather [hbm4b:s28+s10], $0x800, s13, s10, $0x38;
	[tilespmem:$0x18800] =	vst v63  }
0x1ca: {  	s30 =	spop (v2sf);
	s29 =	sld [smem:$0x7EE]  }
0x1cb: {  	(v2sf) =	vpush v20, $0xD;
	[tilespmem:s26], [sflag:$0x1] =	stream.strided.gather [hbm4b:s30+s10], $0x800, s13, s10, $0x38;
	[tilespmem:$0x18800] =	vst v63  }
0x1cc: {  	s25 =	spop (v2sf);
	s31 =	sld [smem:$0x7EF]  }
0x1cd: {  	(v2sf) =	vpush v21, $0xD;
	[tilespmem:s29], [sflag:$0x1] =	stream.strided.gather [hbm4b:s25+s10], $0x800, s13, s10, $0x38;
	[tilespmem:$0x18800] =	vst v63  }
0x1ce: {  	s28 =	spop (v2sf);
	s26 =	sld [smem:$0x7F0]  }
0x1cf: {  	(v2sf) =	vpush v22, $0xD;
	[tilespmem:s31], [sflag:$0x1] =	stream.strided.gather [hbm4b:s28+s10], $0x800, s13, s10, $0x38;
	[tilespmem:$0x18800] =	vst v63  }
0x1d0: {  	s30 =	spop (v2sf);
	s29 =	sld [smem:$0x7F1]  }
0x1d1: {  	(v2sf) =	vpush v20, $0xE;
	[tilespmem:s26], [sflag:$0x1] =	stream.strided.gather [hbm4b:s30+s10], $0x800, s13, s10, $0x38;
	[tilespmem:$0x18800] =	vst v63  }
0x1d2: {  	s25 =	spop (v2sf);
	s31 =	sld [smem:$0x7F2]  }
0x1d3: {  	(v2sf) =	vpush v21, $0xE;
	[tilespmem:s29], [sflag:$0x1] =	stream.strided.gather [hbm4b:s25+s10], $0x800, s13, s10, $0x38;
	[tilespmem:$0x18800] =	vst v63  }
0x1d4: {  	s28 =	spop (v2sf);
	s26 =	sld [smem:$0x7F3]  }
0x1d5: {  	(v2sf) =	vpush v22, $0xE;
	[tilespmem:s31], [sflag:$0x1] =	stream.strided.gather [hbm4b:s28+s10], $0x800, s13, s10, $0x38;
	[tilespmem:$0x18800] =	vst v63  }
0x1d6: {  	s30 =	spop (v2sf);
	s29 =	sld [smem:$0x7F4]  }
0x1d7: {  	(v2sf) =	vpush v20, $0xF;
	[tilespmem:s26], [sflag:$0x1] =	stream.strided.gather [hbm4b:s30+s10], $0x800, s13, s10, $0x38;
	[tilespmem:$0x18800] =	vst v63  }
0x1d8: {  	s25 =	spop (v2sf);
	s31 =	sld [smem:$0x7F5]  }
0x1d9: {  	(v2sf) =	vpush v21, $0xF;
	[tilespmem:s29], [sflag:$0x1] =	stream.strided.gather [hbm4b:s25+s10], $0x800, s13, s10, $0x38;
	[tilespmem:$0x18800] =	vst v63  }
0x1da: {  	s28 =	spop (v2sf);
	s26 =	sld [smem:$0x7F6]  }
0x1db: {  	(v2sf) =	vpush v22, $0xF;
	[tilespmem:s31], [sflag:$0x1] =	stream.strided.gather [hbm4b:s28+s10], $0x800, s13, s10, $0x38;
	[tilespmem:$0x18800] =	vst v63  }
0x1dc: {  	s30 =	spop (v2sf);
	s29 =	sld [smem:$0x7F7]  }
0x1dd: {  	[tilespmem:s26], [sflag:$0x1] =	stream.strided.gather [hbm4b:s30+s10], $0x800, s13, s10, $0x38;
	[tilespmem:$0x18800] =	vst v63  }
0x1de: {  	s25 =	spop (v2sf);
	s31 =	sld [smem:$0x7F8]  }
0x1df: {  	[tilespmem:s29], [sflag:$0x1] =	stream.strided.gather [hbm4b:s25+s10], $0x800, s13, s10, $0x38;
	[tilespmem:$0x18800] =	vst v63  }
0x1e0: {  	s28 =	spop (v2sf);
	s26 =	sld [smem:$0x7F9]  }
0x1e1: {  	[tilespmem:s31], [sflag:$0x1] =	stream.strided.gather [hbm4b:s28+s10], $0x800, s13, s10, $0x38;
	[tilespmem:$0x18800] =	vst v63  }
0x1e2: {  	s30 =	spop (v2sf);
	s29 =	sld [smem:$0x7FA]  }
0x1e3: {  	[tilespmem:s26], [sflag:$0x1] =	stream.strided.gather [hbm4b:s30+s10], $0x800, s13, s10, $0x38;
	[tilespmem:$0x18800] =	vst v63  }
0x1e4: {  	s25 =	spop (v2sf);
	s31 =	sld [smem:$0x7FB]  }
0x1e5: {  	[tilespmem:s29], [sflag:$0x1] =	stream.strided.gather [hbm4b:s25+s10], $0x800, s13, s10, $0x38;
	[tilespmem:$0x18800] =	vst v63  }
0x1e6: {  	s28 =	spop (v2sf);
	s26 =	sld [smem:$0x7FC]  }
0x1e7: {  	[tilespmem:s31], [sflag:$0x1] =	stream.strided.gather [hbm4b:s28+s10], $0x800, s13, s10, $0x38;
	[tilespmem:$0x18800] =	vst v63  }
0x1e8: {  	s30 =	spop (v2sf);
	s29 =	sld [smem:$0x7FD]  }
0x1e9: {  	[tilespmem:s26], [sflag:$0x1] =	stream.strided.gather [hbm4b:s30+s10], $0x800, s13, s10, $0x38;
	[tilespmem:$0x18800] =	vst v63  }
0x1ea: {  	s31 =	spop (v2sf)  }
0x1eb: {  	[tilespmem:s29], [sflag:$0x1] =	stream.strided.gather [hbm4b:s31+s10], $0x800, s13, s10, $0x38;
	[tilespmem:$0x18800] =	vst v63  }
0x1ec: {  	_ =	swait.ge [sflag:s17], $0x800  }
0x1ed: {  	[sflag:s17] =	ssyncset.done $0x0  }
0x1ee: {  	[sflag:s17] =	ssyncadd.s32 $0xFFFFF800  }
0x1ef: {  	_ =	swait.ge [sflag:s17], $0x800  }
0x1f0: {  	[sflag:s17] =	ssyncset.done $0x0  }
0x1f1: {  	[sflag:s17] =	ssyncadd.s32 $0xFFFFF800  }
0x1f2: {  	_ =	swait.ge [sflag:s17], $0x800  }
0x1f3: {  	[sflag:s17] =	ssyncset.done $0x0  }
0x1f4: {  	[sflag:s17] =	ssyncadd.s32 $0xFFFFF800  }
0x1f5: {  	_ =	swait.ge [sflag:s17], $0x800  }
0x1f6: {  	[sflag:s17] =	ssyncset.done $0x0  }
0x1f7: {  	[sflag:s17] =	ssyncadd.s32 $0xFFFFF800  }
0x1f8: {  	_ =	swait.ge [sflag:s17], $0x800  }
0x1f9: {  	[sflag:s17] =	ssyncset.done $0x0  }
0x1fa: {  	[sflag:s17] =	ssyncadd.s32 $0xFFFFF800  }
0x1fb: {  	_ =	swait.ge [sflag:s17], $0x800  }
0x1fc: {  	[sflag:s17] =	ssyncset.done $0x0  }
0x1fd: {  	[sflag:s17] =	ssyncadd.s32 $0xFFFFF800  }
0x1fe: {  	_ =	swait.ge [sflag:s17], $0x800  }
0x1ff: {  	[sflag:s17] =	ssyncset.done $0x0  }
0x200: {  	[sflag:s17] =	ssyncadd.s32 $0xFFFFF800  }
0x201: {  	_ =	swait.ge [sflag:s17], $0x800  }
0x202: {  	[sflag:s17] =	ssyncset.done $0x0  }
0x203: {  	[sflag:s17] =	ssyncadd.s32 $0xFFFFF800  }
0x204: {  	_ =	swait.ge [sflag:s17], $0x800  }
0x205: {  	[sflag:s17] =	ssyncset.done $0x0  }
0x206: {  	[sflag:s17] =	ssyncadd.s32 $0xFFFFF800  }
0x207: {  	_ =	swait.ge [sflag:s17], $0x800  }
0x208: {  	[sflag:s17] =	ssyncset.done $0x0  }
0x209: {  	[sflag:s17] =	ssyncadd.s32 $0xFFFFF800  }
0x20a: {  	_ =	swait.ge [sflag:s17], $0x800  }
0x20b: {  	[sflag:s17] =	ssyncset.done $0x0  }
0x20c: {  	[sflag:s17] =	ssyncadd.s32 $0xFFFFF800  }
0x20d: {  	_ =	swait.ge [sflag:s17], $0x800  }
0x20e: {  	[sflag:s17] =	ssyncset.done $0x0  }
0x20f: {  	[sflag:s17] =	ssyncadd.s32 $0xFFFFF800  }
0x210: {  	_ =	swait.ge [sflag:s17], $0x800  }
0x211: {  	[sflag:s17] =	ssyncset.done $0x0  }
0x212: {  	[sflag:s17] =	ssyncadd.s32 $0xFFFFF800  }
0x213: {  	_ =	swait.ge [sflag:s17], $0x800  }
0x214: {  	[sflag:s17] =	ssyncset.done $0x0  }
0x215: {  	[sflag:s17] =	ssyncadd.s32 $0xFFFFF800  }
0x216: {  	_ =	swait.ge [sflag:s17], $0x800  }
0x217: {  	[sflag:s17] =	ssyncset.done $0x0  }
0x218: {  	[sflag:s17] =	ssyncadd.s32 $0xFFFFF800  }
0x219: {  	_ =	swait.ge [sflag:s17], $0x800  }
0x21a: {  	[sflag:s17] =	ssyncset.done $0x0  }
0x21b: {  	[sflag:s17] =	ssyncadd.s32 $0xFFFFF800  }
0x21c: {  	_ =	swait.ge [sflag:s17], $0x800  }
0x21d: {  	[sflag:s17] =	ssyncset.done $0x0  }
0x21e: {  	[sflag:s17] =	ssyncadd.s32 $0xFFFFF800  }
0x21f: {  	_ =	swait.ge [sflag:s17], $0x800  }
0x220: {  	[sflag:s17] =	ssyncset.done $0x0  }
0x221: {  	[sflag:s17] =	ssyncadd.s32 $0xFFFFF800  }
0x222: {  	_ =	swait.ge [sflag:s17], $0x800  }
0x223: {  	[sflag:s17] =	ssyncset.done $0x0  }
0x224: {  	[sflag:s17] =	ssyncadd.s32 $0xFFFFF800  }
0x225: {  	_ =	swait.ge [sflag:s17], $0x800  }
0x226: {  	[sflag:s17] =	ssyncset.done $0x0  }
0x227: {  	[sflag:s17] =	ssyncadd.s32 $0xFFFFF800  }
0x228: {  	_ =	swait.ge [sflag:s17], $0x800  }
0x229: {  	[sflag:s17] =	ssyncset.done $0x0  }
0x22a: {  	[sflag:s17] =	ssyncadd.s32 $0xFFFFF800  }
0x22b: {  	_ =	swait.ge [sflag:s17], $0x800  }
0x22c: {  	[sflag:s17] =	ssyncset.done $0x0  }
0x22d: {  	[sflag:s17] =	ssyncadd.s32 $0xFFFFF800  }
0x22e: {  	_ =	swait.ge [sflag:s17], $0x800  }
0x22f: {  	[sflag:s17] =	ssyncset.done $0x0  }
0x230: {  	[sflag:s17] =	ssyncadd.s32 $0xFFFFF800  }
0x231: {  	_ =	swait.ge [sflag:s17], $0x800  }
0x232: {  	[sflag:s17] =	ssyncset.done $0x0  }
0x233: {  	[sflag:s17] =	ssyncadd.s32 $0xFFFFF800  }
0x234: {  	_ =	swait.ge [sflag:s17], $0x800  }
0x235: {  	[sflag:s17] =	ssyncset.done $0x0  }
0x236: {  	[sflag:s17] =	ssyncadd.s32 $0xFFFFF800  }
0x237: {  	_ =	swait.ge [sflag:s17], $0x800  }
0x238: {  	[sflag:s17] =	ssyncset.done $0x0  }
0x239: {  	[sflag:s17] =	ssyncadd.s32 $0xFFFFF800  }
0x23a: {  	_ =	swait.ge [sflag:s17], $0x800  }
0x23b: {  	[sflag:s17] =	ssyncset.done $0x0  }
0x23c: {  	[sflag:s17] =	ssyncadd.s32 $0xFFFFF800  }
0x23d: {  	_ =	swait.ge [sflag:s17], $0x800  }
0x23e: {  	[sflag:s17] =	ssyncset.done $0x0  }
0x23f: {  	[sflag:s17] =	ssyncadd.s32 $0xFFFFF800  }
0x240: {  	_ =	swait.ge [sflag:s17], $0x800  }
0x241: {  	[sflag:s17] =	ssyncset.done $0x0  }
0x242: {  	[sflag:s17] =	ssyncadd.s32 $0xFFFFF800  }
0x243: {  	_ =	swait.ge [sflag:s17], $0x800  }
0x244: {  	[sflag:s17] =	ssyncset.done $0x0  }
0x245: {  	[sflag:s17] =	ssyncadd.s32 $0xFFFFF800  }
0x246: {  	_ =	swait.ge [sflag:s17], $0x800  }
0x247: {  	[sflag:s17] =	ssyncset.done $0x0  }
0x248: {  	[sflag:s17] =	ssyncadd.s32 $0xFFFFF800  }
0x249: {  	_ =	swait.ge [sflag:s17], $0x800  }
0x24a: {  	[sflag:s17] =	ssyncset.done $0x0  }
0x24b: {  	[sflag:s17] =	ssyncadd.s32 $0xFFFFF800  }
0x24c: {  	_ =	swait.ge [sflag:s17], $0x800  }
0x24d: {  	[sflag:s17] =	ssyncset.done $0x0  }
0x24e: {  	[sflag:s17] =	ssyncadd.s32 $0xFFFFF800  }
0x24f: {  	_ =	swait.ge [sflag:s17], $0x800  }
0x250: {  	[sflag:s17] =	ssyncset.done $0x0  }
0x251: {  	[sflag:s17] =	ssyncadd.s32 $0xFFFFF800  }
0x252: {  	_ =	swait.ge [sflag:s17], $0x800  }
0x253: {  	[sflag:s17] =	ssyncset.done $0x0  }
0x254: {  	[sflag:s17] =	ssyncadd.s32 $0xFFFFF800  }
0x255: {  	_ =	swait.ge [sflag:s17], $0x800  }
0x256: {  	[sflag:s17] =	ssyncset.done $0x0  }
0x257: {  	[sflag:s17] =	ssyncadd.s32 $0xFFFFF800  }
0x258: {  	_ =	swait.ge [sflag:s17], $0x800  }
0x259: {  	[sflag:s17] =	ssyncset.done $0x0  }
0x25a: {  	[sflag:s17] =	ssyncadd.s32 $0xFFFFF800  }
0x25b: {  	_ =	swait.ge [sflag:s17], $0x800  }
0x25c: {  	[sflag:s17] =	ssyncset.done $0x0  }
0x25d: {  	[sflag:s17] =	ssyncadd.s32 $0xFFFFF800  }
0x25e: {  	_ =	swait.ge [sflag:s17], $0x800  }
0x25f: {  	[sflag:s17] =	ssyncset.done $0x0  }
0x260: {  	[sflag:s17] =	ssyncadd.s32 $0xFFFFF800  }
0x261: {  	_ =	swait.ge [sflag:s17], $0x800  }
0x262: {  	[sflag:s17] =	ssyncset.done $0x0  }
0x263: {  	[sflag:s17] =	ssyncadd.s32 $0xFFFFF800  }
0x264: {  	_ =	swait.ge [sflag:s17], $0x800  }
0x265: {  	[sflag:s17] =	ssyncset.done $0x0  }
0x266: {  	[sflag:s17] =	ssyncadd.s32 $0xFFFFF800  }
0x267: {  	_ =	swait.ge [sflag:s17], $0x800  }
0x268: {  	[sflag:s17] =	ssyncset.done $0x0  }
0x269: {  	[sflag:s17] =	ssyncadd.s32 $0xFFFFF800  }
0x26a: {  	_ =	swait.ge [sflag:s17], $0x800  }
0x26b: {  	[sflag:s17] =	ssyncset.done $0x0  }
0x26c: {  	[sflag:s17] =	ssyncadd.s32 $0xFFFFF800  }
0x26d: {  	_ =	swait.ge [sflag:s17], $0x800  }
0x26e: {  	[sflag:s17] =	ssyncset.done $0x0  }
0x26f: {  	[sflag:s17] =	ssyncadd.s32 $0xFFFFF800  }
0x270: {  	_ =	swait.ge [sflag:s17], $0x800  }
0x271: {  	[sflag:s17] =	ssyncset.done $0x0  }
0x272: {  	[sflag:s17] =	ssyncadd.s32 $0xFFFFF800  }
0x273: {  	_ =	swait.ge [sflag:s17], $0x800  }
0x274: {  	[sflag:s17] =	ssyncset.done $0x0  }
0x275: {  	[sflag:s17] =	ssyncadd.s32 $0xFFFFF800  }
0x276: {  	v19 =	vand.u32 $0x7F, v19;
	_ =	swait.ge [sflag:s17], $0x800  }
0x277: {  	v18 =	vand.u32 $0x7F, v18;
	v20 =	vor.u32 v5, v19;
	[sflag:s17] =	ssyncset.done $0x0  }
0x278: {  	v17 =	vand.u32 $0x7F, v16;
	v21 =	vor.u32 v5, v18;
	[sflag:s17] =	ssyncadd.s32 $0xFFFFF800  }
0x279: {  	v22 =	vor.u32 v4, v17;
	_ =	swait.ge [sflag:s17], $0x800  }
0x27a: {  	v23 =	vor.u32 v4, v18;
	[sflag:s17] =	ssyncset.done $0x0  }
0x27b: {  	v24 =	vor.u32 v7, v19;
	[sflag:s17] =	ssyncadd.s32 $0xFFFFF800  }
0x27c: {  	v25 =	vor.u32 v3, v17;
	v20 =	vld.idx.msk [tilespmem:v20+s16+$0x0], $0xffff  }
0x27d: {  	v26 =	vor.u32 v3, v19;
	v21 =	vld.idx.msk [tilespmem:v21+s15+$0x0], $0xffff  }
0x27e: {  	v27 =	vor.u32 v3, v18;
	v22 =	vld.idx.msk [tilespmem:v22+s14+$0x0], $0xffff  }
0x27f: {  	v28 =	vor.u32 v0, v17;
	v23 =	vld.idx.msk [tilespmem:v23+s15+$0x0], $0xffff  }
0x280: {  	v29 =	vor.u32 v2, v17;
	v24 =	vld.idx.msk [tilespmem:v24+s16+$0x0], $0xffff  }
0x281: {  	v30 =	vor.u32 v2, v18;
	v25 =	vld.idx.msk [tilespmem:v25+s14+$0x0], $0xffff  }
0x282: {  	v31 =	vor.u32 v4, v19;
	v26 =	vld.idx.msk [tilespmem:v26+s16+$0x0], $0xffff  }
0x283: {  	v42 =	vor.u32 v1, v17;
	v27 =	vld.idx.msk [tilespmem:v27+s15+$0x0], $0xffff  }
0x284: {  	v43 =	vor.u32 v2, v19;
	v28 =	vld.idx.msk [tilespmem:v28+s14+$0x0], $0xffff  }
0x285: {  	v44 =	vor.u32 v1, v19;
	v29 =	vld.idx.msk [tilespmem:v29+s14+$0x0], $0xffff  }
0x286: {  	v45 =	vor.u32 v1, v18;
	v30 =	vld.idx.msk [tilespmem:v30+s15+$0x0], $0xffff  }
0x287: {  	v36 =	vor.u32 v0, v18;
	v31 =	vld.idx.msk [tilespmem:v31+s16+$0x0], $0xffff  }
0x288: {  	v37 =	vor.u32 v0, v19;
	v32 =	vld.idx.msk [tilespmem:v42+s14+$0x0], $0xffff  }
0x289: {  	v39 =	vor.u32 v6, v19;
	v33 =	vld.idx.msk [tilespmem:v43+s16+$0x0], $0xffff  }
0x28a: {  	v41 =	vor.u32 v5, v17;
	v34 =	vld.idx.msk [tilespmem:v44+s16+$0x0], $0xffff  }
0x28b: {  	v47 =	vor.u32 v8, v18;
	v35 =	vld.idx.msk [tilespmem:v45+s15+$0x0], $0xffff  }
0x28c: {  	v48 =	vor.u32 v8, v19;
	v36 =	vld.idx.msk [tilespmem:v36+s15+$0x0], $0xffff  }
0x28d: {  	v38 =	vor.u32 v6, v18;
	v37 =	vld.idx.msk [tilespmem:v37+s16+$0x0], $0xffff  }
0x28e: {  	v57 =	vor.u32 v11, v19;
	v46 =	vld.idx.msk [tilespmem:v39+s16+$0x0], $0xffff  }
0x28f: {  	v40 =	vor.u32 v6, v17;
	v49 =	vld.idx.msk [tilespmem:v41+s14+$0x0], $0xffff  }
0x290: {  	v50 =	vor.u32 v9, v19;
	v51 =	vld.idx.msk [tilespmem:v47+s15+$0x0], $0xffff;
	v26 =	vsub.f32 v27, v26;
	v30 =	vsub.f32 v30, v33  }
0x291: {  	v53 =	vld.idx.msk [tilespmem:v48+s16+$0x0], $0xffff;
	v27 =	vor.u32 v7, v18;
	v23 =	vsub.f32 v23, v31  }
0x292: {  	v25 =	vmul.f32 v26, v25;
	v26 =	vld.idx.msk [tilespmem:v38+s15+$0x0], $0xffff;
	v29 =	vmul.f32 v30, v29;
	v30 =	vor.u32 v8, v17  }
0x293: {  	v61 =	vld.idx.msk [tilespmem:v57+s16+$0x0], $0xffff;
	v31 =	vor.u32 v7, v17;
	v34 =	vsub.f32 v35, v34;
	v36 =	vsub.f32 v36, v37  }
0x294: {  	v20 =	vsub.f32 v21, v20;
	v21 =	vor.u32 v9, v18;
	v22 =	vmul.f32 v23, v22;
	v23 =	vld.idx.msk [tilespmem:v40+s14+$0x0], $0xffff  }
0x295: {  	v54 =	vor.u32 v10, v18;
	v32 =	vmul.f32 v34, v32;
	v28 =	vmul.f32 v36, v28;
	v34 =	vld.idx.msk [tilespmem:v50+s16+$0x0], $0xffff  }
0x296: {  	v52 =	vor.u32 v9, v17;
	v27 =	vld.idx.msk [tilespmem:v27+s15+$0x0], $0xffff  }
0x297: {  	v28 =	vadd.f32 $0.0e+00, v28;
	v26 =	vsub.f32 v26, v46;
	v55 =	vld.idx.msk [tilespmem:v30+s14+$0x0], $0xffff;
	v30 =	vor.u32 v10, v19  }
0x298: {  	v56 =	vor.u32 v11, v18;
	v35 =	vmul.f32 v20, v49;
	v31 =	vld.idx.msk [tilespmem:v31+s14+$0x0], $0xffff  }
0x299: {  	v21 =	vld.idx.msk [tilespmem:v21+s15+$0x0], $0xffff;
	v20 =	vadd.f32 v32, v28;
	v26 =	vmul.f32 v26, v23;
	v23 =	vor.u32 v11, v17  }
0x29a: {  	v58 =	vor.u32 v12, v18;
	v36 =	vld.idx.msk [tilespmem:v54+s15+$0x0], $0xffff  }
0x29b: {  	v28 =	vld.idx.msk [tilespmem:v52+s14+$0x0], $0xffff;
	v29 =	vadd.f32 v29, v20;
	v24 =	vsub.f32 v27, v24;
	v27 =	vor.u32 v10, v17  }
0x29c: {  	v60 =	vor.u32 v12, v17;
	v30 =	vld.idx.msk [tilespmem:v30+s16+$0x0], $0xffff  }
0x29d: {  	v59 =	vmul.f32 v24, v31;
	v31 =	vor.u32 v12, v19;
	v24 =	vadd.f32 v25, v29;
	v29 =	vld.idx.msk [tilespmem:v56+s15+$0x0], $0xffff  }
0x29e: {  	v63 =	vor.u32 v13, v17;
	v25 =	vsub.f32 v21, v34;
	v21 =	vld.idx.msk [tilespmem:v23+s14+$0x0], $0xffff  }
0x29f: {  	v62 =	vor.u32 v13, v18;
	v22 =	vadd.f32 v22, v24;
	v23 =	vld.idx.msk [tilespmem:v58+s15+$0x0], $0xffff  }
0x2a0: {  	p0 =	sne.s32 s21, $0x7C0;
	v42 =	vor.u32 v13, v19;
	v20 =	vld.idx.msk [tilespmem:v27+s14+$0x0], $0xffff  }
.Ltmp0:
0x2a1: {  	v33 =	vsub.f32 v51, v53;
	v24 =	vmul.f32 v25, v28;
	v28 =	vadd.f32 v35, v22;
	v22 =	vld.idx.msk [tilespmem:v60+s14+$0x0], $0xffff;
	(pc) =	sbr.rel @p0 .LBB2_2-.Ltmp0, $4  }
0x2a2: {  	v16 =	vor.u32 v15, v17;
	v32 =	vor.u32 v14, v18;
	v25 =	vld.idx.msk [tilespmem:v31+s16+$0x0], $0xffff  }
0x2a3: {  	v34 =	vmul.f32 v33, v55;
	v31 =	vor.u32 v14, v17;
	v17 =	vld.idx.msk [tilespmem:v63+s14+$0x0], $0xffff;
	v35 =	vadd.f32 v26, v28  }
0x2a4: {  	v33 =	vor.u32 v15, v18;
	v18 =	vor.u32 v15, v19;
	v27 =	vsub.f32 v36, v30;
	v26 =	vld.idx.msk [tilespmem:v62+s15+$0x0], $0xffff  }
0x2a5: {  	s21 =	sadd.s32 $0x40, s21;
	v30 =	vor.u32 v14, v19;
	v29 =	vsub.f32 v29, v61;
	v28 =	vld.idx.msk [tilespmem:v42+s16+$0x0], $0xffff;
	v35 =	vadd.f32 v59, v35  }
0x2a6: {  	_ =	sdelay $0x2  }
0x2a7: {  	v19 =	vadd.f32 v34, v35  }
0x2a8: {  	v32 =	vld.idx.msk [tilespmem:v32+s15+$0x0], $0xffff  }
0x2a9: {  	v30 =	vld.idx.msk [tilespmem:v30+s16+$0x0], $0xffff;
	v20 =	vmul.f32 v27, v20;
	v19 =	vadd.f32 v24, v19  }
0x2aa: {  	v59 =	vld.idx.msk [tilespmem:v31+s14+$0x0], $0xffff  }
0x2ab: {  	v60 =	vld.idx.msk [tilespmem:v33+s15+$0x0], $0xffff;
	v23 =	vsub.f32 v23, v25;
	v21 =	vmul.f32 v29, v21;
	v19 =	vadd.f32 v20, v19  }
0x2ac: {  	v18 =	vld.idx.msk [tilespmem:v18+s16+$0x0], $0xffff  }
0x2ad: {  	v22 =	vmul.f32 v23, v22;
	v61 =	vsub.f32 v26, v28;
	v19 =	vadd.f32 v21, v19  }
0x2ae: {  	v16 =	vld.idx.msk [tilespmem:v16+s14+$0x0], $0xffff  }
0x2af: {  	v62 =	vsub.f32 v32, v30;
	v17 =	vmul.f32 v61, v17;
	v19 =	vadd.f32 v22, v19;
	_ =	sdelay $0x1  }
0x2b0: {  	v18 =	vsub.f32 v60, v18;
	v63 =	vmul.f32 v62, v59;
	v17 =	vadd.f32 v17, v19;
	_ =	sdelay $0x1  }
0x2b1: {  	v16 =	vmul.f32 v18, v16;
	v17 =	vadd.f32 v63, v17;
	_ =	sdelay $0x1  }
0x2b2: {  	s19 =	sadd.s32 $0x1, s19;
	v16 =	vadd.f32 v16, v17  }
0x2b3: {  	p0 =	sne.s32 s19, s8  }
.Ltmp1:
0x2b4: {  	[tilespmem:s20+$0x18600] =	vst v16;
	(pc) =	sbr.rel @p0 .LBB2_1-.Ltmp1, $4  }
0x2b5: {  	[hbm4b:s7+s9] =	stream.strided.scatter [tilespmem:s18], [sflag:$0x2], $0x200, s10, s9, $0x38;
	[tilespmem:$0x18800] =	vst v63  }
0x2b6: {  	_ =	swait.ge [sflag:s11], $0x200  }
0x2b7: {  	[sflag:s11] =	ssyncset.done $0x0  }
0x2b8: {  	[sflag:s11] =	ssyncadd.s32 $0xFFFFFE00  }
0x2b9: {  	_ =	sfence.sel $0x180000  }
0x2ba: {  	[bflag:$0x0] =	sbarrier.arrive $0xFFFF  }
0x2bb: {  	p0 =	sne.s32 s3, $0x0;
	_ =	strace $0x90000047  }
0x2bc: {  	s0 =	sadd.s32 @!p0 $0x100000, s0;
	[bflag:$0x2] =	sbarrier.arrive $0xFFFF  }
0x2bd: {  	[sflag:s0] =	ssyncadd.tile.s32 @!p0 $0x1;
	_ =	shalt  }
.Lfunc_end2:
_tile_overlayer_lowered:
.L_overlay_start_2:
0x2be: {  	(tag) =	ssettag $0x2  }
0x2bf: {  	s0 =	rddreg [dreg:$0x0];
	s2 =	stileid.u32  }
0x2c0: {  	s1 =	rddreg [dreg:$0x1];
	p0 =	sne.s32 s2, $0x0  }
0x2c1: {  	s3 =	rddreg [dreg:$0x2];
	[bflag:$0x3] =	sbarrier.arrive $0xFFFF;
	s2 =	simm.s32 @!p0 $0x1C02  }
0x2c2: {  	[timem:s3], [sflag:s2] =	dma.local @!p0 [hbm:s0], s1  }
0x2c3: {  	s0 =	simm.s32 @!p0 $0x2  }
0x2c4: {  	_ =	swait.ge @!p0 [sflag:s0], s1  }
0x2c5: {  	s1 =	ssub.s32 @!p0 $0x0, s1;
	[sflag:s0] =	ssyncset.done @!p0 $0x0  }
0x2c6: {  	[sflag:s0] =	ssyncadd.s32 @!p0 s1  }
0x2c7: {  	[bflag:$0x3] =	sbarrier.arrive $0xFFFF  }
0x2c8: {  	_ =	shalt  }

</sc_bundles>
